<compile_context>
chip_gen: v7x
topology: tpu7x:2x2x1
jax: 0.10.2.dev20260603
libtpu: 0.0.44.dev20260713+nightly
codegen_flags: <defaults>
</compile_context>

<pallas_src>
import functools

import jax
import jax.numpy as jnp
from jax import lax
from jax.experimental import pallas as pl
from jax.experimental.pallas import tpu as pltpu
from jax.experimental.pallas import tpu_sc as plsc

NC = 2
NS = 16
NW = NC * NS
LANES = 16
EMB = 64
BN = 32768


def _dnq_body(admw_ref, itemt_ref, ehr_ref, w1_ref, tbl_ref, d_ref, n_ref,
              q_s, *, n_adm):
    @pl.when(pl.program_id(0) == 0)
    def _():
        admw = admw_ref[...].reshape(64, 1)
        ehr = ehr_ref[...]
        itemt = itemt_ref[...]
        w1 = w1_ref[...]
        v = ehr.shape[0]
        iota = lax.broadcasted_iota(jnp.int32, (admw.shape[0], v), 1)
        onehot = jnp.where(admw == iota, 1.0 / n_adm, 0.0)
        u = jnp.sum(onehot, axis=0, keepdims=True)
        y = lax.dot_general(itemt, w1, (((0,), (0,)), ((), ())),
                            preferred_element_type=jnp.float32)
        deg = jnp.sum(ehr, axis=1, keepdims=True) + 1.0
        z = jnp.dot(ehr, y, preferred_element_type=jnp.float32) + y
        node = jnp.maximum(z / jnp.maximum(deg, 1.0), 0.0)
        q_s[...] = jnp.dot(u, node, preferred_element_type=jnp.float32)

    blk = tbl_ref[...]
    qv = q_s[...]
    d = jnp.dot(qv, blk, preferred_element_type=jnp.float32)
    ones = jnp.ones((1, EMB), jnp.float32)
    n = jnp.dot(ones, blk * blk, preferred_element_type=jnp.float32)
    d_ref[...] = d.reshape(BN // 128, 128)
    n_ref[...] = n.reshape(BN // 128, 128)


def _inv_norm_scale(acc_n):
    i = plsc.bitcast(acc_n, jnp.int32)
    i = jnp.int32(0x5F3759DF) - lax.shift_right_logical(i, 1)
    y = plsc.bitcast(i, jnp.float32)
    for _ in range(3):
        y = y * (1.5 - 0.5 * acc_n * y * y)
    return jnp.minimum(1.0, y)


CH = 128


def _make_sc_kernel(b_total, drows):
    bpw = b_total // NW
    nch = bpw // CH
    mesh = plsc.VectorSubcoreMesh(core_axis_name="c", subcore_axis_name="s")

    @functools.partial(
        pl.kernel,
        out_type=jax.ShapeDtypeStruct((b_total,), jnp.float32),
        mesh=mesh,
        compiler_params=pltpu.CompilerParams(needs_layout_passes=False),
        scratch_types=[
            pltpu.VMEM((bpw // 128, 128), jnp.int32),
            pltpu.VMEM((nch, CH), jnp.int32),
            pltpu.VMEM((CH, 128), jnp.float32),
            pltpu.VMEM((CH, 128), jnp.float32),
            pltpu.VMEM((CH, 128), jnp.float32),
            pltpu.VMEM((CH, 128), jnp.float32),
            pltpu.VMEM((bpw,), jnp.float32),
            pltpu.SemaphoreType.DMA,
            pltpu.SemaphoreType.DMA,
        ],
    )
    def sc_kernel(uid_hbm, d_hbm, n_hbm, out_hbm,
                  uid_v, tix_v, dbuf0, dbuf1, nbuf0, nbuf1, out_v, sem0, sem1):
        wid = lax.axis_index("s") * NC + lax.axis_index("c")
        pltpu.sync_copy(uid_hbm.at[wid], uid_v)
        dbufs = (dbuf0, dbuf1)
        nbufs = (nbuf0, nbuf1)
        sems = (sem0, sem1)

        def load_u(k, j):
            col = k * CH + j * LANES
            return uid_v[col // 128, pl.ds(col % 128, LANES)]

        for k in range(nch):
            for j in range(CH // LANES):
                tix_v[k, pl.ds(j * LANES, LANES)] = lax.shift_right_logical(
                    load_u(k, j), 7)

        def fire(k, b):
            return (pltpu.async_copy(d_hbm.at[tix_v.at[k]], dbufs[b], sems[b]),
                    pltpu.async_copy(n_hbm.at[tix_v.at[k]], nbufs[b], sems[b]))

        def compute(k, b):
            rid = lax.iota(jnp.int32, LANES)
            for j in range(CH // LANES):
                c = lax.bitwise_and(load_u(k, j), jnp.int32(127))
                vd = plsc.load_gather(dbufs[b], [j * LANES + rid, c])
                vn = plsc.load_gather(nbufs[b], [j * LANES + rid, c])
                out_v[pl.ds(k * CH + j * LANES, LANES)] = (
                    vd * _inv_norm_scale(vn))

        descs = [fire(0, 0), None]
        for k in range(nch):
            b = k % 2
            if k + 1 < nch:
                descs[1 - b] = fire(k + 1, 1 - b)
            for dsc in descs[b]:
                dsc.wait()
            compute(k, b)
        pltpu.sync_copy(out_v, out_hbm.at[pl.ds(wid * bpw, bpw)])

    return sc_kernel


def kernel(user_id, adm, user_table, item_table, ehr_adj, W1):
    b = user_id.shape[0]
    n_adm = adm.shape[0]
    v_users = user_table.shape[0]
    admw = jnp.pad(adm.astype(jnp.int32), (0, 64 - n_adm),
                   constant_values=-1).reshape(1, 64)
    tablet = user_table.T
    steps = (v_users + BN - 1) // BN
    drows = steps * (BN // 128)
    vocab = ehr_adj.shape[0]
    d2, n2 = pl.pallas_call(
        functools.partial(_dnq_body, n_adm=n_adm),
        grid=(steps,),
        in_specs=[
            pl.BlockSpec((1, 64), lambda i: (0, 0)),
            pl.BlockSpec((EMB, vocab), lambda i: (0, 0)),
            pl.BlockSpec((vocab, vocab), lambda i: (0, 0)),
            pl.BlockSpec((EMB, EMB), lambda i: (0, 0)),
            pl.BlockSpec((EMB, BN), lambda i: (0, i)),
        ],
        out_specs=[
            pl.BlockSpec((BN // 128, 128), lambda i: (i, 0)),
            pl.BlockSpec((BN // 128, 128), lambda i: (i, 0)),
        ],
        out_shape=[
            jax.ShapeDtypeStruct((drows, 128), jnp.float32),
            jax.ShapeDtypeStruct((drows, 128), jnp.float32),
        ],
        scratch_shapes=[pltpu.VMEM((1, EMB), jnp.float32)],
    )(admw, item_table.T, ehr_adj, W1, tablet)

    uid3 = user_id.astype(jnp.int32).reshape(NW, -1, 128)
    out = _make_sc_kernel(b, drows)(uid3, d2, n2)
    return out.reshape(b, 1)

# --- scband reference (transcript-rebuilt; emitter-appended) ---
"""Pipeline reference for scband-user-model-13649406067425 (READ-ONLY COPY).

The authoritative reference and input builder live on the scoring server;
editing this copy changes nothing except your own understanding.
"""

import jax, jax.numpy as jnp
import numpy as np

LEN_USERS = 1000000
EMB_DIM = 64
VOCAB = 1000
B = 16384
L = 50


def setup_inputs(seed: int = 0) -> dict:
    key = jax.random.key(seed)
    ks = jax.random.split(key, 6)
    user_id = jax.random.randint(ks[0], (B,), 0, LEN_USERS)
    adm = jax.random.randint(ks[1], (L,), 0, VOCAB)
    user_table = jax.random.normal(ks[2], (LEN_USERS, EMB_DIM), jnp.float32) * 0.02
    item_table = jax.random.normal(ks[3], (VOCAB, EMB_DIM), jnp.float32) * 0.02
    ehr_adj = (jax.random.uniform(ks[4], (VOCAB, VOCAB)) < 0.01).astype(jnp.float32)
    W1 = jax.random.normal(ks[5], (EMB_DIM, EMB_DIM), jnp.float32) * 0.05
    return {"user_id": user_id, "adm": adm, "user_table": user_table,
            "item_table": item_table, "ehr_adj": ehr_adj, "W1": W1}


def reference(user_id, adm, user_table, item_table, ehr_adj, W1):
    # nn.Embedding(len_users, emb_dim, max_norm=1): gather then renorm rows with norm > 1
    ue = jnp.take(user_table, user_id, axis=0)
    norms = jnp.linalg.norm(ue, axis=-1, keepdims=True)
    ue = ue * jnp.minimum(1.0, 1.0 / jnp.maximum(norms, 1e-7))
    # game_net (GAMENet-style GCN over ehr_adj) producing a query vector from adm
    A = ehr_adj + jnp.eye(ehr_adj.shape[0], dtype=ehr_adj.dtype)
    deg = jnp.sum(A, axis=1, keepdims=True)
    Anorm = A / jnp.maximum(deg, 1.0)
    node = jax.nn.relu(Anorm @ (item_table @ W1))
    q = jnp.mean(jnp.take(node, adm, axis=0), axis=0, keepdims=True)  # [1, emb_dim]
    # torch.matmul(user_embeddings, game_net_result.T)
    return ue @ q.T  # [B, 1]

if __name__ == "__main__":
    import jax
    _d = setup_inputs()
    print(jax.jit(kernel)(*tuple(_d.values())))

</pallas_src>

<mosaic_0001>
#map = affine_map<(d0, d1) -> (0, 0, 0)>
#map1 = affine_map<(d0, d1) -> (0, 0)>
#map2 = affine_map<(d0, d1) -> (0)>
module attributes {stable_mosaic.version = 14 : i64} {
  func.func @sc_kernel(%arg0: i32, %arg1: i32, %arg2: memref<32x4x128xi32, #tpu.memory_space<hbm>>, %arg3: memref<7936x128xf32, #tpu.memory_space<hbm>>, %arg4: memref<7936x128xf32, #tpu.memory_space<hbm>>, %arg5: memref<16384xf32, #tpu.memory_space<hbm>>, %arg6: memref<4x128xi32, #tpu.memory_space<vmem>>, %arg7: memref<4x128xi32, #tpu.memory_space<vmem>>, %arg8: memref<128x128xf32, #tpu.memory_space<vmem>>, %arg9: memref<128x128xf32, #tpu.memory_space<vmem>>, %arg10: memref<128x128xf32, #tpu.memory_space<vmem>>, %arg11: memref<128x128xf32, #tpu.memory_space<vmem>>, %arg12: memref<512xf32, #tpu.memory_space<vmem>>, %arg13: memref<!tpu.dma_semaphore, #tpu.memory_space<semaphore_mem>>, %arg14: memref<!tpu.dma_semaphore, #tpu.memory_space<semaphore_mem>>) attributes {dimension_semantics = [#tpu.dimension_semantics<core_parallel>, #tpu.dimension_semantics<subcore_parallel>], iteration_bounds = array<i64: 2, 16>, scalar_prefetch = 0 : i64, scratch_operands = 9 : i64, tpu.core_type = #tpu.core_type<sc_vector_subcore>, window_params = [{transform_indices = #map}, {transform_indices = #map1}, {transform_indices = #map1}, {transform_indices = #map2}]} {
    %mul3A = arith.constant 2 : i32
    %mul3A_0 = arith.muli %arg1, %mul3A : i32
    %add3A = arith.addi %mul3A_0, %arg0 : i32
    "tpu.region"() ({
      %run_scoped3A = tpu.sem_alloc : memref<!tpu.dma_semaphore, #tpu.memory_space<semaphore_mem>>
      %dma_start3A_2252 = arith.constant 0 : i32
      %dma_start3A_2253 = arith.constant 0 : i32
      %dma_start3A_2254 = tpu.memref_slice %arg2[%add3A, %dma_start3A_2252, %dma_start3A_2253] : memref<32x4x128xi32, #tpu.memory_space<hbm>> -> memref<1x4x128xi32, #tpu.memory_space<hbm>>
      %dma_start3A_2255 = tpu.memref_squeeze %dma_start3A_2254 : memref<1x4x128xi32, #tpu.memory_space<hbm>> -> memref<4x128xi32, #tpu.memory_space<hbm>>
      %dma_start3A_2256 = arith.constant 0 : i32
      %dma_start3A_2257 = arith.constant 0 : i32
      %dma_start3A_2258 = tpu.memref_slice %arg2[%add3A, %dma_start3A_2256, %dma_start3A_2257] : memref<32x4x128xi32, #tpu.memory_space<hbm>> -> memref<1x4x128xi32, #tpu.memory_space<hbm>>
      %dma_start3A_2259 = tpu.memref_squeeze %dma_start3A_2258 : memref<1x4x128xi32, #tpu.memory_space<hbm>> -> memref<4x128xi32, #tpu.memory_space<hbm>>
      tpu.enqueue_dma source(%dma_start3A_2259 : memref<4x128xi32, #tpu.memory_space<hbm>>) target(%arg6 : memref<4x128xi32, #tpu.memory_space<vmem>>) target_semaphore(%run_scoped3A : memref<!tpu.dma_semaphore, #tpu.memory_space<semaphore_mem>>)
      %dma_wait3A_2260 = arith.constant 0 : i32
      %dma_wait3A_2261 = arith.constant 0 : i32
      %dma_wait3A_2262 = tpu.memref_slice %arg2[%add3A, %dma_wait3A_2260, %dma_wait3A_2261] : memref<32x4x128xi32, #tpu.memory_space<hbm>> -> memref<1x4x128xi32, #tpu.memory_space<hbm>>
      %dma_wait3A_2263 = tpu.memref_squeeze %dma_wait3A_2262 : memref<1x4x128xi32, #tpu.memory_space<hbm>> -> memref<4x128xi32, #tpu.memory_space<hbm>>
      %dma_wait3A_2264 = arith.constant 0 : i32
      %dma_wait3A_2265 = arith.constant 0 : i32
      %dma_wait3A_2266 = tpu.memref_slice %arg2[%add3A, %dma_wait3A_2264, %dma_wait3A_2265] : memref<32x4x128xi32, #tpu.memory_space<hbm>> -> memref<1x4x128xi32, #tpu.memory_space<hbm>>
      %dma_wait3A_2267 = tpu.memref_squeeze %dma_wait3A_2266 : memref<1x4x128xi32, #tpu.memory_space<hbm>> -> memref<4x128xi32, #tpu.memory_space<hbm>>
      tpu.wait_dma2 semaphore(%run_scoped3A : memref<!tpu.dma_semaphore, #tpu.memory_space<semaphore_mem>>) src(%dma_wait3A_2267 : memref<4x128xi32, #tpu.memory_space<hbm>>) dst(%arg6 : memref<4x128xi32, #tpu.memory_space<vmem>>)
      tpu.yield
    }) : () -> ()
    %get3A = arith.constant 0 : i32
    %get3A_1 = arith.index_cast %get3A : i32 to index
    %get3A_2 = arith.constant 0 : index
    %get3A_3 = tpu.vector_load %arg6[%get3A_1, %get3A_2] {strides = array<i32>} : memref<4x128xi32, #tpu.memory_space<vmem>>, vector<16xi32>,
    %shift_right_logical3A = arith.constant 7 : i32
    %shift_right_logical3A_4 = vector.broadcast %shift_right_logical3A : i32 to vector<16xi32>
    %shift_right_logical3A_5 = arith.shrui %get3A_3, %shift_right_logical3A_4 : vector<16xi32>
    %swap3A = arith.constant 0 : i32
    %swap3A_6 = arith.index_cast %swap3A : i32 to index
    %swap3A_7 = arith.constant 0 : index
    %swap3A_8 = tpu.vector_load %arg7[%swap3A_6, %swap3A_7] {strides = array<i32>} : memref<4x128xi32, #tpu.memory_space<vmem>>, vector<16xi32>,
    tpu.vector_store %arg7[%swap3A_6, %swap3A_7], %shift_right_logical3A_5 {strides = array<i32>} : memref<4x128xi32, #tpu.memory_space<vmem>>, vector<16xi32>,
    %get3A_9 = arith.constant 0 : i32
    %get3A_10 = arith.index_cast %get3A_9 : i32 to index
    %get3A_11 = arith.constant 16 : index
    %get3A_12 = tpu.vector_load %arg6[%get3A_10, %get3A_11] {strides = array<i32>} : memref<4x128xi32, #tpu.memory_space<vmem>>, vector<16xi32>,
    %shift_right_logical3A_13 = arith.constant 7 : i32
    %shift_right_logical3A_14 = vector.broadcast %shift_right_logical3A_13 : i32 to vector<16xi32>
    %shift_right_logical3A_15 = arith.shrui %get3A_12, %shift_right_logical3A_14 : vector<16xi32>
    %swap3A_16 = arith.constant 0 : i32
    %swap3A_17 = arith.index_cast %swap3A_16 : i32 to index
    %swap3A_18 = arith.constant 16 : index
    %swap3A_19 = tpu.vector_load %arg7[%swap3A_17, %swap3A_18] {strides = array<i32>} : memref<4x128xi32, #tpu.memory_space<vmem>>, vector<16xi32>,
    tpu.vector_store %arg7[%swap3A_17, %swap3A_18], %shift_right_logical3A_15 {strides = array<i32>} : memref<4x128xi32, #tpu.memory_space<vmem>>, vector<16xi32>,
    %get3A_20 = arith.constant 0 : i32
    %get3A_21 = arith.index_cast %get3A_20 : i32 to index
    %get3A_22 = arith.constant 32 : index
    %get3A_23 = tpu.vector_load %arg6[%get3A_21, %get3A_22] {strides = array<i32>} : memref<4x128xi32, #tpu.memory_space<vmem>>, vector<16xi32>,
    %shift_right_logical3A_24 = arith.constant 7 : i32
    %shift_right_logical3A_25 = vector.broadcast %shift_right_logical3A_24 : i32 to vector<16xi32>
    %shift_right_logical3A_26 = arith.shrui %get3A_23, %shift_right_logical3A_25 : vector<16xi32>
    %swap3A_27 = arith.constant 0 : i32
    %swap3A_28 = arith.index_cast %swap3A_27 : i32 to index
    %swap3A_29 = arith.constant 32 : index
    %swap3A_30 = tpu.vector_load %arg7[%swap3A_28, %swap3A_29] {strides = array<i32>} : memref<4x128xi32, #tpu.memory_space<vmem>>, vector<16xi32>,
    tpu.vector_store %arg7[%swap3A_28, %swap3A_29], %shift_right_logical3A_26 {strides = array<i32>} : memref<4x128xi32, #tpu.memory_space<vmem>>, vector<16xi32>,
    %get3A_31 = arith.constant 0 : i32
    %get3A_32 = arith.index_cast %get3A_31 : i32 to index
    %get3A_33 = arith.constant 48 : index
    %get3A_34 = tpu.vector_load %arg6[%get3A_32, %get3A_33] {strides = array<i32>} : memref<4x128xi32, #tpu.memory_space<vmem>>, vector<16xi32>,
    %shift_right_logical3A_35 = arith.constant 7 : i32
    %shift_right_logical3A_36 = vector.broadcast %shift_right_logical3A_35 : i32 to vector<16xi32>
    %shift_right_logical3A_37 = arith.shrui %get3A_34, %shift_right_logical3A_36 : vector<16xi32>
    %swap3A_38 = arith.constant 0 : i32
    %swap3A_39 = arith.index_cast %swap3A_38 : i32 to index
    %swap3A_40 = arith.constant 48 : index
    %swap3A_41 = tpu.vector_load %arg7[%swap3A_39, %swap3A_40] {strides = array<i32>} : memref<4x128xi32, #tpu.memory_space<vmem>>, vector<16xi32>,
    tpu.vector_store %arg7[%swap3A_39, %swap3A_40], %shift_right_logical3A_37 {strides = array<i32>} : memref<4x128xi32, #tpu.memory_space<vmem>>, vector<16xi32>,
    %get3A_42 = arith.constant 0 : i32
    %get3A_43 = arith.index_cast %get3A_42 : i32 to index
    %get3A_44 = arith.constant 64 : index
    %get3A_45 = tpu.vector_load %arg6[%get3A_43, %get3A_44] {strides = array<i32>} : memref<4x128xi32, #tpu.memory_space<vmem>>, vector<16xi32>,
    %shift_right_logical3A_46 = arith.constant 7 : i32
    %shift_right_logical3A_47 = vector.broadcast %shift_right_logical3A_46 : i32 to vector<16xi32>
    %shift_right_logical3A_48 = arith.shrui %get3A_45, %shift_right_logical3A_47 : vector<16xi32>
    %swap3A_49 = arith.constant 0 : i32
    %swap3A_50 = arith.index_cast %swap3A_49 : i32 to index
    %swap3A_51 = arith.constant 64 : index
    %swap3A_52 = tpu.vector_load %arg7[%swap3A_50, %swap3A_51] {strides = array<i32>} : memref<4x128xi32, #tpu.memory_space<vmem>>, vector<16xi32>,
    tpu.vector_store %arg7[%swap3A_50, %swap3A_51], %shift_right_logical3A_48 {strides = array<i32>} : memref<4x128xi32, #tpu.memory_space<vmem>>, vector<16xi32>,
    %get3A_53 = arith.constant 0 : i32
    %get3A_54 = arith.index_cast %get3A_53 : i32 to index
    %get3A_55 = arith.constant 80 : index
    %get3A_56 = tpu.vector_load %arg6[%get3A_54, %get3A_55] {strides = array<i32>} : memref<4x128xi32, #tpu.memory_space<vmem>>, vector<16xi32>,
    %shift_right_logical3A_57 = arith.constant 7 : i32
    %shift_right_logical3A_58 = vector.broadcast %shift_right_logical3A_57 : i32 to vector<16xi32>
    %shift_right_logical3A_59 = arith.shrui %get3A_56, %shift_right_logical3A_58 : vector<16xi32>
    %swap3A_60 = arith.constant 0 : i32
    %swap3A_61 = arith.index_cast %swap3A_60 : i32 to index
    %swap3A_62 = arith.constant 80 : index
    %swap3A_63 = tpu.vector_load %arg7[%swap3A_61, %swap3A_62] {strides = array<i32>} : memref<4x128xi32, #tpu.memory_space<vmem>>, vector<16xi32>,
    tpu.vector_store %arg7[%swap3A_61, %swap3A_62], %shift_right_logical3A_59 {strides = array<i32>} : memref<4x128xi32, #tpu.memory_space<vmem>>, vector<16xi32>,
    %get3A_64 = arith.constant 0 : i32
    %get3A_65 = arith.index_cast %get3A_64 : i32 to index
    %get3A_66 = arith.constant 96 : index
    %get3A_67 = tpu.vector_load %arg6[%get3A_65, %get3A_66] {strides = array<i32>} : memref<4x128xi32, #tpu.memory_space<vmem>>, vector<16xi32>,
    %shift_right_logical3A_68 = arith.constant 7 : i32
    %shift_right_logical3A_69 = vector.broadcast %shift_right_logical3A_68 : i32 to vector<16xi32>
    %shift_right_logical3A_70 = arith.shrui %get3A_67, %shift_right_logical3A_69 : vector<16xi32>
    %swap3A_71 = arith.constant 0 : i32
    %swap3A_72 = arith.index_cast %swap3A_71 : i32 to index
    %swap3A_73 = arith.constant 96 : index
    %swap3A_74 = tpu.vector_load %arg7[%swap3A_72, %swap3A_73] {strides = array<i32>} : memref<4x128xi32, #tpu.memory_space<vmem>>, vector<16xi32>,
    tpu.vector_store %arg7[%swap3A_72, %swap3A_73], %shift_right_logical3A_70 {strides = array<i32>} : memref<4x128xi32, #tpu.memory_space<vmem>>, vector<16xi32>,
    %get3A_75 = arith.constant 0 : i32
    %get3A_76 = arith.index_cast %get3A_75 : i32 to index
    %get3A_77 = arith.constant 112 : index
    %get3A_78 = tpu.vector_load %arg6[%get3A_76, %get3A_77] {strides = array<i32>} : memref<4x128xi32, #tpu.memory_space<vmem>>, vector<16xi32>,
    %shift_right_logical3A_79 = arith.constant 7 : i32
    %shift_right_logical3A_80 = vector.broadcast %shift_right_logical3A_79 : i32 to vector<16xi32>
    %shift_right_logical3A_81 = arith.shrui %get3A_78, %shift_right_logical3A_80 : vector<16xi32>
    %swap3A_82 = arith.constant 0 : i32
    %swap3A_83 = arith.index_cast %swap3A_82 : i32 to index
    %swap3A_84 = arith.constant 112 : index
    %swap3A_85 = tpu.vector_load %arg7[%swap3A_83, %swap3A_84] {strides = array<i32>} : memref<4x128xi32, #tpu.memory_space<vmem>>, vector<16xi32>,
    tpu.vector_store %arg7[%swap3A_83, %swap3A_84], %shift_right_logical3A_81 {strides = array<i32>} : memref<4x128xi32, #tpu.memory_space<vmem>>, vector<16xi32>,
    %get3A_86 = arith.constant 1 : i32
    %get3A_87 = arith.index_cast %get3A_86 : i32 to index
    %get3A_88 = arith.constant 0 : index
    %get3A_89 = tpu.vector_load %arg6[%get3A_87, %get3A_88] {strides = array<i32>} : memref<4x128xi32, #tpu.memory_space<vmem>>, vector<16xi32>,
    %shift_right_logical3A_90 = arith.constant 7 : i32
    %shift_right_logical3A_91 = vector.broadcast %shift_right_logical3A_90 : i32 to vector<16xi32>
    %shift_right_logical3A_92 = arith.shrui %get3A_89, %shift_right_logical3A_91 : vector<16xi32>
    %swap3A_93 = arith.constant 1 : i32
    %swap3A_94 = arith.index_cast %swap3A_93 : i32 to index
    %swap3A_95 = arith.constant 0 : index
    %swap3A_96 = tpu.vector_load %arg7[%swap3A_94, %swap3A_95] {strides = array<i32>} : memref<4x128xi32, #tpu.memory_space<vmem>>, vector<16xi32>,
    tpu.vector_store %arg7[%swap3A_94, %swap3A_95], %shift_right_logical3A_92 {strides = array<i32>} : memref<4x128xi32, #tpu.memory_space<vmem>>, vector<16xi32>,
    %get3A_97 = arith.constant 1 : i32
    %get3A_98 = arith.index_cast %get3A_97 : i32 to index
    %get3A_99 = arith.constant 16 : index
    %get3A_100 = tpu.vector_load %arg6[%get3A_98, %get3A_99] {strides = array<i32>} : memref<4x128xi32, #tpu.memory_space<vmem>>, vector<16xi32>,
    %shift_right_logical3A_101 = arith.constant 7 : i32
    %shift_right_logical3A_102 = vector.broadcast %shift_right_logical3A_101 : i32 to vector<16xi32>
    %shift_right_logical3A_103 = arith.shrui %get3A_100, %shift_right_logical3A_102 : vector<16xi32>
    %swap3A_104 = arith.constant 1 : i32
    %swap3A_105 = arith.index_cast %swap3A_104 : i32 to index
    %swap3A_106 = arith.constant 16 : index
    %swap3A_107 = tpu.vector_load %arg7[%swap3A_105, %swap3A_106] {strides = array<i32>} : memref<4x128xi32, #tpu.memory_space<vmem>>, vector<16xi32>,
    tpu.vector_store %arg7[%swap3A_105, %swap3A_106], %shift_right_logical3A_103 {strides = array<i32>} : memref<4x128xi32, #tpu.memory_space<vmem>>, vector<16xi32>,
    %get3A_108 = arith.constant 1 : i32
    %get3A_109 = arith.index_cast %get3A_108 : i32 to index
    %get3A_110 = arith.constant 32 : index
    %get3A_111 = tpu.vector_load %arg6[%get3A_109, %get3A_110] {strides = array<i32>} : memref<4x128xi32, #tpu.memory_space<vmem>>, vector<16xi32>,
    %shift_right_logical3A_112 = arith.constant 7 : i32
    %shift_right_logical3A_113 = vector.broadcast %shift_right_logical3A_112 : i32 to vector<16xi32>
    %shift_right_logical3A_114 = arith.shrui %get3A_111, %shift_right_logical3A_113 : vector<16xi32>
    %swap3A_115 = arith.constant 1 : i32
    %swap3A_116 = arith.index_cast %swap3A_115 : i32 to index
    %swap3A_117 = arith.constant 32 : index
    %swap3A_118 = tpu.vector_load %arg7[%swap3A_116, %swap3A_117] {strides = array<i32>} : memref<4x128xi32, #tpu.memory_space<vmem>>, vector<16xi32>,
    tpu.vector_store %arg7[%swap3A_116, %swap3A_117], %shift_right_logical3A_114 {strides = array<i32>} : memref<4x128xi32, #tpu.memory_space<vmem>>, vector<16xi32>,
    %get3A_119 = arith.constant 1 : i32
    %get3A_120 = arith.index_cast %get3A_119 : i32 to index
    %get3A_121 = arith.constant 48 : index
    %get3A_122 = tpu.vector_load %arg6[%get3A_120, %get3A_121] {strides = array<i32>} : memref<4x128xi32, #tpu.memory_space<vmem>>, vector<16xi32>,
    %shift_right_logical3A_123 = arith.constant 7 : i32
    %shift_right_logical3A_124 = vector.broadcast %shift_right_logical3A_123 : i32 to vector<16xi32>
    %shift_right_logical3A_125 = arith.shrui %get3A_122, %shift_right_logical3A_124 : vector<16xi32>
    %swap3A_126 = arith.constant 1 : i32
    %swap3A_127 = arith.index_cast %swap3A_126 : i32 to index
    %swap3A_128 = arith.constant 48 : index
    %swap3A_129 = tpu.vector_load %arg7[%swap3A_127, %swap3A_128] {strides = array<i32>} : memref<4x128xi32, #tpu.memory_space<vmem>>, vector<16xi32>,
    tpu.vector_store %arg7[%swap3A_127, %swap3A_128], %shift_right_logical3A_125 {strides = array<i32>} : memref<4x128xi32, #tpu.memory_space<vmem>>, vector<16xi32>,
    %get3A_130 = arith.constant 1 : i32
    %get3A_131 = arith.index_cast %get3A_130 : i32 to index
    %get3A_132 = arith.constant 64 : index
    %get3A_133 = tpu.vector_load %arg6[%get3A_131, %get3A_132] {strides = array<i32>} : memref<4x128xi32, #tpu.memory_space<vmem>>, vector<16xi32>,
    %shift_right_logical3A_134 = arith.constant 7 : i32
    %shift_right_logical3A_135 = vector.broadcast %shift_right_logical3A_134 : i32 to vector<16xi32>
    %shift_right_logical3A_136 = arith.shrui %get3A_133, %shift_right_logical3A_135 : vector<16xi32>
    %swap3A_137 = arith.constant 1 : i32
    %swap3A_138 = arith.index_cast %swap3A_137 : i32 to index
    %swap3A_139 = arith.constant 64 : index
    %swap3A_140 = tpu.vector_load %arg7[%swap3A_138, %swap3A_139] {strides = array<i32>} : memref<4x128xi32, #tpu.memory_space<vmem>>, vector<16xi32>,
    tpu.vector_store %arg7[%swap3A_138, %swap3A_139], %shift_right_logical3A_136 {strides = array<i32>} : memref<4x128xi32, #tpu.memory_space<vmem>>, vector<16xi32>,
    %get3A_141 = arith.constant 1 : i32
    %get3A_142 = arith.index_cast %get3A_141 : i32 to index
    %get3A_143 = arith.constant 80 : index
    %get3A_144 = tpu.vector_load %arg6[%get3A_142, %get3A_143] {strides = array<i32>} : memref<4x128xi32, #tpu.memory_space<vmem>>, vector<16xi32>,
    %shift_right_logical3A_145 = arith.constant 7 : i32
    %shift_right_logical3A_146 = vector.broadcast %shift_right_logical3A_145 : i32 to vector<16xi32>
    %shift_right_logical3A_147 = arith.shrui %get3A_144, %shift_right_logical3A_146 : vector<16xi32>
    %swap3A_148 = arith.constant 1 : i32
    %swap3A_149 = arith.index_cast %swap3A_148 : i32 to index
    %swap3A_150 = arith.constant 80 : index
    %swap3A_151 = tpu.vector_load %arg7[%swap3A_149, %swap3A_150] {strides = array<i32>} : memref<4x128xi32, #tpu.memory_space<vmem>>, vector<16xi32>,
    tpu.vector_store %arg7[%swap3A_149, %swap3A_150], %shift_right_logical3A_147 {strides = array<i32>} : memref<4x128xi32, #tpu.memory_space<vmem>>, vector<16xi32>,
    %get3A_152 = arith.constant 1 : i32
    %get3A_153 = arith.index_cast %get3A_152 : i32 to index
    %get3A_154 = arith.constant 96 : index
    %get3A_155 = tpu.vector_load %arg6[%get3A_153, %get3A_154] {strides = array<i32>} : memref<4x128xi32, #tpu.memory_space<vmem>>, vector<16xi32>,
    %shift_right_logical3A_156 = arith.constant 7 : i32
    %shift_right_logical3A_157 = vector.broadcast %shift_right_logical3A_156 : i32 to vector<16xi32>
    %shift_right_logical3A_158 = arith.shrui %get3A_155, %shift_right_logical3A_157 : vector<16xi32>
    %swap3A_159 = arith.constant 1 : i32
    %swap3A_160 = arith.index_cast %swap3A_159 : i32 to index
    %swap3A_161 = arith.constant 96 : index
    %swap3A_162 = tpu.vector_load %arg7[%swap3A_160, %swap3A_161] {strides = array<i32>} : memref<4x128xi32, #tpu.memory_space<vmem>>, vector<16xi32>,
    tpu.vector_store %arg7[%swap3A_160, %swap3A_161], %shift_right_logical3A_158 {strides = array<i32>} : memref<4x128xi32, #tpu.memory_space<vmem>>, vector<16xi32>,
    %get3A_163 = arith.constant 1 : i32
    %get3A_164 = arith.index_cast %get3A_163 : i32 to index
    %get3A_165 = arith.constant 112 : index
    %get3A_166 = tpu.vector_load %arg6[%get3A_164, %get3A_165] {strides = array<i32>} : memref<4x128xi32, #tpu.memory_space<vmem>>, vector<16xi32>,
    %shift_right_logical3A_167 = arith.constant 7 : i32
    %shift_right_logical3A_168 = vector.broadcast %shift_right_logical3A_167 : i32 to vector<16xi32>
    %shift_right_logical3A_169 = arith.shrui %get3A_166, %shift_right_logical3A_168 : vector<16xi32>
    %swap3A_170 = arith.constant 1 : i32
    %swap3A_171 = arith.index_cast %swap3A_170 : i32 to index
    %swap3A_172 = arith.constant 112 : index
    %swap3A_173 = tpu.vector_load %arg7[%swap3A_171, %swap3A_172] {strides = array<i32>} : memref<4x128xi32, #tpu.memory_space<vmem>>, vector<16xi32>,
    tpu.vector_store %arg7[%swap3A_171, %swap3A_172], %shift_right_logical3A_169 {strides = array<i32>} : memref<4x128xi32, #tpu.memory_space<vmem>>, vector<16xi32>,
    %get3A_174 = arith.constant 2 : i32
    %get3A_175 = arith.index_cast %get3A_174 : i32 to index
    %get3A_176 = arith.constant 0 : index
    %get3A_177 = tpu.vector_load %arg6[%get3A_175, %get3A_176] {strides = array<i32>} : memref<4x128xi32, #tpu.memory_space<vmem>>, vector<16xi32>,
    %shift_right_logical3A_178 = arith.constant 7 : i32
    %shift_right_logical3A_179 = vector.broadcast %shift_right_logical3A_178 : i32 to vector<16xi32>
    %shift_right_logical3A_180 = arith.shrui %get3A_177, %shift_right_logical3A_179 : vector<16xi32>
    %swap3A_181 = arith.constant 2 : i32
    %swap3A_182 = arith.index_cast %swap3A_181 : i32 to index
    %swap3A_183 = arith.constant 0 : index
    %swap3A_184 = tpu.vector_load %arg7[%swap3A_182, %swap3A_183] {strides = array<i32>} : memref<4x128xi32, #tpu.memory_space<vmem>>, vector<16xi32>,
    tpu.vector_store %arg7[%swap3A_182, %swap3A_183], %shift_right_logical3A_180 {strides = array<i32>} : memref<4x128xi32, #tpu.memory_space<vmem>>, vector<16xi32>,
    %get3A_185 = arith.constant 2 : i32
    %get3A_186 = arith.index_cast %get3A_185 : i32 to index
    %get3A_187 = arith.constant 16 : index
    %get3A_188 = tpu.vector_load %arg6[%get3A_186, %get3A_187] {strides = array<i32>} : memref<4x128xi32, #tpu.memory_space<vmem>>, vector<16xi32>,
    %shift_right_logical3A_189 = arith.constant 7 : i32
    %shift_right_logical3A_190 = vector.broadcast %shift_right_logical3A_189 : i32 to vector<16xi32>
    %shift_right_logical3A_191 = arith.shrui %get3A_188, %shift_right_logical3A_190 : vector<16xi32>
    %swap3A_192 = arith.constant 2 : i32
    %swap3A_193 = arith.index_cast %swap3A_192 : i32 to index
    %swap3A_194 = arith.constant 16 : index
    %swap3A_195 = tpu.vector_load %arg7[%swap3A_193, %swap3A_194] {strides = array<i32>} : memref<4x128xi32, #tpu.memory_space<vmem>>, vector<16xi32>,
    tpu.vector_store %arg7[%swap3A_193, %swap3A_194], %shift_right_logical3A_191 {strides = array<i32>} : memref<4x128xi32, #tpu.memory_space<vmem>>, vector<16xi32>,
    %get3A_196 = arith.constant 2 : i32
    %get3A_197 = arith.index_cast %get3A_196 : i32 to index
    %get3A_198 = arith.constant 32 : index
    %get3A_199 = tpu.vector_load %arg6[%get3A_197, %get3A_198] {strides = array<i32>} : memref<4x128xi32, #tpu.memory_space<vmem>>, vector<16xi32>,
    %shift_right_logical3A_200 = arith.constant 7 : i32
    %shift_right_logical3A_201 = vector.broadcast %shift_right_logical3A_200 : i32 to vector<16xi32>
    %shift_right_logical3A_202 = arith.shrui %get3A_199, %shift_right_logical3A_201 : vector<16xi32>
    %swap3A_203 = arith.constant 2 : i32
    %swap3A_204 = arith.index_cast %swap3A_203 : i32 to index
    %swap3A_205 = arith.constant 32 : index
    %swap3A_206 = tpu.vector_load %arg7[%swap3A_204, %swap3A_205] {strides = array<i32>} : memref<4x128xi32, #tpu.memory_space<vmem>>, vector<16xi32>,
    tpu.vector_store %arg7[%swap3A_204, %swap3A_205], %shift_right_logical3A_202 {strides = array<i32>} : memref<4x128xi32, #tpu.memory_space<vmem>>, vector<16xi32>,
    %get3A_207 = arith.constant 2 : i32
    %get3A_208 = arith.index_cast %get3A_207 : i32 to index
    %get3A_209 = arith.constant 48 : index
    %get3A_210 = tpu.vector_load %arg6[%get3A_208, %get3A_209] {strides = array<i32>} : memref<4x128xi32, #tpu.memory_space<vmem>>, vector<16xi32>,
    %shift_right_logical3A_211 = arith.constant 7 : i32
    %shift_right_logical3A_212 = vector.broadcast %shift_right_logical3A_211 : i32 to vector<16xi32>
    %shift_right_logical3A_213 = arith.shrui %get3A_210, %shift_right_logical3A_212 : vector<16xi32>
    %swap3A_214 = arith.constant 2 : i32
    %swap3A_215 = arith.index_cast %swap3A_214 : i32 to index
    %swap3A_216 = arith.constant 48 : index
    %swap3A_217 = tpu.vector_load %arg7[%swap3A_215, %swap3A_216] {strides = array<i32>} : memref<4x128xi32, #tpu.memory_space<vmem>>, vector<16xi32>,
    tpu.vector_store %arg7[%swap3A_215, %swap3A_216], %shift_right_logical3A_213 {strides = array<i32>} : memref<4x128xi32, #tpu.memory_space<vmem>>, vector<16xi32>,
    %get3A_218 = arith.constant 2 : i32
    %get3A_219 = arith.index_cast %get3A_218 : i32 to index
    %get3A_220 = arith.constant 64 : index
    %get3A_221 = tpu.vector_load %arg6[%get3A_219, %get3A_220] {strides = array<i32>} : memref<4x128xi32, #tpu.memory_space<vmem>>, vector<16xi32>,
    %shift_right_logical3A_222 = arith.constant 7 : i32
    %shift_right_logical3A_223 = vector.broadcast %shift_right_logical3A_222 : i32 to vector<16xi32>
    %shift_right_logical3A_224 = arith.shrui %get3A_221, %shift_right_logical3A_223 : vector<16xi32>
    %swap3A_225 = arith.constant 2 : i32
    %swap3A_226 = arith.index_cast %swap3A_225 : i32 to index
    %swap3A_227 = arith.constant 64 : index
    %swap3A_228 = tpu.vector_load %arg7[%swap3A_226, %swap3A_227] {strides = array<i32>} : memref<4x128xi32, #tpu.memory_space<vmem>>, vector<16xi32>,
    tpu.vector_store %arg7[%swap3A_226, %swap3A_227], %shift_right_logical3A_224 {strides = array<i32>} : memref<4x128xi32, #tpu.memory_space<vmem>>, vector<16xi32>,
    %get3A_229 = arith.constant 2 : i32
    %get3A_230 = arith.index_cast %get3A_229 : i32 to index
    %get3A_231 = arith.constant 80 : index
    %get3A_232 = tpu.vector_load %arg6[%get3A_230, %get3A_231] {strides = array<i32>} : memref<4x128xi32, #tpu.memory_space<vmem>>, vector<16xi32>,
    %shift_right_logical3A_233 = arith.constant 7 : i32
    %shift_right_logical3A_234 = vector.broadcast %shift_right_logical3A_233 : i32 to vector<16xi32>
    %shift_right_logical3A_235 = arith.shrui %get3A_232, %shift_right_logical3A_234 : vector<16xi32>
    %swap3A_236 = arith.constant 2 : i32
    %swap3A_237 = arith.index_cast %swap3A_236 : i32 to index
    %swap3A_238 = arith.constant 80 : index
    %swap3A_239 = tpu.vector_load %arg7[%swap3A_237, %swap3A_238] {strides = array<i32>} : memref<4x128xi32, #tpu.memory_space<vmem>>, vector<16xi32>,
    tpu.vector_store %arg7[%swap3A_237, %swap3A_238], %shift_right_logical3A_235 {strides = array<i32>} : memref<4x128xi32, #tpu.memory_space<vmem>>, vector<16xi32>,
    %get3A_240 = arith.constant 2 : i32
    %get3A_241 = arith.index_cast %get3A_240 : i32 to index
    %get3A_242 = arith.constant 96 : index
    %get3A_243 = tpu.vector_load %arg6[%get3A_241, %get3A_242] {strides = array<i32>} : memref<4x128xi32, #tpu.memory_space<vmem>>, vector<16xi32>,
    %shift_right_logical3A_244 = arith.constant 7 : i32
    %shift_right_logical3A_245 = vector.broadcast %shift_right_logical3A_244 : i32 to vector<16xi32>
    %shift_right_logical3A_246 = arith.shrui %get3A_243, %shift_right_logical3A_245 : vector<16xi32>
    %swap3A_247 = arith.constant 2 : i32
    %swap3A_248 = arith.index_cast %swap3A_247 : i32 to index
    %swap3A_249 = arith.constant 96 : index
    %swap3A_250 = tpu.vector_load %arg7[%swap3A_248, %swap3A_249] {strides = array<i32>} : memref<4x128xi32, #tpu.memory_space<vmem>>, vector<16xi32>,
    tpu.vector_store %arg7[%swap3A_248, %swap3A_249], %shift_right_logical3A_246 {strides = array<i32>} : memref<4x128xi32, #tpu.memory_space<vmem>>, vector<16xi32>,
    %get3A_251 = arith.constant 2 : i32
    %get3A_252 = arith.index_cast %get3A_251 : i32 to index
    %get3A_253 = arith.constant 112 : index
    %get3A_254 = tpu.vector_load %arg6[%get3A_252, %get3A_253] {strides = array<i32>} : memref<4x128xi32, #tpu.memory_space<vmem>>, vector<16xi32>,
    %shift_right_logical3A_255 = arith.constant 7 : i32
    %shift_right_logical3A_256 = vector.broadcast %shift_right_logical3A_255 : i32 to vector<16xi32>
    %shift_right_logical3A_257 = arith.shrui %get3A_254, %shift_right_logical3A_256 : vector<16xi32>
    %swap3A_258 = arith.constant 2 : i32
    %swap3A_259 = arith.index_cast %swap3A_258 : i32 to index
    %swap3A_260 = arith.constant 112 : index
    %swap3A_261 = tpu.vector_load %arg7[%swap3A_259, %swap3A_260] {strides = array<i32>} : memref<4x128xi32, #tpu.memory_space<vmem>>, vector<16xi32>,
    tpu.vector_store %arg7[%swap3A_259, %swap3A_260], %shift_right_logical3A_257 {strides = array<i32>} : memref<4x128xi32, #tpu.memory_space<vmem>>, vector<16xi32>,
    %get3A_262 = arith.constant 3 : i32
    %get3A_263 = arith.index_cast %get3A_262 : i32 to index
    %get3A_264 = arith.constant 0 : index
    %get3A_265 = tpu.vector_load %arg6[%get3A_263, %get3A_264] {strides = array<i32>} : memref<4x128xi32, #tpu.memory_space<vmem>>, vector<16xi32>,
    %shift_right_logical3A_266 = arith.constant 7 : i32
    %shift_right_logical3A_267 = vector.broadcast %shift_right_logical3A_266 : i32 to vector<16xi32>
    %shift_right_logical3A_268 = arith.shrui %get3A_265, %shift_right_logical3A_267 : vector<16xi32>
    %swap3A_269 = arith.constant 3 : i32
    %swap3A_270 = arith.index_cast %swap3A_269 : i32 to index
    %swap3A_271 = arith.constant 0 : index
    %swap3A_272 = tpu.vector_load %arg7[%swap3A_270, %swap3A_271] {strides = array<i32>} : memref<4x128xi32, #tpu.memory_space<vmem>>, vector<16xi32>,
    tpu.vector_store %arg7[%swap3A_270, %swap3A_271], %shift_right_logical3A_268 {strides = array<i32>} : memref<4x128xi32, #tpu.memory_space<vmem>>, vector<16xi32>,
    %get3A_273 = arith.constant 3 : i32
    %get3A_274 = arith.index_cast %get3A_273 : i32 to index
    %get3A_275 = arith.constant 16 : index
    %get3A_276 = tpu.vector_load %arg6[%get3A_274, %get3A_275] {strides = array<i32>} : memref<4x128xi32, #tpu.memory_space<vmem>>, vector<16xi32>,
    %shift_right_logical3A_277 = arith.constant 7 : i32
    %shift_right_logical3A_278 = vector.broadcast %shift_right_logical3A_277 : i32 to vector<16xi32>
    %shift_right_logical3A_279 = arith.shrui %get3A_276, %shift_right_logical3A_278 : vector<16xi32>
    %swap3A_280 = arith.constant 3 : i32
    %swap3A_281 = arith.index_cast %swap3A_280 : i32 to index
    %swap3A_282 = arith.constant 16 : index
    %swap3A_283 = tpu.vector_load %arg7[%swap3A_281, %swap3A_282] {strides = array<i32>} : memref<4x128xi32, #tpu.memory_space<vmem>>, vector<16xi32>,
    tpu.vector_store %arg7[%swap3A_281, %swap3A_282], %shift_right_logical3A_279 {strides = array<i32>} : memref<4x128xi32, #tpu.memory_space<vmem>>, vector<16xi32>,
    %get3A_284 = arith.constant 3 : i32
    %get3A_285 = arith.index_cast %get3A_284 : i32 to index
    %get3A_286 = arith.constant 32 : index
    %get3A_287 = tpu.vector_load %arg6[%get3A_285, %get3A_286] {strides = array<i32>} : memref<4x128xi32, #tpu.memory_space<vmem>>, vector<16xi32>,
    %shift_right_logical3A_288 = arith.constant 7 : i32
    %shift_right_logical3A_289 = vector.broadcast %shift_right_logical3A_288 : i32 to vector<16xi32>
    %shift_right_logical3A_290 = arith.shrui %get3A_287, %shift_right_logical3A_289 : vector<16xi32>
    %swap3A_291 = arith.constant 3 : i32
    %swap3A_292 = arith.index_cast %swap3A_291 : i32 to index
    %swap3A_293 = arith.constant 32 : index
    %swap3A_294 = tpu.vector_load %arg7[%swap3A_292, %swap3A_293] {strides = array<i32>} : memref<4x128xi32, #tpu.memory_space<vmem>>, vector<16xi32>,
    tpu.vector_store %arg7[%swap3A_292, %swap3A_293], %shift_right_logical3A_290 {strides = array<i32>} : memref<4x128xi32, #tpu.memory_space<vmem>>, vector<16xi32>,
    %get3A_295 = arith.constant 3 : i32
    %get3A_296 = arith.index_cast %get3A_295 : i32 to index
    %get3A_297 = arith.constant 48 : index
    %get3A_298 = tpu.vector_load %arg6[%get3A_296, %get3A_297] {strides = array<i32>} : memref<4x128xi32, #tpu.memory_space<vmem>>, vector<16xi32>,
    %shift_right_logical3A_299 = arith.constant 7 : i32
    %shift_right_logical3A_300 = vector.broadcast %shift_right_logical3A_299 : i32 to vector<16xi32>
    %shift_right_logical3A_301 = arith.shrui %get3A_298, %shift_right_logical3A_300 : vector<16xi32>
    %swap3A_302 = arith.constant 3 : i32
    %swap3A_303 = arith.index_cast %swap3A_302 : i32 to index
    %swap3A_304 = arith.constant 48 : index
    %swap3A_305 = tpu.vector_load %arg7[%swap3A_303, %swap3A_304] {strides = array<i32>} : memref<4x128xi32, #tpu.memory_space<vmem>>, vector<16xi32>,
    tpu.vector_store %arg7[%swap3A_303, %swap3A_304], %shift_right_logical3A_301 {strides = array<i32>} : memref<4x128xi32, #tpu.memory_space<vmem>>, vector<16xi32>,
    %get3A_306 = arith.constant 3 : i32
    %get3A_307 = arith.index_cast %get3A_306 : i32 to index
    %get3A_308 = arith.constant 64 : index
    %get3A_309 = tpu.vector_load %arg6[%get3A_307, %get3A_308] {strides = array<i32>} : memref<4x128xi32, #tpu.memory_space<vmem>>, vector<16xi32>,
    %shift_right_logical3A_310 = arith.constant 7 : i32
    %shift_right_logical3A_311 = vector.broadcast %shift_right_logical3A_310 : i32 to vector<16xi32>
    %shift_right_logical3A_312 = arith.shrui %get3A_309, %shift_right_logical3A_311 : vector<16xi32>
    %swap3A_313 = arith.constant 3 : i32
    %swap3A_314 = arith.index_cast %swap3A_313 : i32 to index
    %swap3A_315 = arith.constant 64 : index
    %swap3A_316 = tpu.vector_load %arg7[%swap3A_314, %swap3A_315] {strides = array<i32>} : memref<4x128xi32, #tpu.memory_space<vmem>>, vector<16xi32>,
    tpu.vector_store %arg7[%swap3A_314, %swap3A_315], %shift_right_logical3A_312 {strides = array<i32>} : memref<4x128xi32, #tpu.memory_space<vmem>>, vector<16xi32>,
    %get3A_317 = arith.constant 3 : i32
    %get3A_318 = arith.index_cast %get3A_317 : i32 to index
    %get3A_319 = arith.constant 80 : index
    %get3A_320 = tpu.vector_load %arg6[%get3A_318, %get3A_319] {strides = array<i32>} : memref<4x128xi32, #tpu.memory_space<vmem>>, vector<16xi32>,
    %shift_right_logical3A_321 = arith.constant 7 : i32
    %shift_right_logical3A_322 = vector.broadcast %shift_right_logical3A_321 : i32 to vector<16xi32>
    %shift_right_logical3A_323 = arith.shrui %get3A_320, %shift_right_logical3A_322 : vector<16xi32>
    %swap3A_324 = arith.constant 3 : i32
    %swap3A_325 = arith.index_cast %swap3A_324 : i32 to index
    %swap3A_326 = arith.constant 80 : index
    %swap3A_327 = tpu.vector_load %arg7[%swap3A_325, %swap3A_326] {strides = array<i32>} : memref<4x128xi32, #tpu.memory_space<vmem>>, vector<16xi32>,
    tpu.vector_store %arg7[%swap3A_325, %swap3A_326], %shift_right_logical3A_323 {strides = array<i32>} : memref<4x128xi32, #tpu.memory_space<vmem>>, vector<16xi32>,
    %get3A_328 = arith.constant 3 : i32
    %get3A_329 = arith.index_cast %get3A_328 : i32 to index
    %get3A_330 = arith.constant 96 : index
    %get3A_331 = tpu.vector_load %arg6[%get3A_329, %get3A_330] {strides = array<i32>} : memref<4x128xi32, #tpu.memory_space<vmem>>, vector<16xi32>,
    %shift_right_logical3A_332 = arith.constant 7 : i32
    %shift_right_logical3A_333 = vector.broadcast %shift_right_logical3A_332 : i32 to vector<16xi32>
    %shift_right_logical3A_334 = arith.shrui %get3A_331, %shift_right_logical3A_333 : vector<16xi32>
    %swap3A_335 = arith.constant 3 : i32
    %swap3A_336 = arith.index_cast %swap3A_335 : i32 to index
    %swap3A_337 = arith.constant 96 : index
    %swap3A_338 = tpu.vector_load %arg7[%swap3A_336, %swap3A_337] {strides = array<i32>} : memref<4x128xi32, #tpu.memory_space<vmem>>, vector<16xi32>,
    tpu.vector_store %arg7[%swap3A_336, %swap3A_337], %shift_right_logical3A_334 {strides = array<i32>} : memref<4x128xi32, #tpu.memory_space<vmem>>, vector<16xi32>,
    %get3A_339 = arith.constant 3 : i32
    %get3A_340 = arith.index_cast %get3A_339 : i32 to index
    %get3A_341 = arith.constant 112 : index
    %get3A_342 = tpu.vector_load %arg6[%get3A_340, %get3A_341] {strides = array<i32>} : memref<4x128xi32, #tpu.memory_space<vmem>>, vector<16xi32>,
    %shift_right_logical3A_343 = arith.constant 7 : i32
    %shift_right_logical3A_344 = vector.broadcast %shift_right_logical3A_343 : i32 to vector<16xi32>
    %shift_right_logical3A_345 = arith.shrui %get3A_342, %shift_right_logical3A_344 : vector<16xi32>
    %swap3A_346 = arith.constant 3 : i32
    %swap3A_347 = arith.index_cast %swap3A_346 : i32 to index
    %swap3A_348 = arith.constant 112 : index
    %swap3A_349 = tpu.vector_load %arg7[%swap3A_347, %swap3A_348] {strides = array<i32>} : memref<4x128xi32, #tpu.memory_space<vmem>>, vector<16xi32>,
    tpu.vector_store %arg7[%swap3A_347, %swap3A_348], %shift_right_logical3A_345 {strides = array<i32>} : memref<4x128xi32, #tpu.memory_space<vmem>>, vector<16xi32>,
    %dma_start3A = arith.constant 0 : i32
    %dma_start3A_350 = arith.constant 0 : i32
    %dma_start3A_351 = tpu.memref_slice %arg7[%dma_start3A, %dma_start3A_350] : memref<4x128xi32, #tpu.memory_space<vmem>> -> memref<1x128xi32, #tpu.memory_space<vmem>>
    %dma_start3A_352 = tpu.memref_squeeze %dma_start3A_351 : memref<1x128xi32, #tpu.memory_space<vmem>> -> memref<128xi32, #tpu.memory_space<vmem>>
    %dma_start3A_353 = arith.constant 0 : i32
    %dma_start3A_354 = arith.constant 0 : i32
    %dma_start3A_355 = tpu.memref_slice %arg3[%dma_start3A_353, %dma_start3A_354] : memref<7936x128xf32, #tpu.memory_space<hbm>> -> memref<7936x128xf32, #tpu.memory_space<hbm>>
    tpu.enqueue_indirect_dma source(%dma_start3A_355 : memref<7936x128xf32, #tpu.memory_space<hbm>>) target(%arg8 : memref<128x128xf32, #tpu.memory_space<vmem>>) offsets(%dma_start3A_352 : memref<128xi32, #tpu.memory_space<vmem>>) semaphore(%arg13 : memref<!tpu.dma_semaphore, #tpu.memory_space<semaphore_mem>>)
    %dma_start3A_356 = arith.constant 0 : i32
    %dma_start3A_357 = arith.constant 0 : i32
    %dma_start3A_358 = tpu.memref_slice %arg7[%dma_start3A_356, %dma_start3A_357] : memref<4x128xi32, #tpu.memory_space<vmem>> -> memref<1x128xi32, #tpu.memory_space<vmem>>
    %dma_start3A_359 = tpu.memref_squeeze %dma_start3A_358 : memref<1x128xi32, #tpu.memory_space<vmem>> -> memref<128xi32, #tpu.memory_space<vmem>>
    %dma_start3A_360 = arith.constant 0 : i32
    %dma_start3A_361 = arith.constant 0 : i32
    %dma_start3A_362 = tpu.memref_slice %arg4[%dma_start3A_360, %dma_start3A_361] : memref<7936x128xf32, #tpu.memory_space<hbm>> -> memref<7936x128xf32, #tpu.memory_space<hbm>>
    tpu.enqueue_indirect_dma source(%dma_start3A_362 : memref<7936x128xf32, #tpu.memory_space<hbm>>) target(%arg10 : memref<128x128xf32, #tpu.memory_space<vmem>>) offsets(%dma_start3A_359 : memref<128xi32, #tpu.memory_space<vmem>>) semaphore(%arg13 : memref<!tpu.dma_semaphore, #tpu.memory_space<semaphore_mem>>)
    %dma_start3A_363 = arith.constant 1 : i32
    %dma_start3A_364 = arith.constant 0 : i32
    %dma_start3A_365 = tpu.memref_slice %arg7[%dma_start3A_363, %dma_start3A_364] : memref<4x128xi32, #tpu.memory_space<vmem>> -> memref<1x128xi32, #tpu.memory_space<vmem>>
    %dma_start3A_366 = tpu.memref_squeeze %dma_start3A_365 : memref<1x128xi32, #tpu.memory_space<vmem>> -> memref<128xi32, #tpu.memory_space<vmem>>
    %dma_start3A_367 = arith.constant 0 : i32
    %dma_start3A_368 = arith.constant 0 : i32
    %dma_start3A_369 = tpu.memref_slice %arg3[%dma_start3A_367, %dma_start3A_368] : memref<7936x128xf32, #tpu.memory_space<hbm>> -> memref<7936x128xf32, #tpu.memory_space<hbm>>
    tpu.enqueue_indirect_dma source(%dma_start3A_369 : memref<7936x128xf32, #tpu.memory_space<hbm>>) target(%arg9 : memref<128x128xf32, #tpu.memory_space<vmem>>) offsets(%dma_start3A_366 : memref<128xi32, #tpu.memory_space<vmem>>) semaphore(%arg14 : memref<!tpu.dma_semaphore, #tpu.memory_space<semaphore_mem>>)
    %dma_start3A_370 = arith.constant 1 : i32
    %dma_start3A_371 = arith.constant 0 : i32
    %dma_start3A_372 = tpu.memref_slice %arg7[%dma_start3A_370, %dma_start3A_371] : memref<4x128xi32, #tpu.memory_space<vmem>> -> memref<1x128xi32, #tpu.memory_space<vmem>>
    %dma_start3A_373 = tpu.memref_squeeze %dma_start3A_372 : memref<1x128xi32, #tpu.memory_space<vmem>> -> memref<128xi32, #tpu.memory_space<vmem>>
    %dma_start3A_374 = arith.constant 0 : i32
    %dma_start3A_375 = arith.constant 0 : i32
    %dma_start3A_376 = tpu.memref_slice %arg4[%dma_start3A_374, %dma_start3A_375] : memref<7936x128xf32, #tpu.memory_space<hbm>> -> memref<7936x128xf32, #tpu.memory_space<hbm>>
    tpu.enqueue_indirect_dma source(%dma_start3A_376 : memref<7936x128xf32, #tpu.memory_space<hbm>>) target(%arg11 : memref<128x128xf32, #tpu.memory_space<vmem>>) offsets(%dma_start3A_373 : memref<128xi32, #tpu.memory_space<vmem>>) semaphore(%arg14 : memref<!tpu.dma_semaphore, #tpu.memory_space<semaphore_mem>>)
    %dma_wait3A = arith.constant 0 : i32
    %dma_wait3A_377 = arith.constant 0 : i32
    %dma_wait3A_378 = tpu.memref_slice %arg7[%dma_wait3A, %dma_wait3A_377] : memref<4x128xi32, #tpu.memory_space<vmem>> -> memref<1x128xi32, #tpu.memory_space<vmem>>
    %dma_wait3A_379 = tpu.memref_squeeze %dma_wait3A_378 : memref<1x128xi32, #tpu.memory_space<vmem>> -> memref<128xi32, #tpu.memory_space<vmem>>
    %dma_wait3A_380 = arith.constant 0 : i32
    %dma_wait3A_381 = arith.constant 0 : i32
    %dma_wait3A_382 = tpu.memref_slice %arg3[%dma_wait3A_380, %dma_wait3A_381] : memref<7936x128xf32, #tpu.memory_space<hbm>> -> memref<7936x128xf32, #tpu.memory_space<hbm>>
    tpu.wait_indirect_dma semaphore(%arg13 : memref<!tpu.dma_semaphore, #tpu.memory_space<semaphore_mem>>) src(%dma_wait3A_382 : memref<7936x128xf32, #tpu.memory_space<hbm>>) dst(%arg8 : memref<128x128xf32, #tpu.memory_space<vmem>>)
    %dma_wait3A_383 = arith.constant 0 : i32
    %dma_wait3A_384 = arith.constant 0 : i32
    %dma_wait3A_385 = tpu.memref_slice %arg7[%dma_wait3A_383, %dma_wait3A_384] : memref<4x128xi32, #tpu.memory_space<vmem>> -> memref<1x128xi32, #tpu.memory_space<vmem>>
    %dma_wait3A_386 = tpu.memref_squeeze %dma_wait3A_385 : memref<1x128xi32, #tpu.memory_space<vmem>> -> memref<128xi32, #tpu.memory_space<vmem>>
    %dma_wait3A_387 = arith.constant 0 : i32
    %dma_wait3A_388 = arith.constant 0 : i32
    %dma_wait3A_389 = tpu.memref_slice %arg4[%dma_wait3A_387, %dma_wait3A_388] : memref<7936x128xf32, #tpu.memory_space<hbm>> -> memref<7936x128xf32, #tpu.memory_space<hbm>>
    tpu.wait_indirect_dma semaphore(%arg13 : memref<!tpu.dma_semaphore, #tpu.memory_space<semaphore_mem>>) src(%dma_wait3A_389 : memref<7936x128xf32, #tpu.memory_space<hbm>>) dst(%arg10 : memref<128x128xf32, #tpu.memory_space<vmem>>)
    %iota3A = tpu.iota {dimensions = array<i32: 0>} : vector<16xi32>
    %get3A_390 = arith.constant 0 : i32
    %get3A_391 = arith.index_cast %get3A_390 : i32 to index
    %get3A_392 = arith.constant 0 : index
    %get3A_393 = tpu.vector_load %arg6[%get3A_391, %get3A_392] {strides = array<i32>} : memref<4x128xi32, #tpu.memory_space<vmem>>, vector<16xi32>,
    %and3A = arith.constant 127 : i32
    %and3A_394 = vector.broadcast %and3A : i32 to vector<16xi32>
    %and3A_395 = arith.andi %get3A_393, %and3A_394 : vector<16xi32>
    %add3A_396 = arith.constant 0 : i32
    %add3A_397 = vector.broadcast %add3A_396 : i32 to vector<16xi32>
    %add3A_398 = arith.addi %add3A_397, %iota3A : vector<16xi32>
    %gather3A = tpu.vector_load_idx %arg8[%add3A_398, %and3A_395] : memref<128x128xf32, #tpu.memory_space<vmem>>[vector<16xi32>, vector<16xi32>], vector<16xf32>,
    %add3A_399 = arith.constant 0 : i32
    %add3A_400 = vector.broadcast %add3A_399 : i32 to vector<16xi32>
    %add3A_401 = arith.addi %add3A_400, %iota3A : vector<16xi32>
    %gather3A_402 = tpu.vector_load_idx %arg10[%add3A_401, %and3A_395] : memref<128x128xf32, #tpu.memory_space<vmem>>[vector<16xi32>, vector<16xi32>], vector<16xf32>,
    %bitcast3A = vector.bitcast %gather3A_402 : vector<16xf32> to vector<16xi32>
    %shift_right_logical3A_403 = arith.constant 1 : i32
    %shift_right_logical3A_404 = vector.broadcast %shift_right_logical3A_403 : i32 to vector<16xi32>
    %shift_right_logical3A_405 = arith.shrui %bitcast3A, %shift_right_logical3A_404 : vector<16xi32>
    %sub3A = arith.constant 1597463007 : i32
    %sub3A_406 = vector.broadcast %sub3A : i32 to vector<16xi32>
    %sub3A_407 = arith.subi %sub3A_406, %shift_right_logical3A_405 : vector<16xi32>
    %bitcast3A_408 = vector.bitcast %sub3A_407 : vector<16xi32> to vector<16xf32>
    %mul3A_409 = arith.constant 5.000000e-01 : f32
    %mul3A_410 = vector.broadcast %mul3A_409 : f32 to vector<16xf32>
    %mul3A_411 = arith.mulf %mul3A_410, %gather3A_402 : vector<16xf32>
    %mul3A_412 = arith.mulf %mul3A_411, %bitcast3A_408 : vector<16xf32>
    %mul3A_413 = arith.mulf %mul3A_412, %bitcast3A_408 : vector<16xf32>
    %sub3A_414 = arith.constant 1.500000e+00 : f32
    %sub3A_415 = vector.broadcast %sub3A_414 : f32 to vector<16xf32>
    %sub3A_416 = arith.subf %sub3A_415, %mul3A_413 : vector<16xf32>
    %mul3A_417 = arith.mulf %bitcast3A_408, %sub3A_416 : vector<16xf32>
    %mul3A_418 = arith.constant 5.000000e-01 : f32
    %mul3A_419 = vector.broadcast %mul3A_418 : f32 to vector<16xf32>
    %mul3A_420 = arith.mulf %mul3A_419, %gather3A_402 : vector<16xf32>
    %mul3A_421 = arith.mulf %mul3A_420, %mul3A_417 : vector<16xf32>
    %mul3A_422 = arith.mulf %mul3A_421, %mul3A_417 : vector<16xf32>
    %sub3A_423 = arith.constant 1.500000e+00 : f32
    %sub3A_424 = vector.broadcast %sub3A_423 : f32 to vector<16xf32>
    %sub3A_425 = arith.subf %sub3A_424, %mul3A_422 : vector<16xf32>
    %mul3A_426 = arith.mulf %mul3A_417, %sub3A_425 : vector<16xf32>
    %mul3A_427 = arith.constant 5.000000e-01 : f32
    %mul3A_428 = vector.broadcast %mul3A_427 : f32 to vector<16xf32>
    %mul3A_429 = arith.mulf %mul3A_428, %gather3A_402 : vector<16xf32>
    %mul3A_430 = arith.mulf %mul3A_429, %mul3A_426 : vector<16xf32>
    %mul3A_431 = arith.mulf %mul3A_430, %mul3A_426 : vector<16xf32>
    %sub3A_432 = arith.constant 1.500000e+00 : f32
    %sub3A_433 = vector.broadcast %sub3A_432 : f32 to vector<16xf32>
    %sub3A_434 = arith.subf %sub3A_433, %mul3A_431 : vector<16xf32>
    %mul3A_435 = arith.mulf %mul3A_426, %sub3A_434 : vector<16xf32>
    %min3A = arith.constant 1.000000e+00 : f32
    %min3A_436 = vector.broadcast %min3A : f32 to vector<16xf32>
    %min3A_437 = arith.minimumf %min3A_436, %mul3A_435 : vector<16xf32>
    %mul3A_438 = arith.mulf %gather3A, %min3A_437 : vector<16xf32>
    %swap3A_439 = arith.constant 0 : index
    %swap3A_440 = tpu.vector_load %arg12[%swap3A_439] {strides = array<i32>} : memref<512xf32, #tpu.memory_space<vmem>>, vector<16xf32>,
    tpu.vector_store %arg12[%swap3A_439], %mul3A_438 {strides = array<i32>} : memref<512xf32, #tpu.memory_space<vmem>>, vector<16xf32>,
    %get3A_441 = arith.constant 0 : i32
    %get3A_442 = arith.index_cast %get3A_441 : i32 to index
    %get3A_443 = arith.constant 16 : index
    %get3A_444 = tpu.vector_load %arg6[%get3A_442, %get3A_443] {strides = array<i32>} : memref<4x128xi32, #tpu.memory_space<vmem>>, vector<16xi32>,
    %and3A_445 = arith.constant 127 : i32
    %and3A_446 = vector.broadcast %and3A_445 : i32 to vector<16xi32>
    %and3A_447 = arith.andi %get3A_444, %and3A_446 : vector<16xi32>
    %add3A_448 = arith.constant 16 : i32
    %add3A_449 = vector.broadcast %add3A_448 : i32 to vector<16xi32>
    %add3A_450 = arith.addi %add3A_449, %iota3A : vector<16xi32>
    %gather3A_451 = tpu.vector_load_idx %arg8[%add3A_450, %and3A_447] : memref<128x128xf32, #tpu.memory_space<vmem>>[vector<16xi32>, vector<16xi32>], vector<16xf32>,
    %add3A_452 = arith.constant 16 : i32
    %add3A_453 = vector.broadcast %add3A_452 : i32 to vector<16xi32>
    %add3A_454 = arith.addi %add3A_453, %iota3A : vector<16xi32>
    %gather3A_455 = tpu.vector_load_idx %arg10[%add3A_454, %and3A_447] : memref<128x128xf32, #tpu.memory_space<vmem>>[vector<16xi32>, vector<16xi32>], vector<16xf32>,
    %bitcast3A_456 = vector.bitcast %gather3A_455 : vector<16xf32> to vector<16xi32>
    %shift_right_logical3A_457 = arith.constant 1 : i32
    %shift_right_logical3A_458 = vector.broadcast %shift_right_logical3A_457 : i32 to vector<16xi32>
    %shift_right_logical3A_459 = arith.shrui %bitcast3A_456, %shift_right_logical3A_458 : vector<16xi32>
    %sub3A_460 = arith.constant 1597463007 : i32
    %sub3A_461 = vector.broadcast %sub3A_460 : i32 to vector<16xi32>
    %sub3A_462 = arith.subi %sub3A_461, %shift_right_logical3A_459 : vector<16xi32>
    %bitcast3A_463 = vector.bitcast %sub3A_462 : vector<16xi32> to vector<16xf32>
    %mul3A_464 = arith.constant 5.000000e-01 : f32
    %mul3A_465 = vector.broadcast %mul3A_464 : f32 to vector<16xf32>
    %mul3A_466 = arith.mulf %mul3A_465, %gather3A_455 : vector<16xf32>
    %mul3A_467 = arith.mulf %mul3A_466, %bitcast3A_463 : vector<16xf32>
    %mul3A_468 = arith.mulf %mul3A_467, %bitcast3A_463 : vector<16xf32>
    %sub3A_469 = arith.constant 1.500000e+00 : f32
    %sub3A_470 = vector.broadcast %sub3A_469 : f32 to vector<16xf32>
    %sub3A_471 = arith.subf %sub3A_470, %mul3A_468 : vector<16xf32>
    %mul3A_472 = arith.mulf %bitcast3A_463, %sub3A_471 : vector<16xf32>
    %mul3A_473 = arith.constant 5.000000e-01 : f32
    %mul3A_474 = vector.broadcast %mul3A_473 : f32 to vector<16xf32>
    %mul3A_475 = arith.mulf %mul3A_474, %gather3A_455 : vector<16xf32>
    %mul3A_476 = arith.mulf %mul3A_475, %mul3A_472 : vector<16xf32>
    %mul3A_477 = arith.mulf %mul3A_476, %mul3A_472 : vector<16xf32>
    %sub3A_478 = arith.constant 1.500000e+00 : f32
    %sub3A_479 = vector.broadcast %sub3A_478 : f32 to vector<16xf32>
    %sub3A_480 = arith.subf %sub3A_479, %mul3A_477 : vector<16xf32>
    %mul3A_481 = arith.mulf %mul3A_472, %sub3A_480 : vector<16xf32>
    %mul3A_482 = arith.constant 5.000000e-01 : f32
    %mul3A_483 = vector.broadcast %mul3A_482 : f32 to vector<16xf32>
    %mul3A_484 = arith.mulf %mul3A_483, %gather3A_455 : vector<16xf32>
    %mul3A_485 = arith.mulf %mul3A_484, %mul3A_481 : vector<16xf32>
    %mul3A_486 = arith.mulf %mul3A_485, %mul3A_481 : vector<16xf32>
    %sub3A_487 = arith.constant 1.500000e+00 : f32
    %sub3A_488 = vector.broadcast %sub3A_487 : f32 to vector<16xf32>
    %sub3A_489 = arith.subf %sub3A_488, %mul3A_486 : vector<16xf32>
    %mul3A_490 = arith.mulf %mul3A_481, %sub3A_489 : vector<16xf32>
    %min3A_491 = arith.constant 1.000000e+00 : f32
    %min3A_492 = vector.broadcast %min3A_491 : f32 to vector<16xf32>
    %min3A_493 = arith.minimumf %min3A_492, %mul3A_490 : vector<16xf32>
    %mul3A_494 = arith.mulf %gather3A_451, %min3A_493 : vector<16xf32>
    %swap3A_495 = arith.constant 16 : index
    %swap3A_496 = tpu.vector_load %arg12[%swap3A_495] {strides = array<i32>} : memref<512xf32, #tpu.memory_space<vmem>>, vector<16xf32>,
    tpu.vector_store %arg12[%swap3A_495], %mul3A_494 {strides = array<i32>} : memref<512xf32, #tpu.memory_space<vmem>>, vector<16xf32>,
    %get3A_497 = arith.constant 0 : i32
    %get3A_498 = arith.index_cast %get3A_497 : i32 to index
    %get3A_499 = arith.constant 32 : index
    %get3A_500 = tpu.vector_load %arg6[%get3A_498, %get3A_499] {strides = array<i32>} : memref<4x128xi32, #tpu.memory_space<vmem>>, vector<16xi32>,
    %and3A_501 = arith.constant 127 : i32
    %and3A_502 = vector.broadcast %and3A_501 : i32 to vector<16xi32>
    %and3A_503 = arith.andi %get3A_500, %and3A_502 : vector<16xi32>
    %add3A_504 = arith.constant 32 : i32
    %add3A_505 = vector.broadcast %add3A_504 : i32 to vector<16xi32>
    %add3A_506 = arith.addi %add3A_505, %iota3A : vector<16xi32>
    %gather3A_507 = tpu.vector_load_idx %arg8[%add3A_506, %and3A_503] : memref<128x128xf32, #tpu.memory_space<vmem>>[vector<16xi32>, vector<16xi32>], vector<16xf32>,
    %add3A_508 = arith.constant 32 : i32
    %add3A_509 = vector.broadcast %add3A_508 : i32 to vector<16xi32>
    %add3A_510 = arith.addi %add3A_509, %iota3A : vector<16xi32>
    %gather3A_511 = tpu.vector_load_idx %arg10[%add3A_510, %and3A_503] : memref<128x128xf32, #tpu.memory_space<vmem>>[vector<16xi32>, vector<16xi32>], vector<16xf32>,
    %bitcast3A_512 = vector.bitcast %gather3A_511 : vector<16xf32> to vector<16xi32>
    %shift_right_logical3A_513 = arith.constant 1 : i32
    %shift_right_logical3A_514 = vector.broadcast %shift_right_logical3A_513 : i32 to vector<16xi32>
    %shift_right_logical3A_515 = arith.shrui %bitcast3A_512, %shift_right_logical3A_514 : vector<16xi32>
    %sub3A_516 = arith.constant 1597463007 : i32
    %sub3A_517 = vector.broadcast %sub3A_516 : i32 to vector<16xi32>
    %sub3A_518 = arith.subi %sub3A_517, %shift_right_logical3A_515 : vector<16xi32>
    %bitcast3A_519 = vector.bitcast %sub3A_518 : vector<16xi32> to vector<16xf32>
    %mul3A_520 = arith.constant 5.000000e-01 : f32
    %mul3A_521 = vector.broadcast %mul3A_520 : f32 to vector<16xf32>
    %mul3A_522 = arith.mulf %mul3A_521, %gather3A_511 : vector<16xf32>
    %mul3A_523 = arith.mulf %mul3A_522, %bitcast3A_519 : vector<16xf32>
    %mul3A_524 = arith.mulf %mul3A_523, %bitcast3A_519 : vector<16xf32>
    %sub3A_525 = arith.constant 1.500000e+00 : f32
    %sub3A_526 = vector.broadcast %sub3A_525 : f32 to vector<16xf32>
    %sub3A_527 = arith.subf %sub3A_526, %mul3A_524 : vector<16xf32>
    %mul3A_528 = arith.mulf %bitcast3A_519, %sub3A_527 : vector<16xf32>
    %mul3A_529 = arith.constant 5.000000e-01 : f32
    %mul3A_530 = vector.broadcast %mul3A_529 : f32 to vector<16xf32>
    %mul3A_531 = arith.mulf %mul3A_530, %gather3A_511 : vector<16xf32>
    %mul3A_532 = arith.mulf %mul3A_531, %mul3A_528 : vector<16xf32>
    %mul3A_533 = arith.mulf %mul3A_532, %mul3A_528 : vector<16xf32>
    %sub3A_534 = arith.constant 1.500000e+00 : f32
    %sub3A_535 = vector.broadcast %sub3A_534 : f32 to vector<16xf32>
    %sub3A_536 = arith.subf %sub3A_535, %mul3A_533 : vector<16xf32>
    %mul3A_537 = arith.mulf %mul3A_528, %sub3A_536 : vector<16xf32>
    %mul3A_538 = arith.constant 5.000000e-01 : f32
    %mul3A_539 = vector.broadcast %mul3A_538 : f32 to vector<16xf32>
    %mul3A_540 = arith.mulf %mul3A_539, %gather3A_511 : vector<16xf32>
    %mul3A_541 = arith.mulf %mul3A_540, %mul3A_537 : vector<16xf32>
    %mul3A_542 = arith.mulf %mul3A_541, %mul3A_537 : vector<16xf32>
    %sub3A_543 = arith.constant 1.500000e+00 : f32
    %sub3A_544 = vector.broadcast %sub3A_543 : f32 to vector<16xf32>
    %sub3A_545 = arith.subf %sub3A_544, %mul3A_542 : vector<16xf32>
    %mul3A_546 = arith.mulf %mul3A_537, %sub3A_545 : vector<16xf32>
    %min3A_547 = arith.constant 1.000000e+00 : f32
    %min3A_548 = vector.broadcast %min3A_547 : f32 to vector<16xf32>
    %min3A_549 = arith.minimumf %min3A_548, %mul3A_546 : vector<16xf32>
    %mul3A_550 = arith.mulf %gather3A_507, %min3A_549 : vector<16xf32>
    %swap3A_551 = arith.constant 32 : index
    %swap3A_552 = tpu.vector_load %arg12[%swap3A_551] {strides = array<i32>} : memref<512xf32, #tpu.memory_space<vmem>>, vector<16xf32>,
    tpu.vector_store %arg12[%swap3A_551], %mul3A_550 {strides = array<i32>} : memref<512xf32, #tpu.memory_space<vmem>>, vector<16xf32>,
    %get3A_553 = arith.constant 0 : i32
    %get3A_554 = arith.index_cast %get3A_553 : i32 to index
    %get3A_555 = arith.constant 48 : index
    %get3A_556 = tpu.vector_load %arg6[%get3A_554, %get3A_555] {strides = array<i32>} : memref<4x128xi32, #tpu.memory_space<vmem>>, vector<16xi32>,
    %and3A_557 = arith.constant 127 : i32
    %and3A_558 = vector.broadcast %and3A_557 : i32 to vector<16xi32>
    %and3A_559 = arith.andi %get3A_556, %and3A_558 : vector<16xi32>
    %add3A_560 = arith.constant 48 : i32
    %add3A_561 = vector.broadcast %add3A_560 : i32 to vector<16xi32>
    %add3A_562 = arith.addi %add3A_561, %iota3A : vector<16xi32>
    %gather3A_563 = tpu.vector_load_idx %arg8[%add3A_562, %and3A_559] : memref<128x128xf32, #tpu.memory_space<vmem>>[vector<16xi32>, vector<16xi32>], vector<16xf32>,
    %add3A_564 = arith.constant 48 : i32
    %add3A_565 = vector.broadcast %add3A_564 : i32 to vector<16xi32>
    %add3A_566 = arith.addi %add3A_565, %iota3A : vector<16xi32>
    %gather3A_567 = tpu.vector_load_idx %arg10[%add3A_566, %and3A_559] : memref<128x128xf32, #tpu.memory_space<vmem>>[vector<16xi32>, vector<16xi32>], vector<16xf32>,
    %bitcast3A_568 = vector.bitcast %gather3A_567 : vector<16xf32> to vector<16xi32>
    %shift_right_logical3A_569 = arith.constant 1 : i32
    %shift_right_logical3A_570 = vector.broadcast %shift_right_logical3A_569 : i32 to vector<16xi32>
    %shift_right_logical3A_571 = arith.shrui %bitcast3A_568, %shift_right_logical3A_570 : vector<16xi32>
    %sub3A_572 = arith.constant 1597463007 : i32
    %sub3A_573 = vector.broadcast %sub3A_572 : i32 to vector<16xi32>
    %sub3A_574 = arith.subi %sub3A_573, %shift_right_logical3A_571 : vector<16xi32>
    %bitcast3A_575 = vector.bitcast %sub3A_574 : vector<16xi32> to vector<16xf32>
    %mul3A_576 = arith.constant 5.000000e-01 : f32
    %mul3A_577 = vector.broadcast %mul3A_576 : f32 to vector<16xf32>
    %mul3A_578 = arith.mulf %mul3A_577, %gather3A_567 : vector<16xf32>
    %mul3A_579 = arith.mulf %mul3A_578, %bitcast3A_575 : vector<16xf32>
    %mul3A_580 = arith.mulf %mul3A_579, %bitcast3A_575 : vector<16xf32>
    %sub3A_581 = arith.constant 1.500000e+00 : f32
    %sub3A_582 = vector.broadcast %sub3A_581 : f32 to vector<16xf32>
    %sub3A_583 = arith.subf %sub3A_582, %mul3A_580 : vector<16xf32>
    %mul3A_584 = arith.mulf %bitcast3A_575, %sub3A_583 : vector<16xf32>
    %mul3A_585 = arith.constant 5.000000e-01 : f32
    %mul3A_586 = vector.broadcast %mul3A_585 : f32 to vector<16xf32>
    %mul3A_587 = arith.mulf %mul3A_586, %gather3A_567 : vector<16xf32>
    %mul3A_588 = arith.mulf %mul3A_587, %mul3A_584 : vector<16xf32>
    %mul3A_589 = arith.mulf %mul3A_588, %mul3A_584 : vector<16xf32>
    %sub3A_590 = arith.constant 1.500000e+00 : f32
    %sub3A_591 = vector.broadcast %sub3A_590 : f32 to vector<16xf32>
    %sub3A_592 = arith.subf %sub3A_591, %mul3A_589 : vector<16xf32>
    %mul3A_593 = arith.mulf %mul3A_584, %sub3A_592 : vector<16xf32>
    %mul3A_594 = arith.constant 5.000000e-01 : f32
    %mul3A_595 = vector.broadcast %mul3A_594 : f32 to vector<16xf32>
    %mul3A_596 = arith.mulf %mul3A_595, %gather3A_567 : vector<16xf32>
    %mul3A_597 = arith.mulf %mul3A_596, %mul3A_593 : vector<16xf32>
    %mul3A_598 = arith.mulf %mul3A_597, %mul3A_593 : vector<16xf32>
    %sub3A_599 = arith.constant 1.500000e+00 : f32
    %sub3A_600 = vector.broadcast %sub3A_599 : f32 to vector<16xf32>
    %sub3A_601 = arith.subf %sub3A_600, %mul3A_598 : vector<16xf32>
    %mul3A_602 = arith.mulf %mul3A_593, %sub3A_601 : vector<16xf32>
    %min3A_603 = arith.constant 1.000000e+00 : f32
    %min3A_604 = vector.broadcast %min3A_603 : f32 to vector<16xf32>
    %min3A_605 = arith.minimumf %min3A_604, %mul3A_602 : vector<16xf32>
    %mul3A_606 = arith.mulf %gather3A_563, %min3A_605 : vector<16xf32>
    %swap3A_607 = arith.constant 48 : index
    %swap3A_608 = tpu.vector_load %arg12[%swap3A_607] {strides = array<i32>} : memref<512xf32, #tpu.memory_space<vmem>>, vector<16xf32>,
    tpu.vector_store %arg12[%swap3A_607], %mul3A_606 {strides = array<i32>} : memref<512xf32, #tpu.memory_space<vmem>>, vector<16xf32>,
    %get3A_609 = arith.constant 0 : i32
    %get3A_610 = arith.index_cast %get3A_609 : i32 to index
    %get3A_611 = arith.constant 64 : index
    %get3A_612 = tpu.vector_load %arg6[%get3A_610, %get3A_611] {strides = array<i32>} : memref<4x128xi32, #tpu.memory_space<vmem>>, vector<16xi32>,
    %and3A_613 = arith.constant 127 : i32
    %and3A_614 = vector.broadcast %and3A_613 : i32 to vector<16xi32>
    %and3A_615 = arith.andi %get3A_612, %and3A_614 : vector<16xi32>
    %add3A_616 = arith.constant 64 : i32
    %add3A_617 = vector.broadcast %add3A_616 : i32 to vector<16xi32>
    %add3A_618 = arith.addi %add3A_617, %iota3A : vector<16xi32>
    %gather3A_619 = tpu.vector_load_idx %arg8[%add3A_618, %and3A_615] : memref<128x128xf32, #tpu.memory_space<vmem>>[vector<16xi32>, vector<16xi32>], vector<16xf32>,
    %add3A_620 = arith.constant 64 : i32
    %add3A_621 = vector.broadcast %add3A_620 : i32 to vector<16xi32>
    %add3A_622 = arith.addi %add3A_621, %iota3A : vector<16xi32>
    %gather3A_623 = tpu.vector_load_idx %arg10[%add3A_622, %and3A_615] : memref<128x128xf32, #tpu.memory_space<vmem>>[vector<16xi32>, vector<16xi32>], vector<16xf32>,
    %bitcast3A_624 = vector.bitcast %gather3A_623 : vector<16xf32> to vector<16xi32>
    %shift_right_logical3A_625 = arith.constant 1 : i32
    %shift_right_logical3A_626 = vector.broadcast %shift_right_logical3A_625 : i32 to vector<16xi32>
    %shift_right_logical3A_627 = arith.shrui %bitcast3A_624, %shift_right_logical3A_626 : vector<16xi32>
    %sub3A_628 = arith.constant 1597463007 : i32
    %sub3A_629 = vector.broadcast %sub3A_628 : i32 to vector<16xi32>
    %sub3A_630 = arith.subi %sub3A_629, %shift_right_logical3A_627 : vector<16xi32>
    %bitcast3A_631 = vector.bitcast %sub3A_630 : vector<16xi32> to vector<16xf32>
    %mul3A_632 = arith.constant 5.000000e-01 : f32
    %mul3A_633 = vector.broadcast %mul3A_632 : f32 to vector<16xf32>
    %mul3A_634 = arith.mulf %mul3A_633, %gather3A_623 : vector<16xf32>
    %mul3A_635 = arith.mulf %mul3A_634, %bitcast3A_631 : vector<16xf32>
    %mul3A_636 = arith.mulf %mul3A_635, %bitcast3A_631 : vector<16xf32>
    %sub3A_637 = arith.constant 1.500000e+00 : f32
    %sub3A_638 = vector.broadcast %sub3A_637 : f32 to vector<16xf32>
    %sub3A_639 = arith.subf %sub3A_638, %mul3A_636 : vector<16xf32>
    %mul3A_640 = arith.mulf %bitcast3A_631, %sub3A_639 : vector<16xf32>
    %mul3A_641 = arith.constant 5.000000e-01 : f32
    %mul3A_642 = vector.broadcast %mul3A_641 : f32 to vector<16xf32>
    %mul3A_643 = arith.mulf %mul3A_642, %gather3A_623 : vector<16xf32>
    %mul3A_644 = arith.mulf %mul3A_643, %mul3A_640 : vector<16xf32>
    %mul3A_645 = arith.mulf %mul3A_644, %mul3A_640 : vector<16xf32>
    %sub3A_646 = arith.constant 1.500000e+00 : f32
    %sub3A_647 = vector.broadcast %sub3A_646 : f32 to vector<16xf32>
    %sub3A_648 = arith.subf %sub3A_647, %mul3A_645 : vector<16xf32>
    %mul3A_649 = arith.mulf %mul3A_640, %sub3A_648 : vector<16xf32>
    %mul3A_650 = arith.constant 5.000000e-01 : f32
    %mul3A_651 = vector.broadcast %mul3A_650 : f32 to vector<16xf32>
    %mul3A_652 = arith.mulf %mul3A_651, %gather3A_623 : vector<16xf32>
    %mul3A_653 = arith.mulf %mul3A_652, %mul3A_649 : vector<16xf32>
    %mul3A_654 = arith.mulf %mul3A_653, %mul3A_649 : vector<16xf32>
    %sub3A_655 = arith.constant 1.500000e+00 : f32
    %sub3A_656 = vector.broadcast %sub3A_655 : f32 to vector<16xf32>
    %sub3A_657 = arith.subf %sub3A_656, %mul3A_654 : vector<16xf32>
    %mul3A_658 = arith.mulf %mul3A_649, %sub3A_657 : vector<16xf32>
    %min3A_659 = arith.constant 1.000000e+00 : f32
    %min3A_660 = vector.broadcast %min3A_659 : f32 to vector<16xf32>
    %min3A_661 = arith.minimumf %min3A_660, %mul3A_658 : vector<16xf32>
    %mul3A_662 = arith.mulf %gather3A_619, %min3A_661 : vector<16xf32>
    %swap3A_663 = arith.constant 64 : index
    %swap3A_664 = tpu.vector_load %arg12[%swap3A_663] {strides = array<i32>} : memref<512xf32, #tpu.memory_space<vmem>>, vector<16xf32>,
    tpu.vector_store %arg12[%swap3A_663], %mul3A_662 {strides = array<i32>} : memref<512xf32, #tpu.memory_space<vmem>>, vector<16xf32>,
    %get3A_665 = arith.constant 0 : i32
    %get3A_666 = arith.index_cast %get3A_665 : i32 to index
    %get3A_667 = arith.constant 80 : index
    %get3A_668 = tpu.vector_load %arg6[%get3A_666, %get3A_667] {strides = array<i32>} : memref<4x128xi32, #tpu.memory_space<vmem>>, vector<16xi32>,
    %and3A_669 = arith.constant 127 : i32
    %and3A_670 = vector.broadcast %and3A_669 : i32 to vector<16xi32>
    %and3A_671 = arith.andi %get3A_668, %and3A_670 : vector<16xi32>
    %add3A_672 = arith.constant 80 : i32
    %add3A_673 = vector.broadcast %add3A_672 : i32 to vector<16xi32>
    %add3A_674 = arith.addi %add3A_673, %iota3A : vector<16xi32>
    %gather3A_675 = tpu.vector_load_idx %arg8[%add3A_674, %and3A_671] : memref<128x128xf32, #tpu.memory_space<vmem>>[vector<16xi32>, vector<16xi32>], vector<16xf32>,
    %add3A_676 = arith.constant 80 : i32
    %add3A_677 = vector.broadcast %add3A_676 : i32 to vector<16xi32>
    %add3A_678 = arith.addi %add3A_677, %iota3A : vector<16xi32>
    %gather3A_679 = tpu.vector_load_idx %arg10[%add3A_678, %and3A_671] : memref<128x128xf32, #tpu.memory_space<vmem>>[vector<16xi32>, vector<16xi32>], vector<16xf32>,
    %bitcast3A_680 = vector.bitcast %gather3A_679 : vector<16xf32> to vector<16xi32>
    %shift_right_logical3A_681 = arith.constant 1 : i32
    %shift_right_logical3A_682 = vector.broadcast %shift_right_logical3A_681 : i32 to vector<16xi32>
    %shift_right_logical3A_683 = arith.shrui %bitcast3A_680, %shift_right_logical3A_682 : vector<16xi32>
    %sub3A_684 = arith.constant 1597463007 : i32
    %sub3A_685 = vector.broadcast %sub3A_684 : i32 to vector<16xi32>
    %sub3A_686 = arith.subi %sub3A_685, %shift_right_logical3A_683 : vector<16xi32>
    %bitcast3A_687 = vector.bitcast %sub3A_686 : vector<16xi32> to vector<16xf32>
    %mul3A_688 = arith.constant 5.000000e-01 : f32
    %mul3A_689 = vector.broadcast %mul3A_688 : f32 to vector<16xf32>
    %mul3A_690 = arith.mulf %mul3A_689, %gather3A_679 : vector<16xf32>
    %mul3A_691 = arith.mulf %mul3A_690, %bitcast3A_687 : vector<16xf32>
    %mul3A_692 = arith.mulf %mul3A_691, %bitcast3A_687 : vector<16xf32>
    %sub3A_693 = arith.constant 1.500000e+00 : f32
    %sub3A_694 = vector.broadcast %sub3A_693 : f32 to vector<16xf32>
    %sub3A_695 = arith.subf %sub3A_694, %mul3A_692 : vector<16xf32>
    %mul3A_696 = arith.mulf %bitcast3A_687, %sub3A_695 : vector<16xf32>
    %mul3A_697 = arith.constant 5.000000e-01 : f32
    %mul3A_698 = vector.broadcast %mul3A_697 : f32 to vector<16xf32>
    %mul3A_699 = arith.mulf %mul3A_698, %gather3A_679 : vector<16xf32>
    %mul3A_700 = arith.mulf %mul3A_699, %mul3A_696 : vector<16xf32>
    %mul3A_701 = arith.mulf %mul3A_700, %mul3A_696 : vector<16xf32>
    %sub3A_702 = arith.constant 1.500000e+00 : f32
    %sub3A_703 = vector.broadcast %sub3A_702 : f32 to vector<16xf32>
    %sub3A_704 = arith.subf %sub3A_703, %mul3A_701 : vector<16xf32>
    %mul3A_705 = arith.mulf %mul3A_696, %sub3A_704 : vector<16xf32>
    %mul3A_706 = arith.constant 5.000000e-01 : f32
    %mul3A_707 = vector.broadcast %mul3A_706 : f32 to vector<16xf32>
    %mul3A_708 = arith.mulf %mul3A_707, %gather3A_679 : vector<16xf32>
    %mul3A_709 = arith.mulf %mul3A_708, %mul3A_705 : vector<16xf32>
    %mul3A_710 = arith.mulf %mul3A_709, %mul3A_705 : vector<16xf32>
    %sub3A_711 = arith.constant 1.500000e+00 : f32
    %sub3A_712 = vector.broadcast %sub3A_711 : f32 to vector<16xf32>
    %sub3A_713 = arith.subf %sub3A_712, %mul3A_710 : vector<16xf32>
    %mul3A_714 = arith.mulf %mul3A_705, %sub3A_713 : vector<16xf32>
    %min3A_715 = arith.constant 1.000000e+00 : f32
    %min3A_716 = vector.broadcast %min3A_715 : f32 to vector<16xf32>
    %min3A_717 = arith.minimumf %min3A_716, %mul3A_714 : vector<16xf32>
    %mul3A_718 = arith.mulf %gather3A_675, %min3A_717 : vector<16xf32>
    %swap3A_719 = arith.constant 80 : index
    %swap3A_720 = tpu.vector_load %arg12[%swap3A_719] {strides = array<i32>} : memref<512xf32, #tpu.memory_space<vmem>>, vector<16xf32>,
    tpu.vector_store %arg12[%swap3A_719], %mul3A_718 {strides = array<i32>} : memref<512xf32, #tpu.memory_space<vmem>>, vector<16xf32>,
    %get3A_721 = arith.constant 0 : i32
    %get3A_722 = arith.index_cast %get3A_721 : i32 to index
    %get3A_723 = arith.constant 96 : index
    %get3A_724 = tpu.vector_load %arg6[%get3A_722, %get3A_723] {strides = array<i32>} : memref<4x128xi32, #tpu.memory_space<vmem>>, vector<16xi32>,
    %and3A_725 = arith.constant 127 : i32
    %and3A_726 = vector.broadcast %and3A_725 : i32 to vector<16xi32>
    %and3A_727 = arith.andi %get3A_724, %and3A_726 : vector<16xi32>
    %add3A_728 = arith.constant 96 : i32
    %add3A_729 = vector.broadcast %add3A_728 : i32 to vector<16xi32>
    %add3A_730 = arith.addi %add3A_729, %iota3A : vector<16xi32>
    %gather3A_731 = tpu.vector_load_idx %arg8[%add3A_730, %and3A_727] : memref<128x128xf32, #tpu.memory_space<vmem>>[vector<16xi32>, vector<16xi32>], vector<16xf32>,
    %add3A_732 = arith.constant 96 : i32
    %add3A_733 = vector.broadcast %add3A_732 : i32 to vector<16xi32>
    %add3A_734 = arith.addi %add3A_733, %iota3A : vector<16xi32>
    %gather3A_735 = tpu.vector_load_idx %arg10[%add3A_734, %and3A_727] : memref<128x128xf32, #tpu.memory_space<vmem>>[vector<16xi32>, vector<16xi32>], vector<16xf32>,
    %bitcast3A_736 = vector.bitcast %gather3A_735 : vector<16xf32> to vector<16xi32>
    %shift_right_logical3A_737 = arith.constant 1 : i32
    %shift_right_logical3A_738 = vector.broadcast %shift_right_logical3A_737 : i32 to vector<16xi32>
    %shift_right_logical3A_739 = arith.shrui %bitcast3A_736, %shift_right_logical3A_738 : vector<16xi32>
    %sub3A_740 = arith.constant 1597463007 : i32
    %sub3A_741 = vector.broadcast %sub3A_740 : i32 to vector<16xi32>
    %sub3A_742 = arith.subi %sub3A_741, %shift_right_logical3A_739 : vector<16xi32>
    %bitcast3A_743 = vector.bitcast %sub3A_742 : vector<16xi32> to vector<16xf32>
    %mul3A_744 = arith.constant 5.000000e-01 : f32
    %mul3A_745 = vector.broadcast %mul3A_744 : f32 to vector<16xf32>
    %mul3A_746 = arith.mulf %mul3A_745, %gather3A_735 : vector<16xf32>
    %mul3A_747 = arith.mulf %mul3A_746, %bitcast3A_743 : vector<16xf32>
    %mul3A_748 = arith.mulf %mul3A_747, %bitcast3A_743 : vector<16xf32>
    %sub3A_749 = arith.constant 1.500000e+00 : f32
    %sub3A_750 = vector.broadcast %sub3A_749 : f32 to vector<16xf32>
    %sub3A_751 = arith.subf %sub3A_750, %mul3A_748 : vector<16xf32>
    %mul3A_752 = arith.mulf %bitcast3A_743, %sub3A_751 : vector<16xf32>
    %mul3A_753 = arith.constant 5.000000e-01 : f32
    %mul3A_754 = vector.broadcast %mul3A_753 : f32 to vector<16xf32>
    %mul3A_755 = arith.mulf %mul3A_754, %gather3A_735 : vector<16xf32>
    %mul3A_756 = arith.mulf %mul3A_755, %mul3A_752 : vector<16xf32>
    %mul3A_757 = arith.mulf %mul3A_756, %mul3A_752 : vector<16xf32>
    %sub3A_758 = arith.constant 1.500000e+00 : f32
    %sub3A_759 = vector.broadcast %sub3A_758 : f32 to vector<16xf32>
    %sub3A_760 = arith.subf %sub3A_759, %mul3A_757 : vector<16xf32>
    %mul3A_761 = arith.mulf %mul3A_752, %sub3A_760 : vector<16xf32>
    %mul3A_762 = arith.constant 5.000000e-01 : f32
    %mul3A_763 = vector.broadcast %mul3A_762 : f32 to vector<16xf32>
    %mul3A_764 = arith.mulf %mul3A_763, %gather3A_735 : vector<16xf32>
    %mul3A_765 = arith.mulf %mul3A_764, %mul3A_761 : vector<16xf32>
    %mul3A_766 = arith.mulf %mul3A_765, %mul3A_761 : vector<16xf32>
    %sub3A_767 = arith.constant 1.500000e+00 : f32
    %sub3A_768 = vector.broadcast %sub3A_767 : f32 to vector<16xf32>
    %sub3A_769 = arith.subf %sub3A_768, %mul3A_766 : vector<16xf32>
    %mul3A_770 = arith.mulf %mul3A_761, %sub3A_769 : vector<16xf32>
    %min3A_771 = arith.constant 1.000000e+00 : f32
    %min3A_772 = vector.broadcast %min3A_771 : f32 to vector<16xf32>
    %min3A_773 = arith.minimumf %min3A_772, %mul3A_770 : vector<16xf32>
    %mul3A_774 = arith.mulf %gather3A_731, %min3A_773 : vector<16xf32>
    %swap3A_775 = arith.constant 96 : index
    %swap3A_776 = tpu.vector_load %arg12[%swap3A_775] {strides = array<i32>} : memref<512xf32, #tpu.memory_space<vmem>>, vector<16xf32>,
    tpu.vector_store %arg12[%swap3A_775], %mul3A_774 {strides = array<i32>} : memref<512xf32, #tpu.memory_space<vmem>>, vector<16xf32>,
    %get3A_777 = arith.constant 0 : i32
    %get3A_778 = arith.index_cast %get3A_777 : i32 to index
    %get3A_779 = arith.constant 112 : index
    %get3A_780 = tpu.vector_load %arg6[%get3A_778, %get3A_779] {strides = array<i32>} : memref<4x128xi32, #tpu.memory_space<vmem>>, vector<16xi32>,
    %and3A_781 = arith.constant 127 : i32
    %and3A_782 = vector.broadcast %and3A_781 : i32 to vector<16xi32>
    %and3A_783 = arith.andi %get3A_780, %and3A_782 : vector<16xi32>
    %add3A_784 = arith.constant 112 : i32
    %add3A_785 = vector.broadcast %add3A_784 : i32 to vector<16xi32>
    %add3A_786 = arith.addi %add3A_785, %iota3A : vector<16xi32>
    %gather3A_787 = tpu.vector_load_idx %arg8[%add3A_786, %and3A_783] : memref<128x128xf32, #tpu.memory_space<vmem>>[vector<16xi32>, vector<16xi32>], vector<16xf32>,
    %add3A_788 = arith.constant 112 : i32
    %add3A_789 = vector.broadcast %add3A_788 : i32 to vector<16xi32>
    %add3A_790 = arith.addi %add3A_789, %iota3A : vector<16xi32>
    %gather3A_791 = tpu.vector_load_idx %arg10[%add3A_790, %and3A_783] : memref<128x128xf32, #tpu.memory_space<vmem>>[vector<16xi32>, vector<16xi32>], vector<16xf32>,
    %bitcast3A_792 = vector.bitcast %gather3A_791 : vector<16xf32> to vector<16xi32>
    %shift_right_logical3A_793 = arith.constant 1 : i32
    %shift_right_logical3A_794 = vector.broadcast %shift_right_logical3A_793 : i32 to vector<16xi32>
    %shift_right_logical3A_795 = arith.shrui %bitcast3A_792, %shift_right_logical3A_794 : vector<16xi32>
    %sub3A_796 = arith.constant 1597463007 : i32
    %sub3A_797 = vector.broadcast %sub3A_796 : i32 to vector<16xi32>
    %sub3A_798 = arith.subi %sub3A_797, %shift_right_logical3A_795 : vector<16xi32>
    %bitcast3A_799 = vector.bitcast %sub3A_798 : vector<16xi32> to vector<16xf32>
    %mul3A_800 = arith.constant 5.000000e-01 : f32
    %mul3A_801 = vector.broadcast %mul3A_800 : f32 to vector<16xf32>
    %mul3A_802 = arith.mulf %mul3A_801, %gather3A_791 : vector<16xf32>
    %mul3A_803 = arith.mulf %mul3A_802, %bitcast3A_799 : vector<16xf32>
    %mul3A_804 = arith.mulf %mul3A_803, %bitcast3A_799 : vector<16xf32>
    %sub3A_805 = arith.constant 1.500000e+00 : f32
    %sub3A_806 = vector.broadcast %sub3A_805 : f32 to vector<16xf32>
    %sub3A_807 = arith.subf %sub3A_806, %mul3A_804 : vector<16xf32>
    %mul3A_808 = arith.mulf %bitcast3A_799, %sub3A_807 : vector<16xf32>
    %mul3A_809 = arith.constant 5.000000e-01 : f32
    %mul3A_810 = vector.broadcast %mul3A_809 : f32 to vector<16xf32>
    %mul3A_811 = arith.mulf %mul3A_810, %gather3A_791 : vector<16xf32>
    %mul3A_812 = arith.mulf %mul3A_811, %mul3A_808 : vector<16xf32>
    %mul3A_813 = arith.mulf %mul3A_812, %mul3A_808 : vector<16xf32>
    %sub3A_814 = arith.constant 1.500000e+00 : f32
    %sub3A_815 = vector.broadcast %sub3A_814 : f32 to vector<16xf32>
    %sub3A_816 = arith.subf %sub3A_815, %mul3A_813 : vector<16xf32>
    %mul3A_817 = arith.mulf %mul3A_808, %sub3A_816 : vector<16xf32>
    %mul3A_818 = arith.constant 5.000000e-01 : f32
    %mul3A_819 = vector.broadcast %mul3A_818 : f32 to vector<16xf32>
    %mul3A_820 = arith.mulf %mul3A_819, %gather3A_791 : vector<16xf32>
    %mul3A_821 = arith.mulf %mul3A_820, %mul3A_817 : vector<16xf32>
    %mul3A_822 = arith.mulf %mul3A_821, %mul3A_817 : vector<16xf32>
    %sub3A_823 = arith.constant 1.500000e+00 : f32
    %sub3A_824 = vector.broadcast %sub3A_823 : f32 to vector<16xf32>
    %sub3A_825 = arith.subf %sub3A_824, %mul3A_822 : vector<16xf32>
    %mul3A_826 = arith.mulf %mul3A_817, %sub3A_825 : vector<16xf32>
    %min3A_827 = arith.constant 1.000000e+00 : f32
    %min3A_828 = vector.broadcast %min3A_827 : f32 to vector<16xf32>
    %min3A_829 = arith.minimumf %min3A_828, %mul3A_826 : vector<16xf32>
    %mul3A_830 = arith.mulf %gather3A_787, %min3A_829 : vector<16xf32>
    %swap3A_831 = arith.constant 112 : index
    %swap3A_832 = tpu.vector_load %arg12[%swap3A_831] {strides = array<i32>} : memref<512xf32, #tpu.memory_space<vmem>>, vector<16xf32>,
    tpu.vector_store %arg12[%swap3A_831], %mul3A_830 {strides = array<i32>} : memref<512xf32, #tpu.memory_space<vmem>>, vector<16xf32>,
    %dma_start3A_833 = arith.constant 2 : i32
    %dma_start3A_834 = arith.constant 0 : i32
    %dma_start3A_835 = tpu.memref_slice %arg7[%dma_start3A_833, %dma_start3A_834] : memref<4x128xi32, #tpu.memory_space<vmem>> -> memref<1x128xi32, #tpu.memory_space<vmem>>
    %dma_start3A_836 = tpu.memref_squeeze %dma_start3A_835 : memref<1x128xi32, #tpu.memory_space<vmem>> -> memref<128xi32, #tpu.memory_space<vmem>>
    %dma_start3A_837 = arith.constant 0 : i32
    %dma_start3A_838 = arith.constant 0 : i32
    %dma_start3A_839 = tpu.memref_slice %arg3[%dma_start3A_837, %dma_start3A_838] : memref<7936x128xf32, #tpu.memory_space<hbm>> -> memref<7936x128xf32, #tpu.memory_space<hbm>>
    tpu.enqueue_indirect_dma source(%dma_start3A_839 : memref<7936x128xf32, #tpu.memory_space<hbm>>) target(%arg8 : memref<128x128xf32, #tpu.memory_space<vmem>>) offsets(%dma_start3A_836 : memref<128xi32, #tpu.memory_space<vmem>>) semaphore(%arg13 : memref<!tpu.dma_semaphore, #tpu.memory_space<semaphore_mem>>)
    %dma_start3A_840 = arith.constant 2 : i32
    %dma_start3A_841 = arith.constant 0 : i32
    %dma_start3A_842 = tpu.memref_slice %arg7[%dma_start3A_840, %dma_start3A_841] : memref<4x128xi32, #tpu.memory_space<vmem>> -> memref<1x128xi32, #tpu.memory_space<vmem>>
    %dma_start3A_843 = tpu.memref_squeeze %dma_start3A_842 : memref<1x128xi32, #tpu.memory_space<vmem>> -> memref<128xi32, #tpu.memory_space<vmem>>
    %dma_start3A_844 = arith.constant 0 : i32
    %dma_start3A_845 = arith.constant 0 : i32
    %dma_start3A_846 = tpu.memref_slice %arg4[%dma_start3A_844, %dma_start3A_845] : memref<7936x128xf32, #tpu.memory_space<hbm>> -> memref<7936x128xf32, #tpu.memory_space<hbm>>
    tpu.enqueue_indirect_dma source(%dma_start3A_846 : memref<7936x128xf32, #tpu.memory_space<hbm>>) target(%arg10 : memref<128x128xf32, #tpu.memory_space<vmem>>) offsets(%dma_start3A_843 : memref<128xi32, #tpu.memory_space<vmem>>) semaphore(%arg13 : memref<!tpu.dma_semaphore, #tpu.memory_space<semaphore_mem>>)
    %dma_wait3A_847 = arith.constant 1 : i32
    %dma_wait3A_848 = arith.constant 0 : i32
    %dma_wait3A_849 = tpu.memref_slice %arg7[%dma_wait3A_847, %dma_wait3A_848] : memref<4x128xi32, #tpu.memory_space<vmem>> -> memref<1x128xi32, #tpu.memory_space<vmem>>
    %dma_wait3A_850 = tpu.memref_squeeze %dma_wait3A_849 : memref<1x128xi32, #tpu.memory_space<vmem>> -> memref<128xi32, #tpu.memory_space<vmem>>
    %dma_wait3A_851 = arith.constant 0 : i32
    %dma_wait3A_852 = arith.constant 0 : i32
    %dma_wait3A_853 = tpu.memref_slice %arg3[%dma_wait3A_851, %dma_wait3A_852] : memref<7936x128xf32, #tpu.memory_space<hbm>> -> memref<7936x128xf32, #tpu.memory_space<hbm>>
    tpu.wait_indirect_dma semaphore(%arg14 : memref<!tpu.dma_semaphore, #tpu.memory_space<semaphore_mem>>) src(%dma_wait3A_853 : memref<7936x128xf32, #tpu.memory_space<hbm>>) dst(%arg9 : memref<128x128xf32, #tpu.memory_space<vmem>>)
    %dma_wait3A_854 = arith.constant 1 : i32
    %dma_wait3A_855 = arith.constant 0 : i32
    %dma_wait3A_856 = tpu.memref_slice %arg7[%dma_wait3A_854, %dma_wait3A_855] : memref<4x128xi32, #tpu.memory_space<vmem>> -> memref<1x128xi32, #tpu.memory_space<vmem>>
    %dma_wait3A_857 = tpu.memref_squeeze %dma_wait3A_856 : memref<1x128xi32, #tpu.memory_space<vmem>> -> memref<128xi32, #tpu.memory_space<vmem>>
    %dma_wait3A_858 = arith.constant 0 : i32
    %dma_wait3A_859 = arith.constant 0 : i32
    %dma_wait3A_860 = tpu.memref_slice %arg4[%dma_wait3A_858, %dma_wait3A_859] : memref<7936x128xf32, #tpu.memory_space<hbm>> -> memref<7936x128xf32, #tpu.memory_space<hbm>>
    tpu.wait_indirect_dma semaphore(%arg14 : memref<!tpu.dma_semaphore, #tpu.memory_space<semaphore_mem>>) src(%dma_wait3A_860 : memref<7936x128xf32, #tpu.memory_space<hbm>>) dst(%arg11 : memref<128x128xf32, #tpu.memory_space<vmem>>)
    %iota3A_861 = tpu.iota {dimensions = array<i32: 0>} : vector<16xi32>
    %get3A_862 = arith.constant 1 : i32
    %get3A_863 = arith.index_cast %get3A_862 : i32 to index
    %get3A_864 = arith.constant 0 : index
    %get3A_865 = tpu.vector_load %arg6[%get3A_863, %get3A_864] {strides = array<i32>} : memref<4x128xi32, #tpu.memory_space<vmem>>, vector<16xi32>,
    %and3A_866 = arith.constant 127 : i32
    %and3A_867 = vector.broadcast %and3A_866 : i32 to vector<16xi32>
    %and3A_868 = arith.andi %get3A_865, %and3A_867 : vector<16xi32>
    %add3A_869 = arith.constant 0 : i32
    %add3A_870 = vector.broadcast %add3A_869 : i32 to vector<16xi32>
    %add3A_871 = arith.addi %add3A_870, %iota3A_861 : vector<16xi32>
    %gather3A_872 = tpu.vector_load_idx %arg9[%add3A_871, %and3A_868] : memref<128x128xf32, #tpu.memory_space<vmem>>[vector<16xi32>, vector<16xi32>], vector<16xf32>,
    %add3A_873 = arith.constant 0 : i32
    %add3A_874 = vector.broadcast %add3A_873 : i32 to vector<16xi32>
    %add3A_875 = arith.addi %add3A_874, %iota3A_861 : vector<16xi32>
    %gather3A_876 = tpu.vector_load_idx %arg11[%add3A_875, %and3A_868] : memref<128x128xf32, #tpu.memory_space<vmem>>[vector<16xi32>, vector<16xi32>], vector<16xf32>,
    %bitcast3A_877 = vector.bitcast %gather3A_876 : vector<16xf32> to vector<16xi32>
    %shift_right_logical3A_878 = arith.constant 1 : i32
    %shift_right_logical3A_879 = vector.broadcast %shift_right_logical3A_878 : i32 to vector<16xi32>
    %shift_right_logical3A_880 = arith.shrui %bitcast3A_877, %shift_right_logical3A_879 : vector<16xi32>
    %sub3A_881 = arith.constant 1597463007 : i32
    %sub3A_882 = vector.broadcast %sub3A_881 : i32 to vector<16xi32>
    %sub3A_883 = arith.subi %sub3A_882, %shift_right_logical3A_880 : vector<16xi32>
    %bitcast3A_884 = vector.bitcast %sub3A_883 : vector<16xi32> to vector<16xf32>
    %mul3A_885 = arith.constant 5.000000e-01 : f32
    %mul3A_886 = vector.broadcast %mul3A_885 : f32 to vector<16xf32>
    %mul3A_887 = arith.mulf %mul3A_886, %gather3A_876 : vector<16xf32>
    %mul3A_888 = arith.mulf %mul3A_887, %bitcast3A_884 : vector<16xf32>
    %mul3A_889 = arith.mulf %mul3A_888, %bitcast3A_884 : vector<16xf32>
    %sub3A_890 = arith.constant 1.500000e+00 : f32
    %sub3A_891 = vector.broadcast %sub3A_890 : f32 to vector<16xf32>
    %sub3A_892 = arith.subf %sub3A_891, %mul3A_889 : vector<16xf32>
    %mul3A_893 = arith.mulf %bitcast3A_884, %sub3A_892 : vector<16xf32>
    %mul3A_894 = arith.constant 5.000000e-01 : f32
    %mul3A_895 = vector.broadcast %mul3A_894 : f32 to vector<16xf32>
    %mul3A_896 = arith.mulf %mul3A_895, %gather3A_876 : vector<16xf32>
    %mul3A_897 = arith.mulf %mul3A_896, %mul3A_893 : vector<16xf32>
    %mul3A_898 = arith.mulf %mul3A_897, %mul3A_893 : vector<16xf32>
    %sub3A_899 = arith.constant 1.500000e+00 : f32
    %sub3A_900 = vector.broadcast %sub3A_899 : f32 to vector<16xf32>
    %sub3A_901 = arith.subf %sub3A_900, %mul3A_898 : vector<16xf32>
    %mul3A_902 = arith.mulf %mul3A_893, %sub3A_901 : vector<16xf32>
    %mul3A_903 = arith.constant 5.000000e-01 : f32
    %mul3A_904 = vector.broadcast %mul3A_903 : f32 to vector<16xf32>
    %mul3A_905 = arith.mulf %mul3A_904, %gather3A_876 : vector<16xf32>
    %mul3A_906 = arith.mulf %mul3A_905, %mul3A_902 : vector<16xf32>
    %mul3A_907 = arith.mulf %mul3A_906, %mul3A_902 : vector<16xf32>
    %sub3A_908 = arith.constant 1.500000e+00 : f32
    %sub3A_909 = vector.broadcast %sub3A_908 : f32 to vector<16xf32>
    %sub3A_910 = arith.subf %sub3A_909, %mul3A_907 : vector<16xf32>
    %mul3A_911 = arith.mulf %mul3A_902, %sub3A_910 : vector<16xf32>
    %min3A_912 = arith.constant 1.000000e+00 : f32
    %min3A_913 = vector.broadcast %min3A_912 : f32 to vector<16xf32>
    %min3A_914 = arith.minimumf %min3A_913, %mul3A_911 : vector<16xf32>
    %mul3A_915 = arith.mulf %gather3A_872, %min3A_914 : vector<16xf32>
    %swap3A_916 = arith.constant 128 : index
    %swap3A_917 = tpu.vector_load %arg12[%swap3A_916] {strides = array<i32>} : memref<512xf32, #tpu.memory_space<vmem>>, vector<16xf32>,
    tpu.vector_store %arg12[%swap3A_916], %mul3A_915 {strides = array<i32>} : memref<512xf32, #tpu.memory_space<vmem>>, vector<16xf32>,
    %get3A_918 = arith.constant 1 : i32
    %get3A_919 = arith.index_cast %get3A_918 : i32 to index
    %get3A_920 = arith.constant 16 : index
    %get3A_921 = tpu.vector_load %arg6[%get3A_919, %get3A_920] {strides = array<i32>} : memref<4x128xi32, #tpu.memory_space<vmem>>, vector<16xi32>,
    %and3A_922 = arith.constant 127 : i32
    %and3A_923 = vector.broadcast %and3A_922 : i32 to vector<16xi32>
    %and3A_924 = arith.andi %get3A_921, %and3A_923 : vector<16xi32>
    %add3A_925 = arith.constant 16 : i32
    %add3A_926 = vector.broadcast %add3A_925 : i32 to vector<16xi32>
    %add3A_927 = arith.addi %add3A_926, %iota3A_861 : vector<16xi32>
    %gather3A_928 = tpu.vector_load_idx %arg9[%add3A_927, %and3A_924] : memref<128x128xf32, #tpu.memory_space<vmem>>[vector<16xi32>, vector<16xi32>], vector<16xf32>,
    %add3A_929 = arith.constant 16 : i32
    %add3A_930 = vector.broadcast %add3A_929 : i32 to vector<16xi32>
    %add3A_931 = arith.addi %add3A_930, %iota3A_861 : vector<16xi32>
    %gather3A_932 = tpu.vector_load_idx %arg11[%add3A_931, %and3A_924] : memref<128x128xf32, #tpu.memory_space<vmem>>[vector<16xi32>, vector<16xi32>], vector<16xf32>,
    %bitcast3A_933 = vector.bitcast %gather3A_932 : vector<16xf32> to vector<16xi32>
    %shift_right_logical3A_934 = arith.constant 1 : i32
    %shift_right_logical3A_935 = vector.broadcast %shift_right_logical3A_934 : i32 to vector<16xi32>
    %shift_right_logical3A_936 = arith.shrui %bitcast3A_933, %shift_right_logical3A_935 : vector<16xi32>
    %sub3A_937 = arith.constant 1597463007 : i32
    %sub3A_938 = vector.broadcast %sub3A_937 : i32 to vector<16xi32>
    %sub3A_939 = arith.subi %sub3A_938, %shift_right_logical3A_936 : vector<16xi32>
    %bitcast3A_940 = vector.bitcast %sub3A_939 : vector<16xi32> to vector<16xf32>
    %mul3A_941 = arith.constant 5.000000e-01 : f32
    %mul3A_942 = vector.broadcast %mul3A_941 : f32 to vector<16xf32>
    %mul3A_943 = arith.mulf %mul3A_942, %gather3A_932 : vector<16xf32>
    %mul3A_944 = arith.mulf %mul3A_943, %bitcast3A_940 : vector<16xf32>
    %mul3A_945 = arith.mulf %mul3A_944, %bitcast3A_940 : vector<16xf32>
    %sub3A_946 = arith.constant 1.500000e+00 : f32
    %sub3A_947 = vector.broadcast %sub3A_946 : f32 to vector<16xf32>
    %sub3A_948 = arith.subf %sub3A_947, %mul3A_945 : vector<16xf32>
    %mul3A_949 = arith.mulf %bitcast3A_940, %sub3A_948 : vector<16xf32>
    %mul3A_950 = arith.constant 5.000000e-01 : f32
    %mul3A_951 = vector.broadcast %mul3A_950 : f32 to vector<16xf32>
    %mul3A_952 = arith.mulf %mul3A_951, %gather3A_932 : vector<16xf32>
    %mul3A_953 = arith.mulf %mul3A_952, %mul3A_949 : vector<16xf32>
    %mul3A_954 = arith.mulf %mul3A_953, %mul3A_949 : vector<16xf32>
    %sub3A_955 = arith.constant 1.500000e+00 : f32
    %sub3A_956 = vector.broadcast %sub3A_955 : f32 to vector<16xf32>
    %sub3A_957 = arith.subf %sub3A_956, %mul3A_954 : vector<16xf32>
    %mul3A_958 = arith.mulf %mul3A_949, %sub3A_957 : vector<16xf32>
    %mul3A_959 = arith.constant 5.000000e-01 : f32
    %mul3A_960 = vector.broadcast %mul3A_959 : f32 to vector<16xf32>
    %mul3A_961 = arith.mulf %mul3A_960, %gather3A_932 : vector<16xf32>
    %mul3A_962 = arith.mulf %mul3A_961, %mul3A_958 : vector<16xf32>
    %mul3A_963 = arith.mulf %mul3A_962, %mul3A_958 : vector<16xf32>
    %sub3A_964 = arith.constant 1.500000e+00 : f32
    %sub3A_965 = vector.broadcast %sub3A_964 : f32 to vector<16xf32>
    %sub3A_966 = arith.subf %sub3A_965, %mul3A_963 : vector<16xf32>
    %mul3A_967 = arith.mulf %mul3A_958, %sub3A_966 : vector<16xf32>
    %min3A_968 = arith.constant 1.000000e+00 : f32
    %min3A_969 = vector.broadcast %min3A_968 : f32 to vector<16xf32>
    %min3A_970 = arith.minimumf %min3A_969, %mul3A_967 : vector<16xf32>
    %mul3A_971 = arith.mulf %gather3A_928, %min3A_970 : vector<16xf32>
    %swap3A_972 = arith.constant 144 : index
    %swap3A_973 = tpu.vector_load %arg12[%swap3A_972] {strides = array<i32>} : memref<512xf32, #tpu.memory_space<vmem>>, vector<16xf32>,
    tpu.vector_store %arg12[%swap3A_972], %mul3A_971 {strides = array<i32>} : memref<512xf32, #tpu.memory_space<vmem>>, vector<16xf32>,
    %get3A_974 = arith.constant 1 : i32
    %get3A_975 = arith.index_cast %get3A_974 : i32 to index
    %get3A_976 = arith.constant 32 : index
    %get3A_977 = tpu.vector_load %arg6[%get3A_975, %get3A_976] {strides = array<i32>} : memref<4x128xi32, #tpu.memory_space<vmem>>, vector<16xi32>,
    %and3A_978 = arith.constant 127 : i32
    %and3A_979 = vector.broadcast %and3A_978 : i32 to vector<16xi32>
    %and3A_980 = arith.andi %get3A_977, %and3A_979 : vector<16xi32>
    %add3A_981 = arith.constant 32 : i32
    %add3A_982 = vector.broadcast %add3A_981 : i32 to vector<16xi32>
    %add3A_983 = arith.addi %add3A_982, %iota3A_861 : vector<16xi32>
    %gather3A_984 = tpu.vector_load_idx %arg9[%add3A_983, %and3A_980] : memref<128x128xf32, #tpu.memory_space<vmem>>[vector<16xi32>, vector<16xi32>], vector<16xf32>,
    %add3A_985 = arith.constant 32 : i32
    %add3A_986 = vector.broadcast %add3A_985 : i32 to vector<16xi32>
    %add3A_987 = arith.addi %add3A_986, %iota3A_861 : vector<16xi32>
    %gather3A_988 = tpu.vector_load_idx %arg11[%add3A_987, %and3A_980] : memref<128x128xf32, #tpu.memory_space<vmem>>[vector<16xi32>, vector<16xi32>], vector<16xf32>,
    %bitcast3A_989 = vector.bitcast %gather3A_988 : vector<16xf32> to vector<16xi32>
    %shift_right_logical3A_990 = arith.constant 1 : i32
    %shift_right_logical3A_991 = vector.broadcast %shift_right_logical3A_990 : i32 to vector<16xi32>
    %shift_right_logical3A_992 = arith.shrui %bitcast3A_989, %shift_right_logical3A_991 : vector<16xi32>
    %sub3A_993 = arith.constant 1597463007 : i32
    %sub3A_994 = vector.broadcast %sub3A_993 : i32 to vector<16xi32>
    %sub3A_995 = arith.subi %sub3A_994, %shift_right_logical3A_992 : vector<16xi32>
    %bitcast3A_996 = vector.bitcast %sub3A_995 : vector<16xi32> to vector<16xf32>
    %mul3A_997 = arith.constant 5.000000e-01 : f32
    %mul3A_998 = vector.broadcast %mul3A_997 : f32 to vector<16xf32>
    %mul3A_999 = arith.mulf %mul3A_998, %gather3A_988 : vector<16xf32>
    %mul3A_1000 = arith.mulf %mul3A_999, %bitcast3A_996 : vector<16xf32>
    %mul3A_1001 = arith.mulf %mul3A_1000, %bitcast3A_996 : vector<16xf32>
    %sub3A_1002 = arith.constant 1.500000e+00 : f32
    %sub3A_1003 = vector.broadcast %sub3A_1002 : f32 to vector<16xf32>
    %sub3A_1004 = arith.subf %sub3A_1003, %mul3A_1001 : vector<16xf32>
    %mul3A_1005 = arith.mulf %bitcast3A_996, %sub3A_1004 : vector<16xf32>
    %mul3A_1006 = arith.constant 5.000000e-01 : f32
    %mul3A_1007 = vector.broadcast %mul3A_1006 : f32 to vector<16xf32>
    %mul3A_1008 = arith.mulf %mul3A_1007, %gather3A_988 : vector<16xf32>
    %mul3A_1009 = arith.mulf %mul3A_1008, %mul3A_1005 : vector<16xf32>
    %mul3A_1010 = arith.mulf %mul3A_1009, %mul3A_1005 : vector<16xf32>
    %sub3A_1011 = arith.constant 1.500000e+00 : f32
    %sub3A_1012 = vector.broadcast %sub3A_1011 : f32 to vector<16xf32>
    %sub3A_1013 = arith.subf %sub3A_1012, %mul3A_1010 : vector<16xf32>
    %mul3A_1014 = arith.mulf %mul3A_1005, %sub3A_1013 : vector<16xf32>
    %mul3A_1015 = arith.constant 5.000000e-01 : f32
    %mul3A_1016 = vector.broadcast %mul3A_1015 : f32 to vector<16xf32>
    %mul3A_1017 = arith.mulf %mul3A_1016, %gather3A_988 : vector<16xf32>
    %mul3A_1018 = arith.mulf %mul3A_1017, %mul3A_1014 : vector<16xf32>
    %mul3A_1019 = arith.mulf %mul3A_1018, %mul3A_1014 : vector<16xf32>
    %sub3A_1020 = arith.constant 1.500000e+00 : f32
    %sub3A_1021 = vector.broadcast %sub3A_1020 : f32 to vector<16xf32>
    %sub3A_1022 = arith.subf %sub3A_1021, %mul3A_1019 : vector<16xf32>
    %mul3A_1023 = arith.mulf %mul3A_1014, %sub3A_1022 : vector<16xf32>
    %min3A_1024 = arith.constant 1.000000e+00 : f32
    %min3A_1025 = vector.broadcast %min3A_1024 : f32 to vector<16xf32>
    %min3A_1026 = arith.minimumf %min3A_1025, %mul3A_1023 : vector<16xf32>
    %mul3A_1027 = arith.mulf %gather3A_984, %min3A_1026 : vector<16xf32>
    %swap3A_1028 = arith.constant 160 : index
    %swap3A_1029 = tpu.vector_load %arg12[%swap3A_1028] {strides = array<i32>} : memref<512xf32, #tpu.memory_space<vmem>>, vector<16xf32>,
    tpu.vector_store %arg12[%swap3A_1028], %mul3A_1027 {strides = array<i32>} : memref<512xf32, #tpu.memory_space<vmem>>, vector<16xf32>,
    %get3A_1030 = arith.constant 1 : i32
    %get3A_1031 = arith.index_cast %get3A_1030 : i32 to index
    %get3A_1032 = arith.constant 48 : index
    %get3A_1033 = tpu.vector_load %arg6[%get3A_1031, %get3A_1032] {strides = array<i32>} : memref<4x128xi32, #tpu.memory_space<vmem>>, vector<16xi32>,
    %and3A_1034 = arith.constant 127 : i32
    %and3A_1035 = vector.broadcast %and3A_1034 : i32 to vector<16xi32>
    %and3A_1036 = arith.andi %get3A_1033, %and3A_1035 : vector<16xi32>
    %add3A_1037 = arith.constant 48 : i32
    %add3A_1038 = vector.broadcast %add3A_1037 : i32 to vector<16xi32>
    %add3A_1039 = arith.addi %add3A_1038, %iota3A_861 : vector<16xi32>
    %gather3A_1040 = tpu.vector_load_idx %arg9[%add3A_1039, %and3A_1036] : memref<128x128xf32, #tpu.memory_space<vmem>>[vector<16xi32>, vector<16xi32>], vector<16xf32>,
    %add3A_1041 = arith.constant 48 : i32
    %add3A_1042 = vector.broadcast %add3A_1041 : i32 to vector<16xi32>
    %add3A_1043 = arith.addi %add3A_1042, %iota3A_861 : vector<16xi32>
    %gather3A_1044 = tpu.vector_load_idx %arg11[%add3A_1043, %and3A_1036] : memref<128x128xf32, #tpu.memory_space<vmem>>[vector<16xi32>, vector<16xi32>], vector<16xf32>,
    %bitcast3A_1045 = vector.bitcast %gather3A_1044 : vector<16xf32> to vector<16xi32>
    %shift_right_logical3A_1046 = arith.constant 1 : i32
    %shift_right_logical3A_1047 = vector.broadcast %shift_right_logical3A_1046 : i32 to vector<16xi32>
    %shift_right_logical3A_1048 = arith.shrui %bitcast3A_1045, %shift_right_logical3A_1047 : vector<16xi32>
    %sub3A_1049 = arith.constant 1597463007 : i32
    %sub3A_1050 = vector.broadcast %sub3A_1049 : i32 to vector<16xi32>
    %sub3A_1051 = arith.subi %sub3A_1050, %shift_right_logical3A_1048 : vector<16xi32>
    %bitcast3A_1052 = vector.bitcast %sub3A_1051 : vector<16xi32> to vector<16xf32>
    %mul3A_1053 = arith.constant 5.000000e-01 : f32
    %mul3A_1054 = vector.broadcast %mul3A_1053 : f32 to vector<16xf32>
    %mul3A_1055 = arith.mulf %mul3A_1054, %gather3A_1044 : vector<16xf32>
    %mul3A_1056 = arith.mulf %mul3A_1055, %bitcast3A_1052 : vector<16xf32>
    %mul3A_1057 = arith.mulf %mul3A_1056, %bitcast3A_1052 : vector<16xf32>
    %sub3A_1058 = arith.constant 1.500000e+00 : f32
    %sub3A_1059 = vector.broadcast %sub3A_1058 : f32 to vector<16xf32>
    %sub3A_1060 = arith.subf %sub3A_1059, %mul3A_1057 : vector<16xf32>
    %mul3A_1061 = arith.mulf %bitcast3A_1052, %sub3A_1060 : vector<16xf32>
    %mul3A_1062 = arith.constant 5.000000e-01 : f32
    %mul3A_1063 = vector.broadcast %mul3A_1062 : f32 to vector<16xf32>
    %mul3A_1064 = arith.mulf %mul3A_1063, %gather3A_1044 : vector<16xf32>
    %mul3A_1065 = arith.mulf %mul3A_1064, %mul3A_1061 : vector<16xf32>
    %mul3A_1066 = arith.mulf %mul3A_1065, %mul3A_1061 : vector<16xf32>
    %sub3A_1067 = arith.constant 1.500000e+00 : f32
    %sub3A_1068 = vector.broadcast %sub3A_1067 : f32 to vector<16xf32>
    %sub3A_1069 = arith.subf %sub3A_1068, %mul3A_1066 : vector<16xf32>
    %mul3A_1070 = arith.mulf %mul3A_1061, %sub3A_1069 : vector<16xf32>
    %mul3A_1071 = arith.constant 5.000000e-01 : f32
    %mul3A_1072 = vector.broadcast %mul3A_1071 : f32 to vector<16xf32>
    %mul3A_1073 = arith.mulf %mul3A_1072, %gather3A_1044 : vector<16xf32>
    %mul3A_1074 = arith.mulf %mul3A_1073, %mul3A_1070 : vector<16xf32>
    %mul3A_1075 = arith.mulf %mul3A_1074, %mul3A_1070 : vector<16xf32>
    %sub3A_1076 = arith.constant 1.500000e+00 : f32
    %sub3A_1077 = vector.broadcast %sub3A_1076 : f32 to vector<16xf32>
    %sub3A_1078 = arith.subf %sub3A_1077, %mul3A_1075 : vector<16xf32>
    %mul3A_1079 = arith.mulf %mul3A_1070, %sub3A_1078 : vector<16xf32>
    %min3A_1080 = arith.constant 1.000000e+00 : f32
    %min3A_1081 = vector.broadcast %min3A_1080 : f32 to vector<16xf32>
    %min3A_1082 = arith.minimumf %min3A_1081, %mul3A_1079 : vector<16xf32>
    %mul3A_1083 = arith.mulf %gather3A_1040, %min3A_1082 : vector<16xf32>
    %swap3A_1084 = arith.constant 176 : index
    %swap3A_1085 = tpu.vector_load %arg12[%swap3A_1084] {strides = array<i32>} : memref<512xf32, #tpu.memory_space<vmem>>, vector<16xf32>,
    tpu.vector_store %arg12[%swap3A_1084], %mul3A_1083 {strides = array<i32>} : memref<512xf32, #tpu.memory_space<vmem>>, vector<16xf32>,
    %get3A_1086 = arith.constant 1 : i32
    %get3A_1087 = arith.index_cast %get3A_1086 : i32 to index
    %get3A_1088 = arith.constant 64 : index
    %get3A_1089 = tpu.vector_load %arg6[%get3A_1087, %get3A_1088] {strides = array<i32>} : memref<4x128xi32, #tpu.memory_space<vmem>>, vector<16xi32>,
    %and3A_1090 = arith.constant 127 : i32
    %and3A_1091 = vector.broadcast %and3A_1090 : i32 to vector<16xi32>
    %and3A_1092 = arith.andi %get3A_1089, %and3A_1091 : vector<16xi32>
    %add3A_1093 = arith.constant 64 : i32
    %add3A_1094 = vector.broadcast %add3A_1093 : i32 to vector<16xi32>
    %add3A_1095 = arith.addi %add3A_1094, %iota3A_861 : vector<16xi32>
    %gather3A_1096 = tpu.vector_load_idx %arg9[%add3A_1095, %and3A_1092] : memref<128x128xf32, #tpu.memory_space<vmem>>[vector<16xi32>, vector<16xi32>], vector<16xf32>,
    %add3A_1097 = arith.constant 64 : i32
    %add3A_1098 = vector.broadcast %add3A_1097 : i32 to vector<16xi32>
    %add3A_1099 = arith.addi %add3A_1098, %iota3A_861 : vector<16xi32>
    %gather3A_1100 = tpu.vector_load_idx %arg11[%add3A_1099, %and3A_1092] : memref<128x128xf32, #tpu.memory_space<vmem>>[vector<16xi32>, vector<16xi32>], vector<16xf32>,
    %bitcast3A_1101 = vector.bitcast %gather3A_1100 : vector<16xf32> to vector<16xi32>
    %shift_right_logical3A_1102 = arith.constant 1 : i32
    %shift_right_logical3A_1103 = vector.broadcast %shift_right_logical3A_1102 : i32 to vector<16xi32>
    %shift_right_logical3A_1104 = arith.shrui %bitcast3A_1101, %shift_right_logical3A_1103 : vector<16xi32>
    %sub3A_1105 = arith.constant 1597463007 : i32
    %sub3A_1106 = vector.broadcast %sub3A_1105 : i32 to vector<16xi32>
    %sub3A_1107 = arith.subi %sub3A_1106, %shift_right_logical3A_1104 : vector<16xi32>
    %bitcast3A_1108 = vector.bitcast %sub3A_1107 : vector<16xi32> to vector<16xf32>
    %mul3A_1109 = arith.constant 5.000000e-01 : f32
    %mul3A_1110 = vector.broadcast %mul3A_1109 : f32 to vector<16xf32>
    %mul3A_1111 = arith.mulf %mul3A_1110, %gather3A_1100 : vector<16xf32>
    %mul3A_1112 = arith.mulf %mul3A_1111, %bitcast3A_1108 : vector<16xf32>
    %mul3A_1113 = arith.mulf %mul3A_1112, %bitcast3A_1108 : vector<16xf32>
    %sub3A_1114 = arith.constant 1.500000e+00 : f32
    %sub3A_1115 = vector.broadcast %sub3A_1114 : f32 to vector<16xf32>
    %sub3A_1116 = arith.subf %sub3A_1115, %mul3A_1113 : vector<16xf32>
    %mul3A_1117 = arith.mulf %bitcast3A_1108, %sub3A_1116 : vector<16xf32>
    %mul3A_1118 = arith.constant 5.000000e-01 : f32
    %mul3A_1119 = vector.broadcast %mul3A_1118 : f32 to vector<16xf32>
    %mul3A_1120 = arith.mulf %mul3A_1119, %gather3A_1100 : vector<16xf32>
    %mul3A_1121 = arith.mulf %mul3A_1120, %mul3A_1117 : vector<16xf32>
    %mul3A_1122 = arith.mulf %mul3A_1121, %mul3A_1117 : vector<16xf32>
    %sub3A_1123 = arith.constant 1.500000e+00 : f32
    %sub3A_1124 = vector.broadcast %sub3A_1123 : f32 to vector<16xf32>
    %sub3A_1125 = arith.subf %sub3A_1124, %mul3A_1122 : vector<16xf32>
    %mul3A_1126 = arith.mulf %mul3A_1117, %sub3A_1125 : vector<16xf32>
    %mul3A_1127 = arith.constant 5.000000e-01 : f32
    %mul3A_1128 = vector.broadcast %mul3A_1127 : f32 to vector<16xf32>
    %mul3A_1129 = arith.mulf %mul3A_1128, %gather3A_1100 : vector<16xf32>
    %mul3A_1130 = arith.mulf %mul3A_1129, %mul3A_1126 : vector<16xf32>
    %mul3A_1131 = arith.mulf %mul3A_1130, %mul3A_1126 : vector<16xf32>
    %sub3A_1132 = arith.constant 1.500000e+00 : f32
    %sub3A_1133 = vector.broadcast %sub3A_1132 : f32 to vector<16xf32>
    %sub3A_1134 = arith.subf %sub3A_1133, %mul3A_1131 : vector<16xf32>
    %mul3A_1135 = arith.mulf %mul3A_1126, %sub3A_1134 : vector<16xf32>
    %min3A_1136 = arith.constant 1.000000e+00 : f32
    %min3A_1137 = vector.broadcast %min3A_1136 : f32 to vector<16xf32>
    %min3A_1138 = arith.minimumf %min3A_1137, %mul3A_1135 : vector<16xf32>
    %mul3A_1139 = arith.mulf %gather3A_1096, %min3A_1138 : vector<16xf32>
    %swap3A_1140 = arith.constant 192 : index
    %swap3A_1141 = tpu.vector_load %arg12[%swap3A_1140] {strides = array<i32>} : memref<512xf32, #tpu.memory_space<vmem>>, vector<16xf32>,
    tpu.vector_store %arg12[%swap3A_1140], %mul3A_1139 {strides = array<i32>} : memref<512xf32, #tpu.memory_space<vmem>>, vector<16xf32>,
    %get3A_1142 = arith.constant 1 : i32
    %get3A_1143 = arith.index_cast %get3A_1142 : i32 to index
    %get3A_1144 = arith.constant 80 : index
    %get3A_1145 = tpu.vector_load %arg6[%get3A_1143, %get3A_1144] {strides = array<i32>} : memref<4x128xi32, #tpu.memory_space<vmem>>, vector<16xi32>,
    %and3A_1146 = arith.constant 127 : i32
    %and3A_1147 = vector.broadcast %and3A_1146 : i32 to vector<16xi32>
    %and3A_1148 = arith.andi %get3A_1145, %and3A_1147 : vector<16xi32>
    %add3A_1149 = arith.constant 80 : i32
    %add3A_1150 = vector.broadcast %add3A_1149 : i32 to vector<16xi32>
    %add3A_1151 = arith.addi %add3A_1150, %iota3A_861 : vector<16xi32>
    %gather3A_1152 = tpu.vector_load_idx %arg9[%add3A_1151, %and3A_1148] : memref<128x128xf32, #tpu.memory_space<vmem>>[vector<16xi32>, vector<16xi32>], vector<16xf32>,
    %add3A_1153 = arith.constant 80 : i32
    %add3A_1154 = vector.broadcast %add3A_1153 : i32 to vector<16xi32>
    %add3A_1155 = arith.addi %add3A_1154, %iota3A_861 : vector<16xi32>
    %gather3A_1156 = tpu.vector_load_idx %arg11[%add3A_1155, %and3A_1148] : memref<128x128xf32, #tpu.memory_space<vmem>>[vector<16xi32>, vector<16xi32>], vector<16xf32>,
    %bitcast3A_1157 = vector.bitcast %gather3A_1156 : vector<16xf32> to vector<16xi32>
    %shift_right_logical3A_1158 = arith.constant 1 : i32
    %shift_right_logical3A_1159 = vector.broadcast %shift_right_logical3A_1158 : i32 to vector<16xi32>
    %shift_right_logical3A_1160 = arith.shrui %bitcast3A_1157, %shift_right_logical3A_1159 : vector<16xi32>
    %sub3A_1161 = arith.constant 1597463007 : i32
    %sub3A_1162 = vector.broadcast %sub3A_1161 : i32 to vector<16xi32>
    %sub3A_1163 = arith.subi %sub3A_1162, %shift_right_logical3A_1160 : vector<16xi32>
    %bitcast3A_1164 = vector.bitcast %sub3A_1163 : vector<16xi32> to vector<16xf32>
    %mul3A_1165 = arith.constant 5.000000e-01 : f32
    %mul3A_1166 = vector.broadcast %mul3A_1165 : f32 to vector<16xf32>
    %mul3A_1167 = arith.mulf %mul3A_1166, %gather3A_1156 : vector<16xf32>
    %mul3A_1168 = arith.mulf %mul3A_1167, %bitcast3A_1164 : vector<16xf32>
    %mul3A_1169 = arith.mulf %mul3A_1168, %bitcast3A_1164 : vector<16xf32>
    %sub3A_1170 = arith.constant 1.500000e+00 : f32
    %sub3A_1171 = vector.broadcast %sub3A_1170 : f32 to vector<16xf32>
    %sub3A_1172 = arith.subf %sub3A_1171, %mul3A_1169 : vector<16xf32>
    %mul3A_1173 = arith.mulf %bitcast3A_1164, %sub3A_1172 : vector<16xf32>
    %mul3A_1174 = arith.constant 5.000000e-01 : f32
    %mul3A_1175 = vector.broadcast %mul3A_1174 : f32 to vector<16xf32>
    %mul3A_1176 = arith.mulf %mul3A_1175, %gather3A_1156 : vector<16xf32>
    %mul3A_1177 = arith.mulf %mul3A_1176, %mul3A_1173 : vector<16xf32>
    %mul3A_1178 = arith.mulf %mul3A_1177, %mul3A_1173 : vector<16xf32>
    %sub3A_1179 = arith.constant 1.500000e+00 : f32
    %sub3A_1180 = vector.broadcast %sub3A_1179 : f32 to vector<16xf32>
    %sub3A_1181 = arith.subf %sub3A_1180, %mul3A_1178 : vector<16xf32>
    %mul3A_1182 = arith.mulf %mul3A_1173, %sub3A_1181 : vector<16xf32>
    %mul3A_1183 = arith.constant 5.000000e-01 : f32
    %mul3A_1184 = vector.broadcast %mul3A_1183 : f32 to vector<16xf32>
    %mul3A_1185 = arith.mulf %mul3A_1184, %gather3A_1156 : vector<16xf32>
    %mul3A_1186 = arith.mulf %mul3A_1185, %mul3A_1182 : vector<16xf32>
    %mul3A_1187 = arith.mulf %mul3A_1186, %mul3A_1182 : vector<16xf32>
    %sub3A_1188 = arith.constant 1.500000e+00 : f32
    %sub3A_1189 = vector.broadcast %sub3A_1188 : f32 to vector<16xf32>
    %sub3A_1190 = arith.subf %sub3A_1189, %mul3A_1187 : vector<16xf32>
    %mul3A_1191 = arith.mulf %mul3A_1182, %sub3A_1190 : vector<16xf32>
    %min3A_1192 = arith.constant 1.000000e+00 : f32
    %min3A_1193 = vector.broadcast %min3A_1192 : f32 to vector<16xf32>
    %min3A_1194 = arith.minimumf %min3A_1193, %mul3A_1191 : vector<16xf32>
    %mul3A_1195 = arith.mulf %gather3A_1152, %min3A_1194 : vector<16xf32>
    %swap3A_1196 = arith.constant 208 : index
    %swap3A_1197 = tpu.vector_load %arg12[%swap3A_1196] {strides = array<i32>} : memref<512xf32, #tpu.memory_space<vmem>>, vector<16xf32>,
    tpu.vector_store %arg12[%swap3A_1196], %mul3A_1195 {strides = array<i32>} : memref<512xf32, #tpu.memory_space<vmem>>, vector<16xf32>,
    %get3A_1198 = arith.constant 1 : i32
    %get3A_1199 = arith.index_cast %get3A_1198 : i32 to index
    %get3A_1200 = arith.constant 96 : index
    %get3A_1201 = tpu.vector_load %arg6[%get3A_1199, %get3A_1200] {strides = array<i32>} : memref<4x128xi32, #tpu.memory_space<vmem>>, vector<16xi32>,
    %and3A_1202 = arith.constant 127 : i32
    %and3A_1203 = vector.broadcast %and3A_1202 : i32 to vector<16xi32>
    %and3A_1204 = arith.andi %get3A_1201, %and3A_1203 : vector<16xi32>
    %add3A_1205 = arith.constant 96 : i32
    %add3A_1206 = vector.broadcast %add3A_1205 : i32 to vector<16xi32>
    %add3A_1207 = arith.addi %add3A_1206, %iota3A_861 : vector<16xi32>
    %gather3A_1208 = tpu.vector_load_idx %arg9[%add3A_1207, %and3A_1204] : memref<128x128xf32, #tpu.memory_space<vmem>>[vector<16xi32>, vector<16xi32>], vector<16xf32>,
    %add3A_1209 = arith.constant 96 : i32
    %add3A_1210 = vector.broadcast %add3A_1209 : i32 to vector<16xi32>
    %add3A_1211 = arith.addi %add3A_1210, %iota3A_861 : vector<16xi32>
    %gather3A_1212 = tpu.vector_load_idx %arg11[%add3A_1211, %and3A_1204] : memref<128x128xf32, #tpu.memory_space<vmem>>[vector<16xi32>, vector<16xi32>], vector<16xf32>,
    %bitcast3A_1213 = vector.bitcast %gather3A_1212 : vector<16xf32> to vector<16xi32>
    %shift_right_logical3A_1214 = arith.constant 1 : i32
    %shift_right_logical3A_1215 = vector.broadcast %shift_right_logical3A_1214 : i32 to vector<16xi32>
    %shift_right_logical3A_1216 = arith.shrui %bitcast3A_1213, %shift_right_logical3A_1215 : vector<16xi32>
    %sub3A_1217 = arith.constant 1597463007 : i32
    %sub3A_1218 = vector.broadcast %sub3A_1217 : i32 to vector<16xi32>
    %sub3A_1219 = arith.subi %sub3A_1218, %shift_right_logical3A_1216 : vector<16xi32>
    %bitcast3A_1220 = vector.bitcast %sub3A_1219 : vector<16xi32> to vector<16xf32>
    %mul3A_1221 = arith.constant 5.000000e-01 : f32
    %mul3A_1222 = vector.broadcast %mul3A_1221 : f32 to vector<16xf32>
    %mul3A_1223 = arith.mulf %mul3A_1222, %gather3A_1212 : vector<16xf32>
    %mul3A_1224 = arith.mulf %mul3A_1223, %bitcast3A_1220 : vector<16xf32>
    %mul3A_1225 = arith.mulf %mul3A_1224, %bitcast3A_1220 : vector<16xf32>
    %sub3A_1226 = arith.constant 1.500000e+00 : f32
    %sub3A_1227 = vector.broadcast %sub3A_1226 : f32 to vector<16xf32>
    %sub3A_1228 = arith.subf %sub3A_1227, %mul3A_1225 : vector<16xf32>
    %mul3A_1229 = arith.mulf %bitcast3A_1220, %sub3A_1228 : vector<16xf32>
    %mul3A_1230 = arith.constant 5.000000e-01 : f32
    %mul3A_1231 = vector.broadcast %mul3A_1230 : f32 to vector<16xf32>
    %mul3A_1232 = arith.mulf %mul3A_1231, %gather3A_1212 : vector<16xf32>
    %mul3A_1233 = arith.mulf %mul3A_1232, %mul3A_1229 : vector<16xf32>
    %mul3A_1234 = arith.mulf %mul3A_1233, %mul3A_1229 : vector<16xf32>
    %sub3A_1235 = arith.constant 1.500000e+00 : f32
    %sub3A_1236 = vector.broadcast %sub3A_1235 : f32 to vector<16xf32>
    %sub3A_1237 = arith.subf %sub3A_1236, %mul3A_1234 : vector<16xf32>
    %mul3A_1238 = arith.mulf %mul3A_1229, %sub3A_1237 : vector<16xf32>
    %mul3A_1239 = arith.constant 5.000000e-01 : f32
    %mul3A_1240 = vector.broadcast %mul3A_1239 : f32 to vector<16xf32>
    %mul3A_1241 = arith.mulf %mul3A_1240, %gather3A_1212 : vector<16xf32>
    %mul3A_1242 = arith.mulf %mul3A_1241, %mul3A_1238 : vector<16xf32>
    %mul3A_1243 = arith.mulf %mul3A_1242, %mul3A_1238 : vector<16xf32>
    %sub3A_1244 = arith.constant 1.500000e+00 : f32
    %sub3A_1245 = vector.broadcast %sub3A_1244 : f32 to vector<16xf32>
    %sub3A_1246 = arith.subf %sub3A_1245, %mul3A_1243 : vector<16xf32>
    %mul3A_1247 = arith.mulf %mul3A_1238, %sub3A_1246 : vector<16xf32>
    %min3A_1248 = arith.constant 1.000000e+00 : f32
    %min3A_1249 = vector.broadcast %min3A_1248 : f32 to vector<16xf32>
    %min3A_1250 = arith.minimumf %min3A_1249, %mul3A_1247 : vector<16xf32>
    %mul3A_1251 = arith.mulf %gather3A_1208, %min3A_1250 : vector<16xf32>
    %swap3A_1252 = arith.constant 224 : index
    %swap3A_1253 = tpu.vector_load %arg12[%swap3A_1252] {strides = array<i32>} : memref<512xf32, #tpu.memory_space<vmem>>, vector<16xf32>,
    tpu.vector_store %arg12[%swap3A_1252], %mul3A_1251 {strides = array<i32>} : memref<512xf32, #tpu.memory_space<vmem>>, vector<16xf32>,
    %get3A_1254 = arith.constant 1 : i32
    %get3A_1255 = arith.index_cast %get3A_1254 : i32 to index
    %get3A_1256 = arith.constant 112 : index
    %get3A_1257 = tpu.vector_load %arg6[%get3A_1255, %get3A_1256] {strides = array<i32>} : memref<4x128xi32, #tpu.memory_space<vmem>>, vector<16xi32>,
    %and3A_1258 = arith.constant 127 : i32
    %and3A_1259 = vector.broadcast %and3A_1258 : i32 to vector<16xi32>
    %and3A_1260 = arith.andi %get3A_1257, %and3A_1259 : vector<16xi32>
    %add3A_1261 = arith.constant 112 : i32
    %add3A_1262 = vector.broadcast %add3A_1261 : i32 to vector<16xi32>
    %add3A_1263 = arith.addi %add3A_1262, %iota3A_861 : vector<16xi32>
    %gather3A_1264 = tpu.vector_load_idx %arg9[%add3A_1263, %and3A_1260] : memref<128x128xf32, #tpu.memory_space<vmem>>[vector<16xi32>, vector<16xi32>], vector<16xf32>,
    %add3A_1265 = arith.constant 112 : i32
    %add3A_1266 = vector.broadcast %add3A_1265 : i32 to vector<16xi32>
    %add3A_1267 = arith.addi %add3A_1266, %iota3A_861 : vector<16xi32>
    %gather3A_1268 = tpu.vector_load_idx %arg11[%add3A_1267, %and3A_1260] : memref<128x128xf32, #tpu.memory_space<vmem>>[vector<16xi32>, vector<16xi32>], vector<16xf32>,
    %bitcast3A_1269 = vector.bitcast %gather3A_1268 : vector<16xf32> to vector<16xi32>
    %shift_right_logical3A_1270 = arith.constant 1 : i32
    %shift_right_logical3A_1271 = vector.broadcast %shift_right_logical3A_1270 : i32 to vector<16xi32>
    %shift_right_logical3A_1272 = arith.shrui %bitcast3A_1269, %shift_right_logical3A_1271 : vector<16xi32>
    %sub3A_1273 = arith.constant 1597463007 : i32
    %sub3A_1274 = vector.broadcast %sub3A_1273 : i32 to vector<16xi32>
    %sub3A_1275 = arith.subi %sub3A_1274, %shift_right_logical3A_1272 : vector<16xi32>
    %bitcast3A_1276 = vector.bitcast %sub3A_1275 : vector<16xi32> to vector<16xf32>
    %mul3A_1277 = arith.constant 5.000000e-01 : f32
    %mul3A_1278 = vector.broadcast %mul3A_1277 : f32 to vector<16xf32>
    %mul3A_1279 = arith.mulf %mul3A_1278, %gather3A_1268 : vector<16xf32>
    %mul3A_1280 = arith.mulf %mul3A_1279, %bitcast3A_1276 : vector<16xf32>
    %mul3A_1281 = arith.mulf %mul3A_1280, %bitcast3A_1276 : vector<16xf32>
    %sub3A_1282 = arith.constant 1.500000e+00 : f32
    %sub3A_1283 = vector.broadcast %sub3A_1282 : f32 to vector<16xf32>
    %sub3A_1284 = arith.subf %sub3A_1283, %mul3A_1281 : vector<16xf32>
    %mul3A_1285 = arith.mulf %bitcast3A_1276, %sub3A_1284 : vector<16xf32>
    %mul3A_1286 = arith.constant 5.000000e-01 : f32
    %mul3A_1287 = vector.broadcast %mul3A_1286 : f32 to vector<16xf32>
    %mul3A_1288 = arith.mulf %mul3A_1287, %gather3A_1268 : vector<16xf32>
    %mul3A_1289 = arith.mulf %mul3A_1288, %mul3A_1285 : vector<16xf32>
    %mul3A_1290 = arith.mulf %mul3A_1289, %mul3A_1285 : vector<16xf32>
    %sub3A_1291 = arith.constant 1.500000e+00 : f32
    %sub3A_1292 = vector.broadcast %sub3A_1291 : f32 to vector<16xf32>
    %sub3A_1293 = arith.subf %sub3A_1292, %mul3A_1290 : vector<16xf32>
    %mul3A_1294 = arith.mulf %mul3A_1285, %sub3A_1293 : vector<16xf32>
    %mul3A_1295 = arith.constant 5.000000e-01 : f32
    %mul3A_1296 = vector.broadcast %mul3A_1295 : f32 to vector<16xf32>
    %mul3A_1297 = arith.mulf %mul3A_1296, %gather3A_1268 : vector<16xf32>
    %mul3A_1298 = arith.mulf %mul3A_1297, %mul3A_1294 : vector<16xf32>
    %mul3A_1299 = arith.mulf %mul3A_1298, %mul3A_1294 : vector<16xf32>
    %sub3A_1300 = arith.constant 1.500000e+00 : f32
    %sub3A_1301 = vector.broadcast %sub3A_1300 : f32 to vector<16xf32>
    %sub3A_1302 = arith.subf %sub3A_1301, %mul3A_1299 : vector<16xf32>
    %mul3A_1303 = arith.mulf %mul3A_1294, %sub3A_1302 : vector<16xf32>
    %min3A_1304 = arith.constant 1.000000e+00 : f32
    %min3A_1305 = vector.broadcast %min3A_1304 : f32 to vector<16xf32>
    %min3A_1306 = arith.minimumf %min3A_1305, %mul3A_1303 : vector<16xf32>
    %mul3A_1307 = arith.mulf %gather3A_1264, %min3A_1306 : vector<16xf32>
    %swap3A_1308 = arith.constant 240 : index
    %swap3A_1309 = tpu.vector_load %arg12[%swap3A_1308] {strides = array<i32>} : memref<512xf32, #tpu.memory_space<vmem>>, vector<16xf32>,
    tpu.vector_store %arg12[%swap3A_1308], %mul3A_1307 {strides = array<i32>} : memref<512xf32, #tpu.memory_space<vmem>>, vector<16xf32>,
    %dma_start3A_1310 = arith.constant 3 : i32
    %dma_start3A_1311 = arith.constant 0 : i32
    %dma_start3A_1312 = tpu.memref_slice %arg7[%dma_start3A_1310, %dma_start3A_1311] : memref<4x128xi32, #tpu.memory_space<vmem>> -> memref<1x128xi32, #tpu.memory_space<vmem>>
    %dma_start3A_1313 = tpu.memref_squeeze %dma_start3A_1312 : memref<1x128xi32, #tpu.memory_space<vmem>> -> memref<128xi32, #tpu.memory_space<vmem>>
    %dma_start3A_1314 = arith.constant 0 : i32
    %dma_start3A_1315 = arith.constant 0 : i32
    %dma_start3A_1316 = tpu.memref_slice %arg3[%dma_start3A_1314, %dma_start3A_1315] : memref<7936x128xf32, #tpu.memory_space<hbm>> -> memref<7936x128xf32, #tpu.memory_space<hbm>>
    tpu.enqueue_indirect_dma source(%dma_start3A_1316 : memref<7936x128xf32, #tpu.memory_space<hbm>>) target(%arg9 : memref<128x128xf32, #tpu.memory_space<vmem>>) offsets(%dma_start3A_1313 : memref<128xi32, #tpu.memory_space<vmem>>) semaphore(%arg14 : memref<!tpu.dma_semaphore, #tpu.memory_space<semaphore_mem>>)
    %dma_start3A_1317 = arith.constant 3 : i32
    %dma_start3A_1318 = arith.constant 0 : i32
    %dma_start3A_1319 = tpu.memref_slice %arg7[%dma_start3A_1317, %dma_start3A_1318] : memref<4x128xi32, #tpu.memory_space<vmem>> -> memref<1x128xi32, #tpu.memory_space<vmem>>
    %dma_start3A_1320 = tpu.memref_squeeze %dma_start3A_1319 : memref<1x128xi32, #tpu.memory_space<vmem>> -> memref<128xi32, #tpu.memory_space<vmem>>
    %dma_start3A_1321 = arith.constant 0 : i32
    %dma_start3A_1322 = arith.constant 0 : i32
    %dma_start3A_1323 = tpu.memref_slice %arg4[%dma_start3A_1321, %dma_start3A_1322] : memref<7936x128xf32, #tpu.memory_space<hbm>> -> memref<7936x128xf32, #tpu.memory_space<hbm>>
    tpu.enqueue_indirect_dma source(%dma_start3A_1323 : memref<7936x128xf32, #tpu.memory_space<hbm>>) target(%arg11 : memref<128x128xf32, #tpu.memory_space<vmem>>) offsets(%dma_start3A_1320 : memref<128xi32, #tpu.memory_space<vmem>>) semaphore(%arg14 : memref<!tpu.dma_semaphore, #tpu.memory_space<semaphore_mem>>)
    %dma_wait3A_1324 = arith.constant 2 : i32
    %dma_wait3A_1325 = arith.constant 0 : i32
    %dma_wait3A_1326 = tpu.memref_slice %arg7[%dma_wait3A_1324, %dma_wait3A_1325] : memref<4x128xi32, #tpu.memory_space<vmem>> -> memref<1x128xi32, #tpu.memory_space<vmem>>
    %dma_wait3A_1327 = tpu.memref_squeeze %dma_wait3A_1326 : memref<1x128xi32, #tpu.memory_space<vmem>> -> memref<128xi32, #tpu.memory_space<vmem>>
    %dma_wait3A_1328 = arith.constant 0 : i32
    %dma_wait3A_1329 = arith.constant 0 : i32
    %dma_wait3A_1330 = tpu.memref_slice %arg3[%dma_wait3A_1328, %dma_wait3A_1329] : memref<7936x128xf32, #tpu.memory_space<hbm>> -> memref<7936x128xf32, #tpu.memory_space<hbm>>
    tpu.wait_indirect_dma semaphore(%arg13 : memref<!tpu.dma_semaphore, #tpu.memory_space<semaphore_mem>>) src(%dma_wait3A_1330 : memref<7936x128xf32, #tpu.memory_space<hbm>>) dst(%arg8 : memref<128x128xf32, #tpu.memory_space<vmem>>)
    %dma_wait3A_1331 = arith.constant 2 : i32
    %dma_wait3A_1332 = arith.constant 0 : i32
    %dma_wait3A_1333 = tpu.memref_slice %arg7[%dma_wait3A_1331, %dma_wait3A_1332] : memref<4x128xi32, #tpu.memory_space<vmem>> -> memref<1x128xi32, #tpu.memory_space<vmem>>
    %dma_wait3A_1334 = tpu.memref_squeeze %dma_wait3A_1333 : memref<1x128xi32, #tpu.memory_space<vmem>> -> memref<128xi32, #tpu.memory_space<vmem>>
    %dma_wait3A_1335 = arith.constant 0 : i32
    %dma_wait3A_1336 = arith.constant 0 : i32
    %dma_wait3A_1337 = tpu.memref_slice %arg4[%dma_wait3A_1335, %dma_wait3A_1336] : memref<7936x128xf32, #tpu.memory_space<hbm>> -> memref<7936x128xf32, #tpu.memory_space<hbm>>
    tpu.wait_indirect_dma semaphore(%arg13 : memref<!tpu.dma_semaphore, #tpu.memory_space<semaphore_mem>>) src(%dma_wait3A_1337 : memref<7936x128xf32, #tpu.memory_space<hbm>>) dst(%arg10 : memref<128x128xf32, #tpu.memory_space<vmem>>)
    %iota3A_1338 = tpu.iota {dimensions = array<i32: 0>} : vector<16xi32>
    %get3A_1339 = arith.constant 2 : i32
    %get3A_1340 = arith.index_cast %get3A_1339 : i32 to index
    %get3A_1341 = arith.constant 0 : index
    %get3A_1342 = tpu.vector_load %arg6[%get3A_1340, %get3A_1341] {strides = array<i32>} : memref<4x128xi32, #tpu.memory_space<vmem>>, vector<16xi32>,
    %and3A_1343 = arith.constant 127 : i32
    %and3A_1344 = vector.broadcast %and3A_1343 : i32 to vector<16xi32>
    %and3A_1345 = arith.andi %get3A_1342, %and3A_1344 : vector<16xi32>
    %add3A_1346 = arith.constant 0 : i32
    %add3A_1347 = vector.broadcast %add3A_1346 : i32 to vector<16xi32>
    %add3A_1348 = arith.addi %add3A_1347, %iota3A_1338 : vector<16xi32>
    %gather3A_1349 = tpu.vector_load_idx %arg8[%add3A_1348, %and3A_1345] : memref<128x128xf32, #tpu.memory_space<vmem>>[vector<16xi32>, vector<16xi32>], vector<16xf32>,
    %add3A_1350 = arith.constant 0 : i32
    %add3A_1351 = vector.broadcast %add3A_1350 : i32 to vector<16xi32>
    %add3A_1352 = arith.addi %add3A_1351, %iota3A_1338 : vector<16xi32>
    %gather3A_1353 = tpu.vector_load_idx %arg10[%add3A_1352, %and3A_1345] : memref<128x128xf32, #tpu.memory_space<vmem>>[vector<16xi32>, vector<16xi32>], vector<16xf32>,
    %bitcast3A_1354 = vector.bitcast %gather3A_1353 : vector<16xf32> to vector<16xi32>
    %shift_right_logical3A_1355 = arith.constant 1 : i32
    %shift_right_logical3A_1356 = vector.broadcast %shift_right_logical3A_1355 : i32 to vector<16xi32>
    %shift_right_logical3A_1357 = arith.shrui %bitcast3A_1354, %shift_right_logical3A_1356 : vector<16xi32>
    %sub3A_1358 = arith.constant 1597463007 : i32
    %sub3A_1359 = vector.broadcast %sub3A_1358 : i32 to vector<16xi32>
    %sub3A_1360 = arith.subi %sub3A_1359, %shift_right_logical3A_1357 : vector<16xi32>
    %bitcast3A_1361 = vector.bitcast %sub3A_1360 : vector<16xi32> to vector<16xf32>
    %mul3A_1362 = arith.constant 5.000000e-01 : f32
    %mul3A_1363 = vector.broadcast %mul3A_1362 : f32 to vector<16xf32>
    %mul3A_1364 = arith.mulf %mul3A_1363, %gather3A_1353 : vector<16xf32>
    %mul3A_1365 = arith.mulf %mul3A_1364, %bitcast3A_1361 : vector<16xf32>
    %mul3A_1366 = arith.mulf %mul3A_1365, %bitcast3A_1361 : vector<16xf32>
    %sub3A_1367 = arith.constant 1.500000e+00 : f32
    %sub3A_1368 = vector.broadcast %sub3A_1367 : f32 to vector<16xf32>
    %sub3A_1369 = arith.subf %sub3A_1368, %mul3A_1366 : vector<16xf32>
    %mul3A_1370 = arith.mulf %bitcast3A_1361, %sub3A_1369 : vector<16xf32>
    %mul3A_1371 = arith.constant 5.000000e-01 : f32
    %mul3A_1372 = vector.broadcast %mul3A_1371 : f32 to vector<16xf32>
    %mul3A_1373 = arith.mulf %mul3A_1372, %gather3A_1353 : vector<16xf32>
    %mul3A_1374 = arith.mulf %mul3A_1373, %mul3A_1370 : vector<16xf32>
    %mul3A_1375 = arith.mulf %mul3A_1374, %mul3A_1370 : vector<16xf32>
    %sub3A_1376 = arith.constant 1.500000e+00 : f32
    %sub3A_1377 = vector.broadcast %sub3A_1376 : f32 to vector<16xf32>
    %sub3A_1378 = arith.subf %sub3A_1377, %mul3A_1375 : vector<16xf32>
    %mul3A_1379 = arith.mulf %mul3A_1370, %sub3A_1378 : vector<16xf32>
    %mul3A_1380 = arith.constant 5.000000e-01 : f32
    %mul3A_1381 = vector.broadcast %mul3A_1380 : f32 to vector<16xf32>
    %mul3A_1382 = arith.mulf %mul3A_1381, %gather3A_1353 : vector<16xf32>
    %mul3A_1383 = arith.mulf %mul3A_1382, %mul3A_1379 : vector<16xf32>
    %mul3A_1384 = arith.mulf %mul3A_1383, %mul3A_1379 : vector<16xf32>
    %sub3A_1385 = arith.constant 1.500000e+00 : f32
    %sub3A_1386 = vector.broadcast %sub3A_1385 : f32 to vector<16xf32>
    %sub3A_1387 = arith.subf %sub3A_1386, %mul3A_1384 : vector<16xf32>
    %mul3A_1388 = arith.mulf %mul3A_1379, %sub3A_1387 : vector<16xf32>
    %min3A_1389 = arith.constant 1.000000e+00 : f32
    %min3A_1390 = vector.broadcast %min3A_1389 : f32 to vector<16xf32>
    %min3A_1391 = arith.minimumf %min3A_1390, %mul3A_1388 : vector<16xf32>
    %mul3A_1392 = arith.mulf %gather3A_1349, %min3A_1391 : vector<16xf32>
    %swap3A_1393 = arith.constant 256 : index
    %swap3A_1394 = tpu.vector_load %arg12[%swap3A_1393] {strides = array<i32>} : memref<512xf32, #tpu.memory_space<vmem>>, vector<16xf32>,
    tpu.vector_store %arg12[%swap3A_1393], %mul3A_1392 {strides = array<i32>} : memref<512xf32, #tpu.memory_space<vmem>>, vector<16xf32>,
    %get3A_1395 = arith.constant 2 : i32
    %get3A_1396 = arith.index_cast %get3A_1395 : i32 to index
    %get3A_1397 = arith.constant 16 : index
    %get3A_1398 = tpu.vector_load %arg6[%get3A_1396, %get3A_1397] {strides = array<i32>} : memref<4x128xi32, #tpu.memory_space<vmem>>, vector<16xi32>,
    %and3A_1399 = arith.constant 127 : i32
    %and3A_1400 = vector.broadcast %and3A_1399 : i32 to vector<16xi32>
    %and3A_1401 = arith.andi %get3A_1398, %and3A_1400 : vector<16xi32>
    %add3A_1402 = arith.constant 16 : i32
    %add3A_1403 = vector.broadcast %add3A_1402 : i32 to vector<16xi32>
    %add3A_1404 = arith.addi %add3A_1403, %iota3A_1338 : vector<16xi32>
    %gather3A_1405 = tpu.vector_load_idx %arg8[%add3A_1404, %and3A_1401] : memref<128x128xf32, #tpu.memory_space<vmem>>[vector<16xi32>, vector<16xi32>], vector<16xf32>,
    %add3A_1406 = arith.constant 16 : i32
    %add3A_1407 = vector.broadcast %add3A_1406 : i32 to vector<16xi32>
    %add3A_1408 = arith.addi %add3A_1407, %iota3A_1338 : vector<16xi32>
    %gather3A_1409 = tpu.vector_load_idx %arg10[%add3A_1408, %and3A_1401] : memref<128x128xf32, #tpu.memory_space<vmem>>[vector<16xi32>, vector<16xi32>], vector<16xf32>,
    %bitcast3A_1410 = vector.bitcast %gather3A_1409 : vector<16xf32> to vector<16xi32>
    %shift_right_logical3A_1411 = arith.constant 1 : i32
    %shift_right_logical3A_1412 = vector.broadcast %shift_right_logical3A_1411 : i32 to vector<16xi32>
    %shift_right_logical3A_1413 = arith.shrui %bitcast3A_1410, %shift_right_logical3A_1412 : vector<16xi32>
    %sub3A_1414 = arith.constant 1597463007 : i32
    %sub3A_1415 = vector.broadcast %sub3A_1414 : i32 to vector<16xi32>
    %sub3A_1416 = arith.subi %sub3A_1415, %shift_right_logical3A_1413 : vector<16xi32>
    %bitcast3A_1417 = vector.bitcast %sub3A_1416 : vector<16xi32> to vector<16xf32>
    %mul3A_1418 = arith.constant 5.000000e-01 : f32
    %mul3A_1419 = vector.broadcast %mul3A_1418 : f32 to vector<16xf32>
    %mul3A_1420 = arith.mulf %mul3A_1419, %gather3A_1409 : vector<16xf32>
    %mul3A_1421 = arith.mulf %mul3A_1420, %bitcast3A_1417 : vector<16xf32>
    %mul3A_1422 = arith.mulf %mul3A_1421, %bitcast3A_1417 : vector<16xf32>
    %sub3A_1423 = arith.constant 1.500000e+00 : f32
    %sub3A_1424 = vector.broadcast %sub3A_1423 : f32 to vector<16xf32>
    %sub3A_1425 = arith.subf %sub3A_1424, %mul3A_1422 : vector<16xf32>
    %mul3A_1426 = arith.mulf %bitcast3A_1417, %sub3A_1425 : vector<16xf32>
    %mul3A_1427 = arith.constant 5.000000e-01 : f32
    %mul3A_1428 = vector.broadcast %mul3A_1427 : f32 to vector<16xf32>
    %mul3A_1429 = arith.mulf %mul3A_1428, %gather3A_1409 : vector<16xf32>
    %mul3A_1430 = arith.mulf %mul3A_1429, %mul3A_1426 : vector<16xf32>
    %mul3A_1431 = arith.mulf %mul3A_1430, %mul3A_1426 : vector<16xf32>
    %sub3A_1432 = arith.constant 1.500000e+00 : f32
    %sub3A_1433 = vector.broadcast %sub3A_1432 : f32 to vector<16xf32>
    %sub3A_1434 = arith.subf %sub3A_1433, %mul3A_1431 : vector<16xf32>
    %mul3A_1435 = arith.mulf %mul3A_1426, %sub3A_1434 : vector<16xf32>
    %mul3A_1436 = arith.constant 5.000000e-01 : f32
    %mul3A_1437 = vector.broadcast %mul3A_1436 : f32 to vector<16xf32>
    %mul3A_1438 = arith.mulf %mul3A_1437, %gather3A_1409 : vector<16xf32>
    %mul3A_1439 = arith.mulf %mul3A_1438, %mul3A_1435 : vector<16xf32>
    %mul3A_1440 = arith.mulf %mul3A_1439, %mul3A_1435 : vector<16xf32>
    %sub3A_1441 = arith.constant 1.500000e+00 : f32
    %sub3A_1442 = vector.broadcast %sub3A_1441 : f32 to vector<16xf32>
    %sub3A_1443 = arith.subf %sub3A_1442, %mul3A_1440 : vector<16xf32>
    %mul3A_1444 = arith.mulf %mul3A_1435, %sub3A_1443 : vector<16xf32>
    %min3A_1445 = arith.constant 1.000000e+00 : f32
    %min3A_1446 = vector.broadcast %min3A_1445 : f32 to vector<16xf32>
    %min3A_1447 = arith.minimumf %min3A_1446, %mul3A_1444 : vector<16xf32>
    %mul3A_1448 = arith.mulf %gather3A_1405, %min3A_1447 : vector<16xf32>
    %swap3A_1449 = arith.constant 272 : index
    %swap3A_1450 = tpu.vector_load %arg12[%swap3A_1449] {strides = array<i32>} : memref<512xf32, #tpu.memory_space<vmem>>, vector<16xf32>,
    tpu.vector_store %arg12[%swap3A_1449], %mul3A_1448 {strides = array<i32>} : memref<512xf32, #tpu.memory_space<vmem>>, vector<16xf32>,
    %get3A_1451 = arith.constant 2 : i32
    %get3A_1452 = arith.index_cast %get3A_1451 : i32 to index
    %get3A_1453 = arith.constant 32 : index
    %get3A_1454 = tpu.vector_load %arg6[%get3A_1452, %get3A_1453] {strides = array<i32>} : memref<4x128xi32, #tpu.memory_space<vmem>>, vector<16xi32>,
    %and3A_1455 = arith.constant 127 : i32
    %and3A_1456 = vector.broadcast %and3A_1455 : i32 to vector<16xi32>
    %and3A_1457 = arith.andi %get3A_1454, %and3A_1456 : vector<16xi32>
    %add3A_1458 = arith.constant 32 : i32
    %add3A_1459 = vector.broadcast %add3A_1458 : i32 to vector<16xi32>
    %add3A_1460 = arith.addi %add3A_1459, %iota3A_1338 : vector<16xi32>
    %gather3A_1461 = tpu.vector_load_idx %arg8[%add3A_1460, %and3A_1457] : memref<128x128xf32, #tpu.memory_space<vmem>>[vector<16xi32>, vector<16xi32>], vector<16xf32>,
    %add3A_1462 = arith.constant 32 : i32
    %add3A_1463 = vector.broadcast %add3A_1462 : i32 to vector<16xi32>
    %add3A_1464 = arith.addi %add3A_1463, %iota3A_1338 : vector<16xi32>
    %gather3A_1465 = tpu.vector_load_idx %arg10[%add3A_1464, %and3A_1457] : memref<128x128xf32, #tpu.memory_space<vmem>>[vector<16xi32>, vector<16xi32>], vector<16xf32>,
    %bitcast3A_1466 = vector.bitcast %gather3A_1465 : vector<16xf32> to vector<16xi32>
    %shift_right_logical3A_1467 = arith.constant 1 : i32
    %shift_right_logical3A_1468 = vector.broadcast %shift_right_logical3A_1467 : i32 to vector<16xi32>
    %shift_right_logical3A_1469 = arith.shrui %bitcast3A_1466, %shift_right_logical3A_1468 : vector<16xi32>
    %sub3A_1470 = arith.constant 1597463007 : i32
    %sub3A_1471 = vector.broadcast %sub3A_1470 : i32 to vector<16xi32>
    %sub3A_1472 = arith.subi %sub3A_1471, %shift_right_logical3A_1469 : vector<16xi32>
    %bitcast3A_1473 = vector.bitcast %sub3A_1472 : vector<16xi32> to vector<16xf32>
    %mul3A_1474 = arith.constant 5.000000e-01 : f32
    %mul3A_1475 = vector.broadcast %mul3A_1474 : f32 to vector<16xf32>
    %mul3A_1476 = arith.mulf %mul3A_1475, %gather3A_1465 : vector<16xf32>
    %mul3A_1477 = arith.mulf %mul3A_1476, %bitcast3A_1473 : vector<16xf32>
    %mul3A_1478 = arith.mulf %mul3A_1477, %bitcast3A_1473 : vector<16xf32>
    %sub3A_1479 = arith.constant 1.500000e+00 : f32
    %sub3A_1480 = vector.broadcast %sub3A_1479 : f32 to vector<16xf32>
    %sub3A_1481 = arith.subf %sub3A_1480, %mul3A_1478 : vector<16xf32>
    %mul3A_1482 = arith.mulf %bitcast3A_1473, %sub3A_1481 : vector<16xf32>
    %mul3A_1483 = arith.constant 5.000000e-01 : f32
    %mul3A_1484 = vector.broadcast %mul3A_1483 : f32 to vector<16xf32>
    %mul3A_1485 = arith.mulf %mul3A_1484, %gather3A_1465 : vector<16xf32>
    %mul3A_1486 = arith.mulf %mul3A_1485, %mul3A_1482 : vector<16xf32>
    %mul3A_1487 = arith.mulf %mul3A_1486, %mul3A_1482 : vector<16xf32>
    %sub3A_1488 = arith.constant 1.500000e+00 : f32
    %sub3A_1489 = vector.broadcast %sub3A_1488 : f32 to vector<16xf32>
    %sub3A_1490 = arith.subf %sub3A_1489, %mul3A_1487 : vector<16xf32>
    %mul3A_1491 = arith.mulf %mul3A_1482, %sub3A_1490 : vector<16xf32>
    %mul3A_1492 = arith.constant 5.000000e-01 : f32
    %mul3A_1493 = vector.broadcast %mul3A_1492 : f32 to vector<16xf32>
    %mul3A_1494 = arith.mulf %mul3A_1493, %gather3A_1465 : vector<16xf32>
    %mul3A_1495 = arith.mulf %mul3A_1494, %mul3A_1491 : vector<16xf32>
    %mul3A_1496 = arith.mulf %mul3A_1495, %mul3A_1491 : vector<16xf32>
    %sub3A_1497 = arith.constant 1.500000e+00 : f32
    %sub3A_1498 = vector.broadcast %sub3A_1497 : f32 to vector<16xf32>
    %sub3A_1499 = arith.subf %sub3A_1498, %mul3A_1496 : vector<16xf32>
    %mul3A_1500 = arith.mulf %mul3A_1491, %sub3A_1499 : vector<16xf32>
    %min3A_1501 = arith.constant 1.000000e+00 : f32
    %min3A_1502 = vector.broadcast %min3A_1501 : f32 to vector<16xf32>
    %min3A_1503 = arith.minimumf %min3A_1502, %mul3A_1500 : vector<16xf32>
    %mul3A_1504 = arith.mulf %gather3A_1461, %min3A_1503 : vector<16xf32>
    %swap3A_1505 = arith.constant 288 : index
    %swap3A_1506 = tpu.vector_load %arg12[%swap3A_1505] {strides = array<i32>} : memref<512xf32, #tpu.memory_space<vmem>>, vector<16xf32>,
    tpu.vector_store %arg12[%swap3A_1505], %mul3A_1504 {strides = array<i32>} : memref<512xf32, #tpu.memory_space<vmem>>, vector<16xf32>,
    %get3A_1507 = arith.constant 2 : i32
    %get3A_1508 = arith.index_cast %get3A_1507 : i32 to index
    %get3A_1509 = arith.constant 48 : index
    %get3A_1510 = tpu.vector_load %arg6[%get3A_1508, %get3A_1509] {strides = array<i32>} : memref<4x128xi32, #tpu.memory_space<vmem>>, vector<16xi32>,
    %and3A_1511 = arith.constant 127 : i32
    %and3A_1512 = vector.broadcast %and3A_1511 : i32 to vector<16xi32>
    %and3A_1513 = arith.andi %get3A_1510, %and3A_1512 : vector<16xi32>
    %add3A_1514 = arith.constant 48 : i32
    %add3A_1515 = vector.broadcast %add3A_1514 : i32 to vector<16xi32>
    %add3A_1516 = arith.addi %add3A_1515, %iota3A_1338 : vector<16xi32>
    %gather3A_1517 = tpu.vector_load_idx %arg8[%add3A_1516, %and3A_1513] : memref<128x128xf32, #tpu.memory_space<vmem>>[vector<16xi32>, vector<16xi32>], vector<16xf32>,
    %add3A_1518 = arith.constant 48 : i32
    %add3A_1519 = vector.broadcast %add3A_1518 : i32 to vector<16xi32>
    %add3A_1520 = arith.addi %add3A_1519, %iota3A_1338 : vector<16xi32>
    %gather3A_1521 = tpu.vector_load_idx %arg10[%add3A_1520, %and3A_1513] : memref<128x128xf32, #tpu.memory_space<vmem>>[vector<16xi32>, vector<16xi32>], vector<16xf32>,
    %bitcast3A_1522 = vector.bitcast %gather3A_1521 : vector<16xf32> to vector<16xi32>
    %shift_right_logical3A_1523 = arith.constant 1 : i32
    %shift_right_logical3A_1524 = vector.broadcast %shift_right_logical3A_1523 : i32 to vector<16xi32>
    %shift_right_logical3A_1525 = arith.shrui %bitcast3A_1522, %shift_right_logical3A_1524 : vector<16xi32>
    %sub3A_1526 = arith.constant 1597463007 : i32
    %sub3A_1527 = vector.broadcast %sub3A_1526 : i32 to vector<16xi32>
    %sub3A_1528 = arith.subi %sub3A_1527, %shift_right_logical3A_1525 : vector<16xi32>
    %bitcast3A_1529 = vector.bitcast %sub3A_1528 : vector<16xi32> to vector<16xf32>
    %mul3A_1530 = arith.constant 5.000000e-01 : f32
    %mul3A_1531 = vector.broadcast %mul3A_1530 : f32 to vector<16xf32>
    %mul3A_1532 = arith.mulf %mul3A_1531, %gather3A_1521 : vector<16xf32>
    %mul3A_1533 = arith.mulf %mul3A_1532, %bitcast3A_1529 : vector<16xf32>
    %mul3A_1534 = arith.mulf %mul3A_1533, %bitcast3A_1529 : vector<16xf32>
    %sub3A_1535 = arith.constant 1.500000e+00 : f32
    %sub3A_1536 = vector.broadcast %sub3A_1535 : f32 to vector<16xf32>
    %sub3A_1537 = arith.subf %sub3A_1536, %mul3A_1534 : vector<16xf32>
    %mul3A_1538 = arith.mulf %bitcast3A_1529, %sub3A_1537 : vector<16xf32>
    %mul3A_1539 = arith.constant 5.000000e-01 : f32
    %mul3A_1540 = vector.broadcast %mul3A_1539 : f32 to vector<16xf32>
    %mul3A_1541 = arith.mulf %mul3A_1540, %gather3A_1521 : vector<16xf32>
    %mul3A_1542 = arith.mulf %mul3A_1541, %mul3A_1538 : vector<16xf32>
    %mul3A_1543 = arith.mulf %mul3A_1542, %mul3A_1538 : vector<16xf32>
    %sub3A_1544 = arith.constant 1.500000e+00 : f32
    %sub3A_1545 = vector.broadcast %sub3A_1544 : f32 to vector<16xf32>
    %sub3A_1546 = arith.subf %sub3A_1545, %mul3A_1543 : vector<16xf32>
    %mul3A_1547 = arith.mulf %mul3A_1538, %sub3A_1546 : vector<16xf32>
    %mul3A_1548 = arith.constant 5.000000e-01 : f32
    %mul3A_1549 = vector.broadcast %mul3A_1548 : f32 to vector<16xf32>
    %mul3A_1550 = arith.mulf %mul3A_1549, %gather3A_1521 : vector<16xf32>
    %mul3A_1551 = arith.mulf %mul3A_1550, %mul3A_1547 : vector<16xf32>
    %mul3A_1552 = arith.mulf %mul3A_1551, %mul3A_1547 : vector<16xf32>
    %sub3A_1553 = arith.constant 1.500000e+00 : f32
    %sub3A_1554 = vector.broadcast %sub3A_1553 : f32 to vector<16xf32>
    %sub3A_1555 = arith.subf %sub3A_1554, %mul3A_1552 : vector<16xf32>
    %mul3A_1556 = arith.mulf %mul3A_1547, %sub3A_1555 : vector<16xf32>
    %min3A_1557 = arith.constant 1.000000e+00 : f32
    %min3A_1558 = vector.broadcast %min3A_1557 : f32 to vector<16xf32>
    %min3A_1559 = arith.minimumf %min3A_1558, %mul3A_1556 : vector<16xf32>
    %mul3A_1560 = arith.mulf %gather3A_1517, %min3A_1559 : vector<16xf32>
    %swap3A_1561 = arith.constant 304 : index
    %swap3A_1562 = tpu.vector_load %arg12[%swap3A_1561] {strides = array<i32>} : memref<512xf32, #tpu.memory_space<vmem>>, vector<16xf32>,
    tpu.vector_store %arg12[%swap3A_1561], %mul3A_1560 {strides = array<i32>} : memref<512xf32, #tpu.memory_space<vmem>>, vector<16xf32>,
    %get3A_1563 = arith.constant 2 : i32
    %get3A_1564 = arith.index_cast %get3A_1563 : i32 to index
    %get3A_1565 = arith.constant 64 : index
    %get3A_1566 = tpu.vector_load %arg6[%get3A_1564, %get3A_1565] {strides = array<i32>} : memref<4x128xi32, #tpu.memory_space<vmem>>, vector<16xi32>,
    %and3A_1567 = arith.constant 127 : i32
    %and3A_1568 = vector.broadcast %and3A_1567 : i32 to vector<16xi32>
    %and3A_1569 = arith.andi %get3A_1566, %and3A_1568 : vector<16xi32>
    %add3A_1570 = arith.constant 64 : i32
    %add3A_1571 = vector.broadcast %add3A_1570 : i32 to vector<16xi32>
    %add3A_1572 = arith.addi %add3A_1571, %iota3A_1338 : vector<16xi32>
    %gather3A_1573 = tpu.vector_load_idx %arg8[%add3A_1572, %and3A_1569] : memref<128x128xf32, #tpu.memory_space<vmem>>[vector<16xi32>, vector<16xi32>], vector<16xf32>,
    %add3A_1574 = arith.constant 64 : i32
    %add3A_1575 = vector.broadcast %add3A_1574 : i32 to vector<16xi32>
    %add3A_1576 = arith.addi %add3A_1575, %iota3A_1338 : vector<16xi32>
    %gather3A_1577 = tpu.vector_load_idx %arg10[%add3A_1576, %and3A_1569] : memref<128x128xf32, #tpu.memory_space<vmem>>[vector<16xi32>, vector<16xi32>], vector<16xf32>,
    %bitcast3A_1578 = vector.bitcast %gather3A_1577 : vector<16xf32> to vector<16xi32>
    %shift_right_logical3A_1579 = arith.constant 1 : i32
    %shift_right_logical3A_1580 = vector.broadcast %shift_right_logical3A_1579 : i32 to vector<16xi32>
    %shift_right_logical3A_1581 = arith.shrui %bitcast3A_1578, %shift_right_logical3A_1580 : vector<16xi32>
    %sub3A_1582 = arith.constant 1597463007 : i32
    %sub3A_1583 = vector.broadcast %sub3A_1582 : i32 to vector<16xi32>
    %sub3A_1584 = arith.subi %sub3A_1583, %shift_right_logical3A_1581 : vector<16xi32>
    %bitcast3A_1585 = vector.bitcast %sub3A_1584 : vector<16xi32> to vector<16xf32>
    %mul3A_1586 = arith.constant 5.000000e-01 : f32
    %mul3A_1587 = vector.broadcast %mul3A_1586 : f32 to vector<16xf32>
    %mul3A_1588 = arith.mulf %mul3A_1587, %gather3A_1577 : vector<16xf32>
    %mul3A_1589 = arith.mulf %mul3A_1588, %bitcast3A_1585 : vector<16xf32>
    %mul3A_1590 = arith.mulf %mul3A_1589, %bitcast3A_1585 : vector<16xf32>
    %sub3A_1591 = arith.constant 1.500000e+00 : f32
    %sub3A_1592 = vector.broadcast %sub3A_1591 : f32 to vector<16xf32>
    %sub3A_1593 = arith.subf %sub3A_1592, %mul3A_1590 : vector<16xf32>
    %mul3A_1594 = arith.mulf %bitcast3A_1585, %sub3A_1593 : vector<16xf32>
    %mul3A_1595 = arith.constant 5.000000e-01 : f32
    %mul3A_1596 = vector.broadcast %mul3A_1595 : f32 to vector<16xf32>
    %mul3A_1597 = arith.mulf %mul3A_1596, %gather3A_1577 : vector<16xf32>
    %mul3A_1598 = arith.mulf %mul3A_1597, %mul3A_1594 : vector<16xf32>
    %mul3A_1599 = arith.mulf %mul3A_1598, %mul3A_1594 : vector<16xf32>
    %sub3A_1600 = arith.constant 1.500000e+00 : f32
    %sub3A_1601 = vector.broadcast %sub3A_1600 : f32 to vector<16xf32>
    %sub3A_1602 = arith.subf %sub3A_1601, %mul3A_1599 : vector<16xf32>
    %mul3A_1603 = arith.mulf %mul3A_1594, %sub3A_1602 : vector<16xf32>
    %mul3A_1604 = arith.constant 5.000000e-01 : f32
    %mul3A_1605 = vector.broadcast %mul3A_1604 : f32 to vector<16xf32>
    %mul3A_1606 = arith.mulf %mul3A_1605, %gather3A_1577 : vector<16xf32>
    %mul3A_1607 = arith.mulf %mul3A_1606, %mul3A_1603 : vector<16xf32>
    %mul3A_1608 = arith.mulf %mul3A_1607, %mul3A_1603 : vector<16xf32>
    %sub3A_1609 = arith.constant 1.500000e+00 : f32
    %sub3A_1610 = vector.broadcast %sub3A_1609 : f32 to vector<16xf32>
    %sub3A_1611 = arith.subf %sub3A_1610, %mul3A_1608 : vector<16xf32>
    %mul3A_1612 = arith.mulf %mul3A_1603, %sub3A_1611 : vector<16xf32>
    %min3A_1613 = arith.constant 1.000000e+00 : f32
    %min3A_1614 = vector.broadcast %min3A_1613 : f32 to vector<16xf32>
    %min3A_1615 = arith.minimumf %min3A_1614, %mul3A_1612 : vector<16xf32>
    %mul3A_1616 = arith.mulf %gather3A_1573, %min3A_1615 : vector<16xf32>
    %swap3A_1617 = arith.constant 320 : index
    %swap3A_1618 = tpu.vector_load %arg12[%swap3A_1617] {strides = array<i32>} : memref<512xf32, #tpu.memory_space<vmem>>, vector<16xf32>,
    tpu.vector_store %arg12[%swap3A_1617], %mul3A_1616 {strides = array<i32>} : memref<512xf32, #tpu.memory_space<vmem>>, vector<16xf32>,
    %get3A_1619 = arith.constant 2 : i32
    %get3A_1620 = arith.index_cast %get3A_1619 : i32 to index
    %get3A_1621 = arith.constant 80 : index
    %get3A_1622 = tpu.vector_load %arg6[%get3A_1620, %get3A_1621] {strides = array<i32>} : memref<4x128xi32, #tpu.memory_space<vmem>>, vector<16xi32>,
    %and3A_1623 = arith.constant 127 : i32
    %and3A_1624 = vector.broadcast %and3A_1623 : i32 to vector<16xi32>
    %and3A_1625 = arith.andi %get3A_1622, %and3A_1624 : vector<16xi32>
    %add3A_1626 = arith.constant 80 : i32
    %add3A_1627 = vector.broadcast %add3A_1626 : i32 to vector<16xi32>
    %add3A_1628 = arith.addi %add3A_1627, %iota3A_1338 : vector<16xi32>
    %gather3A_1629 = tpu.vector_load_idx %arg8[%add3A_1628, %and3A_1625] : memref<128x128xf32, #tpu.memory_space<vmem>>[vector<16xi32>, vector<16xi32>], vector<16xf32>,
    %add3A_1630 = arith.constant 80 : i32
    %add3A_1631 = vector.broadcast %add3A_1630 : i32 to vector<16xi32>
    %add3A_1632 = arith.addi %add3A_1631, %iota3A_1338 : vector<16xi32>
    %gather3A_1633 = tpu.vector_load_idx %arg10[%add3A_1632, %and3A_1625] : memref<128x128xf32, #tpu.memory_space<vmem>>[vector<16xi32>, vector<16xi32>], vector<16xf32>,
    %bitcast3A_1634 = vector.bitcast %gather3A_1633 : vector<16xf32> to vector<16xi32>
    %shift_right_logical3A_1635 = arith.constant 1 : i32
    %shift_right_logical3A_1636 = vector.broadcast %shift_right_logical3A_1635 : i32 to vector<16xi32>
    %shift_right_logical3A_1637 = arith.shrui %bitcast3A_1634, %shift_right_logical3A_1636 : vector<16xi32>
    %sub3A_1638 = arith.constant 1597463007 : i32
    %sub3A_1639 = vector.broadcast %sub3A_1638 : i32 to vector<16xi32>
    %sub3A_1640 = arith.subi %sub3A_1639, %shift_right_logical3A_1637 : vector<16xi32>
    %bitcast3A_1641 = vector.bitcast %sub3A_1640 : vector<16xi32> to vector<16xf32>
    %mul3A_1642 = arith.constant 5.000000e-01 : f32
    %mul3A_1643 = vector.broadcast %mul3A_1642 : f32 to vector<16xf32>
    %mul3A_1644 = arith.mulf %mul3A_1643, %gather3A_1633 : vector<16xf32>
    %mul3A_1645 = arith.mulf %mul3A_1644, %bitcast3A_1641 : vector<16xf32>
    %mul3A_1646 = arith.mulf %mul3A_1645, %bitcast3A_1641 : vector<16xf32>
    %sub3A_1647 = arith.constant 1.500000e+00 : f32
    %sub3A_1648 = vector.broadcast %sub3A_1647 : f32 to vector<16xf32>
    %sub3A_1649 = arith.subf %sub3A_1648, %mul3A_1646 : vector<16xf32>
    %mul3A_1650 = arith.mulf %bitcast3A_1641, %sub3A_1649 : vector<16xf32>
    %mul3A_1651 = arith.constant 5.000000e-01 : f32
    %mul3A_1652 = vector.broadcast %mul3A_1651 : f32 to vector<16xf32>
    %mul3A_1653 = arith.mulf %mul3A_1652, %gather3A_1633 : vector<16xf32>
    %mul3A_1654 = arith.mulf %mul3A_1653, %mul3A_1650 : vector<16xf32>
    %mul3A_1655 = arith.mulf %mul3A_1654, %mul3A_1650 : vector<16xf32>
    %sub3A_1656 = arith.constant 1.500000e+00 : f32
    %sub3A_1657 = vector.broadcast %sub3A_1656 : f32 to vector<16xf32>
    %sub3A_1658 = arith.subf %sub3A_1657, %mul3A_1655 : vector<16xf32>
    %mul3A_1659 = arith.mulf %mul3A_1650, %sub3A_1658 : vector<16xf32>
    %mul3A_1660 = arith.constant 5.000000e-01 : f32
    %mul3A_1661 = vector.broadcast %mul3A_1660 : f32 to vector<16xf32>
    %mul3A_1662 = arith.mulf %mul3A_1661, %gather3A_1633 : vector<16xf32>
    %mul3A_1663 = arith.mulf %mul3A_1662, %mul3A_1659 : vector<16xf32>
    %mul3A_1664 = arith.mulf %mul3A_1663, %mul3A_1659 : vector<16xf32>
    %sub3A_1665 = arith.constant 1.500000e+00 : f32
    %sub3A_1666 = vector.broadcast %sub3A_1665 : f32 to vector<16xf32>
    %sub3A_1667 = arith.subf %sub3A_1666, %mul3A_1664 : vector<16xf32>
    %mul3A_1668 = arith.mulf %mul3A_1659, %sub3A_1667 : vector<16xf32>
    %min3A_1669 = arith.constant 1.000000e+00 : f32
    %min3A_1670 = vector.broadcast %min3A_1669 : f32 to vector<16xf32>
    %min3A_1671 = arith.minimumf %min3A_1670, %mul3A_1668 : vector<16xf32>
    %mul3A_1672 = arith.mulf %gather3A_1629, %min3A_1671 : vector<16xf32>
    %swap3A_1673 = arith.constant 336 : index
    %swap3A_1674 = tpu.vector_load %arg12[%swap3A_1673] {strides = array<i32>} : memref<512xf32, #tpu.memory_space<vmem>>, vector<16xf32>,
    tpu.vector_store %arg12[%swap3A_1673], %mul3A_1672 {strides = array<i32>} : memref<512xf32, #tpu.memory_space<vmem>>, vector<16xf32>,
    %get3A_1675 = arith.constant 2 : i32
    %get3A_1676 = arith.index_cast %get3A_1675 : i32 to index
    %get3A_1677 = arith.constant 96 : index
    %get3A_1678 = tpu.vector_load %arg6[%get3A_1676, %get3A_1677] {strides = array<i32>} : memref<4x128xi32, #tpu.memory_space<vmem>>, vector<16xi32>,
    %and3A_1679 = arith.constant 127 : i32
    %and3A_1680 = vector.broadcast %and3A_1679 : i32 to vector<16xi32>
    %and3A_1681 = arith.andi %get3A_1678, %and3A_1680 : vector<16xi32>
    %add3A_1682 = arith.constant 96 : i32
    %add3A_1683 = vector.broadcast %add3A_1682 : i32 to vector<16xi32>
    %add3A_1684 = arith.addi %add3A_1683, %iota3A_1338 : vector<16xi32>
    %gather3A_1685 = tpu.vector_load_idx %arg8[%add3A_1684, %and3A_1681] : memref<128x128xf32, #tpu.memory_space<vmem>>[vector<16xi32>, vector<16xi32>], vector<16xf32>,
    %add3A_1686 = arith.constant 96 : i32
    %add3A_1687 = vector.broadcast %add3A_1686 : i32 to vector<16xi32>
    %add3A_1688 = arith.addi %add3A_1687, %iota3A_1338 : vector<16xi32>
    %gather3A_1689 = tpu.vector_load_idx %arg10[%add3A_1688, %and3A_1681] : memref<128x128xf32, #tpu.memory_space<vmem>>[vector<16xi32>, vector<16xi32>], vector<16xf32>,
    %bitcast3A_1690 = vector.bitcast %gather3A_1689 : vector<16xf32> to vector<16xi32>
    %shift_right_logical3A_1691 = arith.constant 1 : i32
    %shift_right_logical3A_1692 = vector.broadcast %shift_right_logical3A_1691 : i32 to vector<16xi32>
    %shift_right_logical3A_1693 = arith.shrui %bitcast3A_1690, %shift_right_logical3A_1692 : vector<16xi32>
    %sub3A_1694 = arith.constant 1597463007 : i32
    %sub3A_1695 = vector.broadcast %sub3A_1694 : i32 to vector<16xi32>
    %sub3A_1696 = arith.subi %sub3A_1695, %shift_right_logical3A_1693 : vector<16xi32>
    %bitcast3A_1697 = vector.bitcast %sub3A_1696 : vector<16xi32> to vector<16xf32>
    %mul3A_1698 = arith.constant 5.000000e-01 : f32
    %mul3A_1699 = vector.broadcast %mul3A_1698 : f32 to vector<16xf32>
    %mul3A_1700 = arith.mulf %mul3A_1699, %gather3A_1689 : vector<16xf32>
    %mul3A_1701 = arith.mulf %mul3A_1700, %bitcast3A_1697 : vector<16xf32>
    %mul3A_1702 = arith.mulf %mul3A_1701, %bitcast3A_1697 : vector<16xf32>
    %sub3A_1703 = arith.constant 1.500000e+00 : f32
    %sub3A_1704 = vector.broadcast %sub3A_1703 : f32 to vector<16xf32>
    %sub3A_1705 = arith.subf %sub3A_1704, %mul3A_1702 : vector<16xf32>
    %mul3A_1706 = arith.mulf %bitcast3A_1697, %sub3A_1705 : vector<16xf32>
    %mul3A_1707 = arith.constant 5.000000e-01 : f32
    %mul3A_1708 = vector.broadcast %mul3A_1707 : f32 to vector<16xf32>
    %mul3A_1709 = arith.mulf %mul3A_1708, %gather3A_1689 : vector<16xf32>
    %mul3A_1710 = arith.mulf %mul3A_1709, %mul3A_1706 : vector<16xf32>
    %mul3A_1711 = arith.mulf %mul3A_1710, %mul3A_1706 : vector<16xf32>
    %sub3A_1712 = arith.constant 1.500000e+00 : f32
    %sub3A_1713 = vector.broadcast %sub3A_1712 : f32 to vector<16xf32>
    %sub3A_1714 = arith.subf %sub3A_1713, %mul3A_1711 : vector<16xf32>
    %mul3A_1715 = arith.mulf %mul3A_1706, %sub3A_1714 : vector<16xf32>
    %mul3A_1716 = arith.constant 5.000000e-01 : f32
    %mul3A_1717 = vector.broadcast %mul3A_1716 : f32 to vector<16xf32>
    %mul3A_1718 = arith.mulf %mul3A_1717, %gather3A_1689 : vector<16xf32>
    %mul3A_1719 = arith.mulf %mul3A_1718, %mul3A_1715 : vector<16xf32>
    %mul3A_1720 = arith.mulf %mul3A_1719, %mul3A_1715 : vector<16xf32>
    %sub3A_1721 = arith.constant 1.500000e+00 : f32
    %sub3A_1722 = vector.broadcast %sub3A_1721 : f32 to vector<16xf32>
    %sub3A_1723 = arith.subf %sub3A_1722, %mul3A_1720 : vector<16xf32>
    %mul3A_1724 = arith.mulf %mul3A_1715, %sub3A_1723 : vector<16xf32>
    %min3A_1725 = arith.constant 1.000000e+00 : f32
    %min3A_1726 = vector.broadcast %min3A_1725 : f32 to vector<16xf32>
    %min3A_1727 = arith.minimumf %min3A_1726, %mul3A_1724 : vector<16xf32>
    %mul3A_1728 = arith.mulf %gather3A_1685, %min3A_1727 : vector<16xf32>
    %swap3A_1729 = arith.constant 352 : index
    %swap3A_1730 = tpu.vector_load %arg12[%swap3A_1729] {strides = array<i32>} : memref<512xf32, #tpu.memory_space<vmem>>, vector<16xf32>,
    tpu.vector_store %arg12[%swap3A_1729], %mul3A_1728 {strides = array<i32>} : memref<512xf32, #tpu.memory_space<vmem>>, vector<16xf32>,
    %get3A_1731 = arith.constant 2 : i32
    %get3A_1732 = arith.index_cast %get3A_1731 : i32 to index
    %get3A_1733 = arith.constant 112 : index
    %get3A_1734 = tpu.vector_load %arg6[%get3A_1732, %get3A_1733] {strides = array<i32>} : memref<4x128xi32, #tpu.memory_space<vmem>>, vector<16xi32>,
    %and3A_1735 = arith.constant 127 : i32
    %and3A_1736 = vector.broadcast %and3A_1735 : i32 to vector<16xi32>
    %and3A_1737 = arith.andi %get3A_1734, %and3A_1736 : vector<16xi32>
    %add3A_1738 = arith.constant 112 : i32
    %add3A_1739 = vector.broadcast %add3A_1738 : i32 to vector<16xi32>
    %add3A_1740 = arith.addi %add3A_1739, %iota3A_1338 : vector<16xi32>
    %gather3A_1741 = tpu.vector_load_idx %arg8[%add3A_1740, %and3A_1737] : memref<128x128xf32, #tpu.memory_space<vmem>>[vector<16xi32>, vector<16xi32>], vector<16xf32>,
    %add3A_1742 = arith.constant 112 : i32
    %add3A_1743 = vector.broadcast %add3A_1742 : i32 to vector<16xi32>
    %add3A_1744 = arith.addi %add3A_1743, %iota3A_1338 : vector<16xi32>
    %gather3A_1745 = tpu.vector_load_idx %arg10[%add3A_1744, %and3A_1737] : memref<128x128xf32, #tpu.memory_space<vmem>>[vector<16xi32>, vector<16xi32>], vector<16xf32>,
    %bitcast3A_1746 = vector.bitcast %gather3A_1745 : vector<16xf32> to vector<16xi32>
    %shift_right_logical3A_1747 = arith.constant 1 : i32
    %shift_right_logical3A_1748 = vector.broadcast %shift_right_logical3A_1747 : i32 to vector<16xi32>
    %shift_right_logical3A_1749 = arith.shrui %bitcast3A_1746, %shift_right_logical3A_1748 : vector<16xi32>
    %sub3A_1750 = arith.constant 1597463007 : i32
    %sub3A_1751 = vector.broadcast %sub3A_1750 : i32 to vector<16xi32>
    %sub3A_1752 = arith.subi %sub3A_1751, %shift_right_logical3A_1749 : vector<16xi32>
    %bitcast3A_1753 = vector.bitcast %sub3A_1752 : vector<16xi32> to vector<16xf32>
    %mul3A_1754 = arith.constant 5.000000e-01 : f32
    %mul3A_1755 = vector.broadcast %mul3A_1754 : f32 to vector<16xf32>
    %mul3A_1756 = arith.mulf %mul3A_1755, %gather3A_1745 : vector<16xf32>
    %mul3A_1757 = arith.mulf %mul3A_1756, %bitcast3A_1753 : vector<16xf32>
    %mul3A_1758 = arith.mulf %mul3A_1757, %bitcast3A_1753 : vector<16xf32>
    %sub3A_1759 = arith.constant 1.500000e+00 : f32
    %sub3A_1760 = vector.broadcast %sub3A_1759 : f32 to vector<16xf32>
    %sub3A_1761 = arith.subf %sub3A_1760, %mul3A_1758 : vector<16xf32>
    %mul3A_1762 = arith.mulf %bitcast3A_1753, %sub3A_1761 : vector<16xf32>
    %mul3A_1763 = arith.constant 5.000000e-01 : f32
    %mul3A_1764 = vector.broadcast %mul3A_1763 : f32 to vector<16xf32>
    %mul3A_1765 = arith.mulf %mul3A_1764, %gather3A_1745 : vector<16xf32>
    %mul3A_1766 = arith.mulf %mul3A_1765, %mul3A_1762 : vector<16xf32>
    %mul3A_1767 = arith.mulf %mul3A_1766, %mul3A_1762 : vector<16xf32>
    %sub3A_1768 = arith.constant 1.500000e+00 : f32
    %sub3A_1769 = vector.broadcast %sub3A_1768 : f32 to vector<16xf32>
    %sub3A_1770 = arith.subf %sub3A_1769, %mul3A_1767 : vector<16xf32>
    %mul3A_1771 = arith.mulf %mul3A_1762, %sub3A_1770 : vector<16xf32>
    %mul3A_1772 = arith.constant 5.000000e-01 : f32
    %mul3A_1773 = vector.broadcast %mul3A_1772 : f32 to vector<16xf32>
    %mul3A_1774 = arith.mulf %mul3A_1773, %gather3A_1745 : vector<16xf32>
    %mul3A_1775 = arith.mulf %mul3A_1774, %mul3A_1771 : vector<16xf32>
    %mul3A_1776 = arith.mulf %mul3A_1775, %mul3A_1771 : vector<16xf32>
    %sub3A_1777 = arith.constant 1.500000e+00 : f32
    %sub3A_1778 = vector.broadcast %sub3A_1777 : f32 to vector<16xf32>
    %sub3A_1779 = arith.subf %sub3A_1778, %mul3A_1776 : vector<16xf32>
    %mul3A_1780 = arith.mulf %mul3A_1771, %sub3A_1779 : vector<16xf32>
    %min3A_1781 = arith.constant 1.000000e+00 : f32
    %min3A_1782 = vector.broadcast %min3A_1781 : f32 to vector<16xf32>
    %min3A_1783 = arith.minimumf %min3A_1782, %mul3A_1780 : vector<16xf32>
    %mul3A_1784 = arith.mulf %gather3A_1741, %min3A_1783 : vector<16xf32>
    %swap3A_1785 = arith.constant 368 : index
    %swap3A_1786 = tpu.vector_load %arg12[%swap3A_1785] {strides = array<i32>} : memref<512xf32, #tpu.memory_space<vmem>>, vector<16xf32>,
    tpu.vector_store %arg12[%swap3A_1785], %mul3A_1784 {strides = array<i32>} : memref<512xf32, #tpu.memory_space<vmem>>, vector<16xf32>,
    %dma_wait3A_1787 = arith.constant 3 : i32
    %dma_wait3A_1788 = arith.constant 0 : i32
    %dma_wait3A_1789 = tpu.memref_slice %arg7[%dma_wait3A_1787, %dma_wait3A_1788] : memref<4x128xi32, #tpu.memory_space<vmem>> -> memref<1x128xi32, #tpu.memory_space<vmem>>
    %dma_wait3A_1790 = tpu.memref_squeeze %dma_wait3A_1789 : memref<1x128xi32, #tpu.memory_space<vmem>> -> memref<128xi32, #tpu.memory_space<vmem>>
    %dma_wait3A_1791 = arith.constant 0 : i32
    %dma_wait3A_1792 = arith.constant 0 : i32
    %dma_wait3A_1793 = tpu.memref_slice %arg3[%dma_wait3A_1791, %dma_wait3A_1792] : memref<7936x128xf32, #tpu.memory_space<hbm>> -> memref<7936x128xf32, #tpu.memory_space<hbm>>
    tpu.wait_indirect_dma semaphore(%arg14 : memref<!tpu.dma_semaphore, #tpu.memory_space<semaphore_mem>>) src(%dma_wait3A_1793 : memref<7936x128xf32, #tpu.memory_space<hbm>>) dst(%arg9 : memref<128x128xf32, #tpu.memory_space<vmem>>)
    %dma_wait3A_1794 = arith.constant 3 : i32
    %dma_wait3A_1795 = arith.constant 0 : i32
    %dma_wait3A_1796 = tpu.memref_slice %arg7[%dma_wait3A_1794, %dma_wait3A_1795] : memref<4x128xi32, #tpu.memory_space<vmem>> -> memref<1x128xi32, #tpu.memory_space<vmem>>
    %dma_wait3A_1797 = tpu.memref_squeeze %dma_wait3A_1796 : memref<1x128xi32, #tpu.memory_space<vmem>> -> memref<128xi32, #tpu.memory_space<vmem>>
    %dma_wait3A_1798 = arith.constant 0 : i32
    %dma_wait3A_1799 = arith.constant 0 : i32
    %dma_wait3A_1800 = tpu.memref_slice %arg4[%dma_wait3A_1798, %dma_wait3A_1799] : memref<7936x128xf32, #tpu.memory_space<hbm>> -> memref<7936x128xf32, #tpu.memory_space<hbm>>
    tpu.wait_indirect_dma semaphore(%arg14 : memref<!tpu.dma_semaphore, #tpu.memory_space<semaphore_mem>>) src(%dma_wait3A_1800 : memref<7936x128xf32, #tpu.memory_space<hbm>>) dst(%arg11 : memref<128x128xf32, #tpu.memory_space<vmem>>)
    %iota3A_1801 = tpu.iota {dimensions = array<i32: 0>} : vector<16xi32>
    %get3A_1802 = arith.constant 3 : i32
    %get3A_1803 = arith.index_cast %get3A_1802 : i32 to index
    %get3A_1804 = arith.constant 0 : index
    %get3A_1805 = tpu.vector_load %arg6[%get3A_1803, %get3A_1804] {strides = array<i32>} : memref<4x128xi32, #tpu.memory_space<vmem>>, vector<16xi32>,
    %and3A_1806 = arith.constant 127 : i32
    %and3A_1807 = vector.broadcast %and3A_1806 : i32 to vector<16xi32>
    %and3A_1808 = arith.andi %get3A_1805, %and3A_1807 : vector<16xi32>
    %add3A_1809 = arith.constant 0 : i32
    %add3A_1810 = vector.broadcast %add3A_1809 : i32 to vector<16xi32>
    %add3A_1811 = arith.addi %add3A_1810, %iota3A_1801 : vector<16xi32>
    %gather3A_1812 = tpu.vector_load_idx %arg9[%add3A_1811, %and3A_1808] : memref<128x128xf32, #tpu.memory_space<vmem>>[vector<16xi32>, vector<16xi32>], vector<16xf32>,
    %add3A_1813 = arith.constant 0 : i32
    %add3A_1814 = vector.broadcast %add3A_1813 : i32 to vector<16xi32>
    %add3A_1815 = arith.addi %add3A_1814, %iota3A_1801 : vector<16xi32>
    %gather3A_1816 = tpu.vector_load_idx %arg11[%add3A_1815, %and3A_1808] : memref<128x128xf32, #tpu.memory_space<vmem>>[vector<16xi32>, vector<16xi32>], vector<16xf32>,
    %bitcast3A_1817 = vector.bitcast %gather3A_1816 : vector<16xf32> to vector<16xi32>
    %shift_right_logical3A_1818 = arith.constant 1 : i32
    %shift_right_logical3A_1819 = vector.broadcast %shift_right_logical3A_1818 : i32 to vector<16xi32>
    %shift_right_logical3A_1820 = arith.shrui %bitcast3A_1817, %shift_right_logical3A_1819 : vector<16xi32>
    %sub3A_1821 = arith.constant 1597463007 : i32
    %sub3A_1822 = vector.broadcast %sub3A_1821 : i32 to vector<16xi32>
    %sub3A_1823 = arith.subi %sub3A_1822, %shift_right_logical3A_1820 : vector<16xi32>
    %bitcast3A_1824 = vector.bitcast %sub3A_1823 : vector<16xi32> to vector<16xf32>
    %mul3A_1825 = arith.constant 5.000000e-01 : f32
    %mul3A_1826 = vector.broadcast %mul3A_1825 : f32 to vector<16xf32>
    %mul3A_1827 = arith.mulf %mul3A_1826, %gather3A_1816 : vector<16xf32>
    %mul3A_1828 = arith.mulf %mul3A_1827, %bitcast3A_1824 : vector<16xf32>
    %mul3A_1829 = arith.mulf %mul3A_1828, %bitcast3A_1824 : vector<16xf32>
    %sub3A_1830 = arith.constant 1.500000e+00 : f32
    %sub3A_1831 = vector.broadcast %sub3A_1830 : f32 to vector<16xf32>
    %sub3A_1832 = arith.subf %sub3A_1831, %mul3A_1829 : vector<16xf32>
    %mul3A_1833 = arith.mulf %bitcast3A_1824, %sub3A_1832 : vector<16xf32>
    %mul3A_1834 = arith.constant 5.000000e-01 : f32
    %mul3A_1835 = vector.broadcast %mul3A_1834 : f32 to vector<16xf32>
    %mul3A_1836 = arith.mulf %mul3A_1835, %gather3A_1816 : vector<16xf32>
    %mul3A_1837 = arith.mulf %mul3A_1836, %mul3A_1833 : vector<16xf32>
    %mul3A_1838 = arith.mulf %mul3A_1837, %mul3A_1833 : vector<16xf32>
    %sub3A_1839 = arith.constant 1.500000e+00 : f32
    %sub3A_1840 = vector.broadcast %sub3A_1839 : f32 to vector<16xf32>
    %sub3A_1841 = arith.subf %sub3A_1840, %mul3A_1838 : vector<16xf32>
    %mul3A_1842 = arith.mulf %mul3A_1833, %sub3A_1841 : vector<16xf32>
    %mul3A_1843 = arith.constant 5.000000e-01 : f32
    %mul3A_1844 = vector.broadcast %mul3A_1843 : f32 to vector<16xf32>
    %mul3A_1845 = arith.mulf %mul3A_1844, %gather3A_1816 : vector<16xf32>
    %mul3A_1846 = arith.mulf %mul3A_1845, %mul3A_1842 : vector<16xf32>
    %mul3A_1847 = arith.mulf %mul3A_1846, %mul3A_1842 : vector<16xf32>
    %sub3A_1848 = arith.constant 1.500000e+00 : f32
    %sub3A_1849 = vector.broadcast %sub3A_1848 : f32 to vector<16xf32>
    %sub3A_1850 = arith.subf %sub3A_1849, %mul3A_1847 : vector<16xf32>
    %mul3A_1851 = arith.mulf %mul3A_1842, %sub3A_1850 : vector<16xf32>
    %min3A_1852 = arith.constant 1.000000e+00 : f32
    %min3A_1853 = vector.broadcast %min3A_1852 : f32 to vector<16xf32>
    %min3A_1854 = arith.minimumf %min3A_1853, %mul3A_1851 : vector<16xf32>
    %mul3A_1855 = arith.mulf %gather3A_1812, %min3A_1854 : vector<16xf32>
    %swap3A_1856 = arith.constant 384 : index
    %swap3A_1857 = tpu.vector_load %arg12[%swap3A_1856] {strides = array<i32>} : memref<512xf32, #tpu.memory_space<vmem>>, vector<16xf32>,
    tpu.vector_store %arg12[%swap3A_1856], %mul3A_1855 {strides = array<i32>} : memref<512xf32, #tpu.memory_space<vmem>>, vector<16xf32>,
    %get3A_1858 = arith.constant 3 : i32
    %get3A_1859 = arith.index_cast %get3A_1858 : i32 to index
    %get3A_1860 = arith.constant 16 : index
    %get3A_1861 = tpu.vector_load %arg6[%get3A_1859, %get3A_1860] {strides = array<i32>} : memref<4x128xi32, #tpu.memory_space<vmem>>, vector<16xi32>,
    %and3A_1862 = arith.constant 127 : i32
    %and3A_1863 = vector.broadcast %and3A_1862 : i32 to vector<16xi32>
    %and3A_1864 = arith.andi %get3A_1861, %and3A_1863 : vector<16xi32>
    %add3A_1865 = arith.constant 16 : i32
    %add3A_1866 = vector.broadcast %add3A_1865 : i32 to vector<16xi32>
    %add3A_1867 = arith.addi %add3A_1866, %iota3A_1801 : vector<16xi32>
    %gather3A_1868 = tpu.vector_load_idx %arg9[%add3A_1867, %and3A_1864] : memref<128x128xf32, #tpu.memory_space<vmem>>[vector<16xi32>, vector<16xi32>], vector<16xf32>,
    %add3A_1869 = arith.constant 16 : i32
    %add3A_1870 = vector.broadcast %add3A_1869 : i32 to vector<16xi32>
    %add3A_1871 = arith.addi %add3A_1870, %iota3A_1801 : vector<16xi32>
    %gather3A_1872 = tpu.vector_load_idx %arg11[%add3A_1871, %and3A_1864] : memref<128x128xf32, #tpu.memory_space<vmem>>[vector<16xi32>, vector<16xi32>], vector<16xf32>,
    %bitcast3A_1873 = vector.bitcast %gather3A_1872 : vector<16xf32> to vector<16xi32>
    %shift_right_logical3A_1874 = arith.constant 1 : i32
    %shift_right_logical3A_1875 = vector.broadcast %shift_right_logical3A_1874 : i32 to vector<16xi32>
    %shift_right_logical3A_1876 = arith.shrui %bitcast3A_1873, %shift_right_logical3A_1875 : vector<16xi32>
    %sub3A_1877 = arith.constant 1597463007 : i32
    %sub3A_1878 = vector.broadcast %sub3A_1877 : i32 to vector<16xi32>
    %sub3A_1879 = arith.subi %sub3A_1878, %shift_right_logical3A_1876 : vector<16xi32>
    %bitcast3A_1880 = vector.bitcast %sub3A_1879 : vector<16xi32> to vector<16xf32>
    %mul3A_1881 = arith.constant 5.000000e-01 : f32
    %mul3A_1882 = vector.broadcast %mul3A_1881 : f32 to vector<16xf32>
    %mul3A_1883 = arith.mulf %mul3A_1882, %gather3A_1872 : vector<16xf32>
    %mul3A_1884 = arith.mulf %mul3A_1883, %bitcast3A_1880 : vector<16xf32>
    %mul3A_1885 = arith.mulf %mul3A_1884, %bitcast3A_1880 : vector<16xf32>
    %sub3A_1886 = arith.constant 1.500000e+00 : f32
    %sub3A_1887 = vector.broadcast %sub3A_1886 : f32 to vector<16xf32>
    %sub3A_1888 = arith.subf %sub3A_1887, %mul3A_1885 : vector<16xf32>
    %mul3A_1889 = arith.mulf %bitcast3A_1880, %sub3A_1888 : vector<16xf32>
    %mul3A_1890 = arith.constant 5.000000e-01 : f32
    %mul3A_1891 = vector.broadcast %mul3A_1890 : f32 to vector<16xf32>
    %mul3A_1892 = arith.mulf %mul3A_1891, %gather3A_1872 : vector<16xf32>
    %mul3A_1893 = arith.mulf %mul3A_1892, %mul3A_1889 : vector<16xf32>
    %mul3A_1894 = arith.mulf %mul3A_1893, %mul3A_1889 : vector<16xf32>
    %sub3A_1895 = arith.constant 1.500000e+00 : f32
    %sub3A_1896 = vector.broadcast %sub3A_1895 : f32 to vector<16xf32>
    %sub3A_1897 = arith.subf %sub3A_1896, %mul3A_1894 : vector<16xf32>
    %mul3A_1898 = arith.mulf %mul3A_1889, %sub3A_1897 : vector<16xf32>
    %mul3A_1899 = arith.constant 5.000000e-01 : f32
    %mul3A_1900 = vector.broadcast %mul3A_1899 : f32 to vector<16xf32>
    %mul3A_1901 = arith.mulf %mul3A_1900, %gather3A_1872 : vector<16xf32>
    %mul3A_1902 = arith.mulf %mul3A_1901, %mul3A_1898 : vector<16xf32>
    %mul3A_1903 = arith.mulf %mul3A_1902, %mul3A_1898 : vector<16xf32>
    %sub3A_1904 = arith.constant 1.500000e+00 : f32
    %sub3A_1905 = vector.broadcast %sub3A_1904 : f32 to vector<16xf32>
    %sub3A_1906 = arith.subf %sub3A_1905, %mul3A_1903 : vector<16xf32>
    %mul3A_1907 = arith.mulf %mul3A_1898, %sub3A_1906 : vector<16xf32>
    %min3A_1908 = arith.constant 1.000000e+00 : f32
    %min3A_1909 = vector.broadcast %min3A_1908 : f32 to vector<16xf32>
    %min3A_1910 = arith.minimumf %min3A_1909, %mul3A_1907 : vector<16xf32>
    %mul3A_1911 = arith.mulf %gather3A_1868, %min3A_1910 : vector<16xf32>
    %swap3A_1912 = arith.constant 400 : index
    %swap3A_1913 = tpu.vector_load %arg12[%swap3A_1912] {strides = array<i32>} : memref<512xf32, #tpu.memory_space<vmem>>, vector<16xf32>,
    tpu.vector_store %arg12[%swap3A_1912], %mul3A_1911 {strides = array<i32>} : memref<512xf32, #tpu.memory_space<vmem>>, vector<16xf32>,
    %get3A_1914 = arith.constant 3 : i32
    %get3A_1915 = arith.index_cast %get3A_1914 : i32 to index
    %get3A_1916 = arith.constant 32 : index
    %get3A_1917 = tpu.vector_load %arg6[%get3A_1915, %get3A_1916] {strides = array<i32>} : memref<4x128xi32, #tpu.memory_space<vmem>>, vector<16xi32>,
    %and3A_1918 = arith.constant 127 : i32
    %and3A_1919 = vector.broadcast %and3A_1918 : i32 to vector<16xi32>
    %and3A_1920 = arith.andi %get3A_1917, %and3A_1919 : vector<16xi32>
    %add3A_1921 = arith.constant 32 : i32
    %add3A_1922 = vector.broadcast %add3A_1921 : i32 to vector<16xi32>
    %add3A_1923 = arith.addi %add3A_1922, %iota3A_1801 : vector<16xi32>
    %gather3A_1924 = tpu.vector_load_idx %arg9[%add3A_1923, %and3A_1920] : memref<128x128xf32, #tpu.memory_space<vmem>>[vector<16xi32>, vector<16xi32>], vector<16xf32>,
    %add3A_1925 = arith.constant 32 : i32
    %add3A_1926 = vector.broadcast %add3A_1925 : i32 to vector<16xi32>
    %add3A_1927 = arith.addi %add3A_1926, %iota3A_1801 : vector<16xi32>
    %gather3A_1928 = tpu.vector_load_idx %arg11[%add3A_1927, %and3A_1920] : memref<128x128xf32, #tpu.memory_space<vmem>>[vector<16xi32>, vector<16xi32>], vector<16xf32>,
    %bitcast3A_1929 = vector.bitcast %gather3A_1928 : vector<16xf32> to vector<16xi32>
    %shift_right_logical3A_1930 = arith.constant 1 : i32
    %shift_right_logical3A_1931 = vector.broadcast %shift_right_logical3A_1930 : i32 to vector<16xi32>
    %shift_right_logical3A_1932 = arith.shrui %bitcast3A_1929, %shift_right_logical3A_1931 : vector<16xi32>
    %sub3A_1933 = arith.constant 1597463007 : i32
    %sub3A_1934 = vector.broadcast %sub3A_1933 : i32 to vector<16xi32>
    %sub3A_1935 = arith.subi %sub3A_1934, %shift_right_logical3A_1932 : vector<16xi32>
    %bitcast3A_1936 = vector.bitcast %sub3A_1935 : vector<16xi32> to vector<16xf32>
    %mul3A_1937 = arith.constant 5.000000e-01 : f32
    %mul3A_1938 = vector.broadcast %mul3A_1937 : f32 to vector<16xf32>
    %mul3A_1939 = arith.mulf %mul3A_1938, %gather3A_1928 : vector<16xf32>
    %mul3A_1940 = arith.mulf %mul3A_1939, %bitcast3A_1936 : vector<16xf32>
    %mul3A_1941 = arith.mulf %mul3A_1940, %bitcast3A_1936 : vector<16xf32>
    %sub3A_1942 = arith.constant 1.500000e+00 : f32
    %sub3A_1943 = vector.broadcast %sub3A_1942 : f32 to vector<16xf32>
    %sub3A_1944 = arith.subf %sub3A_1943, %mul3A_1941 : vector<16xf32>
    %mul3A_1945 = arith.mulf %bitcast3A_1936, %sub3A_1944 : vector<16xf32>
    %mul3A_1946 = arith.constant 5.000000e-01 : f32
    %mul3A_1947 = vector.broadcast %mul3A_1946 : f32 to vector<16xf32>
    %mul3A_1948 = arith.mulf %mul3A_1947, %gather3A_1928 : vector<16xf32>
    %mul3A_1949 = arith.mulf %mul3A_1948, %mul3A_1945 : vector<16xf32>
    %mul3A_1950 = arith.mulf %mul3A_1949, %mul3A_1945 : vector<16xf32>
    %sub3A_1951 = arith.constant 1.500000e+00 : f32
    %sub3A_1952 = vector.broadcast %sub3A_1951 : f32 to vector<16xf32>
    %sub3A_1953 = arith.subf %sub3A_1952, %mul3A_1950 : vector<16xf32>
    %mul3A_1954 = arith.mulf %mul3A_1945, %sub3A_1953 : vector<16xf32>
    %mul3A_1955 = arith.constant 5.000000e-01 : f32
    %mul3A_1956 = vector.broadcast %mul3A_1955 : f32 to vector<16xf32>
    %mul3A_1957 = arith.mulf %mul3A_1956, %gather3A_1928 : vector<16xf32>
    %mul3A_1958 = arith.mulf %mul3A_1957, %mul3A_1954 : vector<16xf32>
    %mul3A_1959 = arith.mulf %mul3A_1958, %mul3A_1954 : vector<16xf32>
    %sub3A_1960 = arith.constant 1.500000e+00 : f32
    %sub3A_1961 = vector.broadcast %sub3A_1960 : f32 to vector<16xf32>
    %sub3A_1962 = arith.subf %sub3A_1961, %mul3A_1959 : vector<16xf32>
    %mul3A_1963 = arith.mulf %mul3A_1954, %sub3A_1962 : vector<16xf32>
    %min3A_1964 = arith.constant 1.000000e+00 : f32
    %min3A_1965 = vector.broadcast %min3A_1964 : f32 to vector<16xf32>
    %min3A_1966 = arith.minimumf %min3A_1965, %mul3A_1963 : vector<16xf32>
    %mul3A_1967 = arith.mulf %gather3A_1924, %min3A_1966 : vector<16xf32>
    %swap3A_1968 = arith.constant 416 : index
    %swap3A_1969 = tpu.vector_load %arg12[%swap3A_1968] {strides = array<i32>} : memref<512xf32, #tpu.memory_space<vmem>>, vector<16xf32>,
    tpu.vector_store %arg12[%swap3A_1968], %mul3A_1967 {strides = array<i32>} : memref<512xf32, #tpu.memory_space<vmem>>, vector<16xf32>,
    %get3A_1970 = arith.constant 3 : i32
    %get3A_1971 = arith.index_cast %get3A_1970 : i32 to index
    %get3A_1972 = arith.constant 48 : index
    %get3A_1973 = tpu.vector_load %arg6[%get3A_1971, %get3A_1972] {strides = array<i32>} : memref<4x128xi32, #tpu.memory_space<vmem>>, vector<16xi32>,
    %and3A_1974 = arith.constant 127 : i32
    %and3A_1975 = vector.broadcast %and3A_1974 : i32 to vector<16xi32>
    %and3A_1976 = arith.andi %get3A_1973, %and3A_1975 : vector<16xi32>
    %add3A_1977 = arith.constant 48 : i32
    %add3A_1978 = vector.broadcast %add3A_1977 : i32 to vector<16xi32>
    %add3A_1979 = arith.addi %add3A_1978, %iota3A_1801 : vector<16xi32>
    %gather3A_1980 = tpu.vector_load_idx %arg9[%add3A_1979, %and3A_1976] : memref<128x128xf32, #tpu.memory_space<vmem>>[vector<16xi32>, vector<16xi32>], vector<16xf32>,
    %add3A_1981 = arith.constant 48 : i32
    %add3A_1982 = vector.broadcast %add3A_1981 : i32 to vector<16xi32>
    %add3A_1983 = arith.addi %add3A_1982, %iota3A_1801 : vector<16xi32>
    %gather3A_1984 = tpu.vector_load_idx %arg11[%add3A_1983, %and3A_1976] : memref<128x128xf32, #tpu.memory_space<vmem>>[vector<16xi32>, vector<16xi32>], vector<16xf32>,
    %bitcast3A_1985 = vector.bitcast %gather3A_1984 : vector<16xf32> to vector<16xi32>
    %shift_right_logical3A_1986 = arith.constant 1 : i32
    %shift_right_logical3A_1987 = vector.broadcast %shift_right_logical3A_1986 : i32 to vector<16xi32>
    %shift_right_logical3A_1988 = arith.shrui %bitcast3A_1985, %shift_right_logical3A_1987 : vector<16xi32>
    %sub3A_1989 = arith.constant 1597463007 : i32
    %sub3A_1990 = vector.broadcast %sub3A_1989 : i32 to vector<16xi32>
    %sub3A_1991 = arith.subi %sub3A_1990, %shift_right_logical3A_1988 : vector<16xi32>
    %bitcast3A_1992 = vector.bitcast %sub3A_1991 : vector<16xi32> to vector<16xf32>
    %mul3A_1993 = arith.constant 5.000000e-01 : f32
    %mul3A_1994 = vector.broadcast %mul3A_1993 : f32 to vector<16xf32>
    %mul3A_1995 = arith.mulf %mul3A_1994, %gather3A_1984 : vector<16xf32>
    %mul3A_1996 = arith.mulf %mul3A_1995, %bitcast3A_1992 : vector<16xf32>
    %mul3A_1997 = arith.mulf %mul3A_1996, %bitcast3A_1992 : vector<16xf32>
    %sub3A_1998 = arith.constant 1.500000e+00 : f32
    %sub3A_1999 = vector.broadcast %sub3A_1998 : f32 to vector<16xf32>
    %sub3A_2000 = arith.subf %sub3A_1999, %mul3A_1997 : vector<16xf32>
    %mul3A_2001 = arith.mulf %bitcast3A_1992, %sub3A_2000 : vector<16xf32>
    %mul3A_2002 = arith.constant 5.000000e-01 : f32
    %mul3A_2003 = vector.broadcast %mul3A_2002 : f32 to vector<16xf32>
    %mul3A_2004 = arith.mulf %mul3A_2003, %gather3A_1984 : vector<16xf32>
    %mul3A_2005 = arith.mulf %mul3A_2004, %mul3A_2001 : vector<16xf32>
    %mul3A_2006 = arith.mulf %mul3A_2005, %mul3A_2001 : vector<16xf32>
    %sub3A_2007 = arith.constant 1.500000e+00 : f32
    %sub3A_2008 = vector.broadcast %sub3A_2007 : f32 to vector<16xf32>
    %sub3A_2009 = arith.subf %sub3A_2008, %mul3A_2006 : vector<16xf32>
    %mul3A_2010 = arith.mulf %mul3A_2001, %sub3A_2009 : vector<16xf32>
    %mul3A_2011 = arith.constant 5.000000e-01 : f32
    %mul3A_2012 = vector.broadcast %mul3A_2011 : f32 to vector<16xf32>
    %mul3A_2013 = arith.mulf %mul3A_2012, %gather3A_1984 : vector<16xf32>
    %mul3A_2014 = arith.mulf %mul3A_2013, %mul3A_2010 : vector<16xf32>
    %mul3A_2015 = arith.mulf %mul3A_2014, %mul3A_2010 : vector<16xf32>
    %sub3A_2016 = arith.constant 1.500000e+00 : f32
    %sub3A_2017 = vector.broadcast %sub3A_2016 : f32 to vector<16xf32>
    %sub3A_2018 = arith.subf %sub3A_2017, %mul3A_2015 : vector<16xf32>
    %mul3A_2019 = arith.mulf %mul3A_2010, %sub3A_2018 : vector<16xf32>
    %min3A_2020 = arith.constant 1.000000e+00 : f32
    %min3A_2021 = vector.broadcast %min3A_2020 : f32 to vector<16xf32>
    %min3A_2022 = arith.minimumf %min3A_2021, %mul3A_2019 : vector<16xf32>
    %mul3A_2023 = arith.mulf %gather3A_1980, %min3A_2022 : vector<16xf32>
    %swap3A_2024 = arith.constant 432 : index
    %swap3A_2025 = tpu.vector_load %arg12[%swap3A_2024] {strides = array<i32>} : memref<512xf32, #tpu.memory_space<vmem>>, vector<16xf32>,
    tpu.vector_store %arg12[%swap3A_2024], %mul3A_2023 {strides = array<i32>} : memref<512xf32, #tpu.memory_space<vmem>>, vector<16xf32>,
    %get3A_2026 = arith.constant 3 : i32
    %get3A_2027 = arith.index_cast %get3A_2026 : i32 to index
    %get3A_2028 = arith.constant 64 : index
    %get3A_2029 = tpu.vector_load %arg6[%get3A_2027, %get3A_2028] {strides = array<i32>} : memref<4x128xi32, #tpu.memory_space<vmem>>, vector<16xi32>,
    %and3A_2030 = arith.constant 127 : i32
    %and3A_2031 = vector.broadcast %and3A_2030 : i32 to vector<16xi32>
    %and3A_2032 = arith.andi %get3A_2029, %and3A_2031 : vector<16xi32>
    %add3A_2033 = arith.constant 64 : i32
    %add3A_2034 = vector.broadcast %add3A_2033 : i32 to vector<16xi32>
    %add3A_2035 = arith.addi %add3A_2034, %iota3A_1801 : vector<16xi32>
    %gather3A_2036 = tpu.vector_load_idx %arg9[%add3A_2035, %and3A_2032] : memref<128x128xf32, #tpu.memory_space<vmem>>[vector<16xi32>, vector<16xi32>], vector<16xf32>,
    %add3A_2037 = arith.constant 64 : i32
    %add3A_2038 = vector.broadcast %add3A_2037 : i32 to vector<16xi32>
    %add3A_2039 = arith.addi %add3A_2038, %iota3A_1801 : vector<16xi32>
    %gather3A_2040 = tpu.vector_load_idx %arg11[%add3A_2039, %and3A_2032] : memref<128x128xf32, #tpu.memory_space<vmem>>[vector<16xi32>, vector<16xi32>], vector<16xf32>,
    %bitcast3A_2041 = vector.bitcast %gather3A_2040 : vector<16xf32> to vector<16xi32>
    %shift_right_logical3A_2042 = arith.constant 1 : i32
    %shift_right_logical3A_2043 = vector.broadcast %shift_right_logical3A_2042 : i32 to vector<16xi32>
    %shift_right_logical3A_2044 = arith.shrui %bitcast3A_2041, %shift_right_logical3A_2043 : vector<16xi32>
    %sub3A_2045 = arith.constant 1597463007 : i32
    %sub3A_2046 = vector.broadcast %sub3A_2045 : i32 to vector<16xi32>
    %sub3A_2047 = arith.subi %sub3A_2046, %shift_right_logical3A_2044 : vector<16xi32>
    %bitcast3A_2048 = vector.bitcast %sub3A_2047 : vector<16xi32> to vector<16xf32>
    %mul3A_2049 = arith.constant 5.000000e-01 : f32
    %mul3A_2050 = vector.broadcast %mul3A_2049 : f32 to vector<16xf32>
    %mul3A_2051 = arith.mulf %mul3A_2050, %gather3A_2040 : vector<16xf32>
    %mul3A_2052 = arith.mulf %mul3A_2051, %bitcast3A_2048 : vector<16xf32>
    %mul3A_2053 = arith.mulf %mul3A_2052, %bitcast3A_2048 : vector<16xf32>
    %sub3A_2054 = arith.constant 1.500000e+00 : f32
    %sub3A_2055 = vector.broadcast %sub3A_2054 : f32 to vector<16xf32>
    %sub3A_2056 = arith.subf %sub3A_2055, %mul3A_2053 : vector<16xf32>
    %mul3A_2057 = arith.mulf %bitcast3A_2048, %sub3A_2056 : vector<16xf32>
    %mul3A_2058 = arith.constant 5.000000e-01 : f32
    %mul3A_2059 = vector.broadcast %mul3A_2058 : f32 to vector<16xf32>
    %mul3A_2060 = arith.mulf %mul3A_2059, %gather3A_2040 : vector<16xf32>
    %mul3A_2061 = arith.mulf %mul3A_2060, %mul3A_2057 : vector<16xf32>
    %mul3A_2062 = arith.mulf %mul3A_2061, %mul3A_2057 : vector<16xf32>
    %sub3A_2063 = arith.constant 1.500000e+00 : f32
    %sub3A_2064 = vector.broadcast %sub3A_2063 : f32 to vector<16xf32>
    %sub3A_2065 = arith.subf %sub3A_2064, %mul3A_2062 : vector<16xf32>
    %mul3A_2066 = arith.mulf %mul3A_2057, %sub3A_2065 : vector<16xf32>
    %mul3A_2067 = arith.constant 5.000000e-01 : f32
    %mul3A_2068 = vector.broadcast %mul3A_2067 : f32 to vector<16xf32>
    %mul3A_2069 = arith.mulf %mul3A_2068, %gather3A_2040 : vector<16xf32>
    %mul3A_2070 = arith.mulf %mul3A_2069, %mul3A_2066 : vector<16xf32>
    %mul3A_2071 = arith.mulf %mul3A_2070, %mul3A_2066 : vector<16xf32>
    %sub3A_2072 = arith.constant 1.500000e+00 : f32
    %sub3A_2073 = vector.broadcast %sub3A_2072 : f32 to vector<16xf32>
    %sub3A_2074 = arith.subf %sub3A_2073, %mul3A_2071 : vector<16xf32>
    %mul3A_2075 = arith.mulf %mul3A_2066, %sub3A_2074 : vector<16xf32>
    %min3A_2076 = arith.constant 1.000000e+00 : f32
    %min3A_2077 = vector.broadcast %min3A_2076 : f32 to vector<16xf32>
    %min3A_2078 = arith.minimumf %min3A_2077, %mul3A_2075 : vector<16xf32>
    %mul3A_2079 = arith.mulf %gather3A_2036, %min3A_2078 : vector<16xf32>
    %swap3A_2080 = arith.constant 448 : index
    %swap3A_2081 = tpu.vector_load %arg12[%swap3A_2080] {strides = array<i32>} : memref<512xf32, #tpu.memory_space<vmem>>, vector<16xf32>,
    tpu.vector_store %arg12[%swap3A_2080], %mul3A_2079 {strides = array<i32>} : memref<512xf32, #tpu.memory_space<vmem>>, vector<16xf32>,
    %get3A_2082 = arith.constant 3 : i32
    %get3A_2083 = arith.index_cast %get3A_2082 : i32 to index
    %get3A_2084 = arith.constant 80 : index
    %get3A_2085 = tpu.vector_load %arg6[%get3A_2083, %get3A_2084] {strides = array<i32>} : memref<4x128xi32, #tpu.memory_space<vmem>>, vector<16xi32>,
    %and3A_2086 = arith.constant 127 : i32
    %and3A_2087 = vector.broadcast %and3A_2086 : i32 to vector<16xi32>
    %and3A_2088 = arith.andi %get3A_2085, %and3A_2087 : vector<16xi32>
    %add3A_2089 = arith.constant 80 : i32
    %add3A_2090 = vector.broadcast %add3A_2089 : i32 to vector<16xi32>
    %add3A_2091 = arith.addi %add3A_2090, %iota3A_1801 : vector<16xi32>
    %gather3A_2092 = tpu.vector_load_idx %arg9[%add3A_2091, %and3A_2088] : memref<128x128xf32, #tpu.memory_space<vmem>>[vector<16xi32>, vector<16xi32>], vector<16xf32>,
    %add3A_2093 = arith.constant 80 : i32
    %add3A_2094 = vector.broadcast %add3A_2093 : i32 to vector<16xi32>
    %add3A_2095 = arith.addi %add3A_2094, %iota3A_1801 : vector<16xi32>
    %gather3A_2096 = tpu.vector_load_idx %arg11[%add3A_2095, %and3A_2088] : memref<128x128xf32, #tpu.memory_space<vmem>>[vector<16xi32>, vector<16xi32>], vector<16xf32>,
    %bitcast3A_2097 = vector.bitcast %gather3A_2096 : vector<16xf32> to vector<16xi32>
    %shift_right_logical3A_2098 = arith.constant 1 : i32
    %shift_right_logical3A_2099 = vector.broadcast %shift_right_logical3A_2098 : i32 to vector<16xi32>
    %shift_right_logical3A_2100 = arith.shrui %bitcast3A_2097, %shift_right_logical3A_2099 : vector<16xi32>
    %sub3A_2101 = arith.constant 1597463007 : i32
    %sub3A_2102 = vector.broadcast %sub3A_2101 : i32 to vector<16xi32>
    %sub3A_2103 = arith.subi %sub3A_2102, %shift_right_logical3A_2100 : vector<16xi32>
    %bitcast3A_2104 = vector.bitcast %sub3A_2103 : vector<16xi32> to vector<16xf32>
    %mul3A_2105 = arith.constant 5.000000e-01 : f32
    %mul3A_2106 = vector.broadcast %mul3A_2105 : f32 to vector<16xf32>
    %mul3A_2107 = arith.mulf %mul3A_2106, %gather3A_2096 : vector<16xf32>
    %mul3A_2108 = arith.mulf %mul3A_2107, %bitcast3A_2104 : vector<16xf32>
    %mul3A_2109 = arith.mulf %mul3A_2108, %bitcast3A_2104 : vector<16xf32>
    %sub3A_2110 = arith.constant 1.500000e+00 : f32
    %sub3A_2111 = vector.broadcast %sub3A_2110 : f32 to vector<16xf32>
    %sub3A_2112 = arith.subf %sub3A_2111, %mul3A_2109 : vector<16xf32>
    %mul3A_2113 = arith.mulf %bitcast3A_2104, %sub3A_2112 : vector<16xf32>
    %mul3A_2114 = arith.constant 5.000000e-01 : f32
    %mul3A_2115 = vector.broadcast %mul3A_2114 : f32 to vector<16xf32>
    %mul3A_2116 = arith.mulf %mul3A_2115, %gather3A_2096 : vector<16xf32>
    %mul3A_2117 = arith.mulf %mul3A_2116, %mul3A_2113 : vector<16xf32>
    %mul3A_2118 = arith.mulf %mul3A_2117, %mul3A_2113 : vector<16xf32>
    %sub3A_2119 = arith.constant 1.500000e+00 : f32
    %sub3A_2120 = vector.broadcast %sub3A_2119 : f32 to vector<16xf32>
    %sub3A_2121 = arith.subf %sub3A_2120, %mul3A_2118 : vector<16xf32>
    %mul3A_2122 = arith.mulf %mul3A_2113, %sub3A_2121 : vector<16xf32>
    %mul3A_2123 = arith.constant 5.000000e-01 : f32
    %mul3A_2124 = vector.broadcast %mul3A_2123 : f32 to vector<16xf32>
    %mul3A_2125 = arith.mulf %mul3A_2124, %gather3A_2096 : vector<16xf32>
    %mul3A_2126 = arith.mulf %mul3A_2125, %mul3A_2122 : vector<16xf32>
    %mul3A_2127 = arith.mulf %mul3A_2126, %mul3A_2122 : vector<16xf32>
    %sub3A_2128 = arith.constant 1.500000e+00 : f32
    %sub3A_2129 = vector.broadcast %sub3A_2128 : f32 to vector<16xf32>
    %sub3A_2130 = arith.subf %sub3A_2129, %mul3A_2127 : vector<16xf32>
    %mul3A_2131 = arith.mulf %mul3A_2122, %sub3A_2130 : vector<16xf32>
    %min3A_2132 = arith.constant 1.000000e+00 : f32
    %min3A_2133 = vector.broadcast %min3A_2132 : f32 to vector<16xf32>
    %min3A_2134 = arith.minimumf %min3A_2133, %mul3A_2131 : vector<16xf32>
    %mul3A_2135 = arith.mulf %gather3A_2092, %min3A_2134 : vector<16xf32>
    %swap3A_2136 = arith.constant 464 : index
    %swap3A_2137 = tpu.vector_load %arg12[%swap3A_2136] {strides = array<i32>} : memref<512xf32, #tpu.memory_space<vmem>>, vector<16xf32>,
    tpu.vector_store %arg12[%swap3A_2136], %mul3A_2135 {strides = array<i32>} : memref<512xf32, #tpu.memory_space<vmem>>, vector<16xf32>,
    %get3A_2138 = arith.constant 3 : i32
    %get3A_2139 = arith.index_cast %get3A_2138 : i32 to index
    %get3A_2140 = arith.constant 96 : index
    %get3A_2141 = tpu.vector_load %arg6[%get3A_2139, %get3A_2140] {strides = array<i32>} : memref<4x128xi32, #tpu.memory_space<vmem>>, vector<16xi32>,
    %and3A_2142 = arith.constant 127 : i32
    %and3A_2143 = vector.broadcast %and3A_2142 : i32 to vector<16xi32>
    %and3A_2144 = arith.andi %get3A_2141, %and3A_2143 : vector<16xi32>
    %add3A_2145 = arith.constant 96 : i32
    %add3A_2146 = vector.broadcast %add3A_2145 : i32 to vector<16xi32>
    %add3A_2147 = arith.addi %add3A_2146, %iota3A_1801 : vector<16xi32>
    %gather3A_2148 = tpu.vector_load_idx %arg9[%add3A_2147, %and3A_2144] : memref<128x128xf32, #tpu.memory_space<vmem>>[vector<16xi32>, vector<16xi32>], vector<16xf32>,
    %add3A_2149 = arith.constant 96 : i32
    %add3A_2150 = vector.broadcast %add3A_2149 : i32 to vector<16xi32>
    %add3A_2151 = arith.addi %add3A_2150, %iota3A_1801 : vector<16xi32>
    %gather3A_2152 = tpu.vector_load_idx %arg11[%add3A_2151, %and3A_2144] : memref<128x128xf32, #tpu.memory_space<vmem>>[vector<16xi32>, vector<16xi32>], vector<16xf32>,
    %bitcast3A_2153 = vector.bitcast %gather3A_2152 : vector<16xf32> to vector<16xi32>
    %shift_right_logical3A_2154 = arith.constant 1 : i32
    %shift_right_logical3A_2155 = vector.broadcast %shift_right_logical3A_2154 : i32 to vector<16xi32>
    %shift_right_logical3A_2156 = arith.shrui %bitcast3A_2153, %shift_right_logical3A_2155 : vector<16xi32>
    %sub3A_2157 = arith.constant 1597463007 : i32
    %sub3A_2158 = vector.broadcast %sub3A_2157 : i32 to vector<16xi32>
    %sub3A_2159 = arith.subi %sub3A_2158, %shift_right_logical3A_2156 : vector<16xi32>
    %bitcast3A_2160 = vector.bitcast %sub3A_2159 : vector<16xi32> to vector<16xf32>
    %mul3A_2161 = arith.constant 5.000000e-01 : f32
    %mul3A_2162 = vector.broadcast %mul3A_2161 : f32 to vector<16xf32>
    %mul3A_2163 = arith.mulf %mul3A_2162, %gather3A_2152 : vector<16xf32>
    %mul3A_2164 = arith.mulf %mul3A_2163, %bitcast3A_2160 : vector<16xf32>
    %mul3A_2165 = arith.mulf %mul3A_2164, %bitcast3A_2160 : vector<16xf32>
    %sub3A_2166 = arith.constant 1.500000e+00 : f32
    %sub3A_2167 = vector.broadcast %sub3A_2166 : f32 to vector<16xf32>
    %sub3A_2168 = arith.subf %sub3A_2167, %mul3A_2165 : vector<16xf32>
    %mul3A_2169 = arith.mulf %bitcast3A_2160, %sub3A_2168 : vector<16xf32>
    %mul3A_2170 = arith.constant 5.000000e-01 : f32
    %mul3A_2171 = vector.broadcast %mul3A_2170 : f32 to vector<16xf32>
    %mul3A_2172 = arith.mulf %mul3A_2171, %gather3A_2152 : vector<16xf32>
    %mul3A_2173 = arith.mulf %mul3A_2172, %mul3A_2169 : vector<16xf32>
    %mul3A_2174 = arith.mulf %mul3A_2173, %mul3A_2169 : vector<16xf32>
    %sub3A_2175 = arith.constant 1.500000e+00 : f32
    %sub3A_2176 = vector.broadcast %sub3A_2175 : f32 to vector<16xf32>
    %sub3A_2177 = arith.subf %sub3A_2176, %mul3A_2174 : vector<16xf32>
    %mul3A_2178 = arith.mulf %mul3A_2169, %sub3A_2177 : vector<16xf32>
    %mul3A_2179 = arith.constant 5.000000e-01 : f32
    %mul3A_2180 = vector.broadcast %mul3A_2179 : f32 to vector<16xf32>
    %mul3A_2181 = arith.mulf %mul3A_2180, %gather3A_2152 : vector<16xf32>
    %mul3A_2182 = arith.mulf %mul3A_2181, %mul3A_2178 : vector<16xf32>
    %mul3A_2183 = arith.mulf %mul3A_2182, %mul3A_2178 : vector<16xf32>
    %sub3A_2184 = arith.constant 1.500000e+00 : f32
    %sub3A_2185 = vector.broadcast %sub3A_2184 : f32 to vector<16xf32>
    %sub3A_2186 = arith.subf %sub3A_2185, %mul3A_2183 : vector<16xf32>
    %mul3A_2187 = arith.mulf %mul3A_2178, %sub3A_2186 : vector<16xf32>
    %min3A_2188 = arith.constant 1.000000e+00 : f32
    %min3A_2189 = vector.broadcast %min3A_2188 : f32 to vector<16xf32>
    %min3A_2190 = arith.minimumf %min3A_2189, %mul3A_2187 : vector<16xf32>
    %mul3A_2191 = arith.mulf %gather3A_2148, %min3A_2190 : vector<16xf32>
    %swap3A_2192 = arith.constant 480 : index
    %swap3A_2193 = tpu.vector_load %arg12[%swap3A_2192] {strides = array<i32>} : memref<512xf32, #tpu.memory_space<vmem>>, vector<16xf32>,
    tpu.vector_store %arg12[%swap3A_2192], %mul3A_2191 {strides = array<i32>} : memref<512xf32, #tpu.memory_space<vmem>>, vector<16xf32>,
    %get3A_2194 = arith.constant 3 : i32
    %get3A_2195 = arith.index_cast %get3A_2194 : i32 to index
    %get3A_2196 = arith.constant 112 : index
    %get3A_2197 = tpu.vector_load %arg6[%get3A_2195, %get3A_2196] {strides = array<i32>} : memref<4x128xi32, #tpu.memory_space<vmem>>, vector<16xi32>,
    %and3A_2198 = arith.constant 127 : i32
    %and3A_2199 = vector.broadcast %and3A_2198 : i32 to vector<16xi32>
    %and3A_2200 = arith.andi %get3A_2197, %and3A_2199 : vector<16xi32>
    %add3A_2201 = arith.constant 112 : i32
    %add3A_2202 = vector.broadcast %add3A_2201 : i32 to vector<16xi32>
    %add3A_2203 = arith.addi %add3A_2202, %iota3A_1801 : vector<16xi32>
    %gather3A_2204 = tpu.vector_load_idx %arg9[%add3A_2203, %and3A_2200] : memref<128x128xf32, #tpu.memory_space<vmem>>[vector<16xi32>, vector<16xi32>], vector<16xf32>,
    %add3A_2205 = arith.constant 112 : i32
    %add3A_2206 = vector.broadcast %add3A_2205 : i32 to vector<16xi32>
    %add3A_2207 = arith.addi %add3A_2206, %iota3A_1801 : vector<16xi32>
    %gather3A_2208 = tpu.vector_load_idx %arg11[%add3A_2207, %and3A_2200] : memref<128x128xf32, #tpu.memory_space<vmem>>[vector<16xi32>, vector<16xi32>], vector<16xf32>,
    %bitcast3A_2209 = vector.bitcast %gather3A_2208 : vector<16xf32> to vector<16xi32>
    %shift_right_logical3A_2210 = arith.constant 1 : i32
    %shift_right_logical3A_2211 = vector.broadcast %shift_right_logical3A_2210 : i32 to vector<16xi32>
    %shift_right_logical3A_2212 = arith.shrui %bitcast3A_2209, %shift_right_logical3A_2211 : vector<16xi32>
    %sub3A_2213 = arith.constant 1597463007 : i32
    %sub3A_2214 = vector.broadcast %sub3A_2213 : i32 to vector<16xi32>
    %sub3A_2215 = arith.subi %sub3A_2214, %shift_right_logical3A_2212 : vector<16xi32>
    %bitcast3A_2216 = vector.bitcast %sub3A_2215 : vector<16xi32> to vector<16xf32>
    %mul3A_2217 = arith.constant 5.000000e-01 : f32
    %mul3A_2218 = vector.broadcast %mul3A_2217 : f32 to vector<16xf32>
    %mul3A_2219 = arith.mulf %mul3A_2218, %gather3A_2208 : vector<16xf32>
    %mul3A_2220 = arith.mulf %mul3A_2219, %bitcast3A_2216 : vector<16xf32>
    %mul3A_2221 = arith.mulf %mul3A_2220, %bitcast3A_2216 : vector<16xf32>
    %sub3A_2222 = arith.constant 1.500000e+00 : f32
    %sub3A_2223 = vector.broadcast %sub3A_2222 : f32 to vector<16xf32>
    %sub3A_2224 = arith.subf %sub3A_2223, %mul3A_2221 : vector<16xf32>
    %mul3A_2225 = arith.mulf %bitcast3A_2216, %sub3A_2224 : vector<16xf32>
    %mul3A_2226 = arith.constant 5.000000e-01 : f32
    %mul3A_2227 = vector.broadcast %mul3A_2226 : f32 to vector<16xf32>
    %mul3A_2228 = arith.mulf %mul3A_2227, %gather3A_2208 : vector<16xf32>
    %mul3A_2229 = arith.mulf %mul3A_2228, %mul3A_2225 : vector<16xf32>
    %mul3A_2230 = arith.mulf %mul3A_2229, %mul3A_2225 : vector<16xf32>
    %sub3A_2231 = arith.constant 1.500000e+00 : f32
    %sub3A_2232 = vector.broadcast %sub3A_2231 : f32 to vector<16xf32>
    %sub3A_2233 = arith.subf %sub3A_2232, %mul3A_2230 : vector<16xf32>
    %mul3A_2234 = arith.mulf %mul3A_2225, %sub3A_2233 : vector<16xf32>
    %mul3A_2235 = arith.constant 5.000000e-01 : f32
    %mul3A_2236 = vector.broadcast %mul3A_2235 : f32 to vector<16xf32>
    %mul3A_2237 = arith.mulf %mul3A_2236, %gather3A_2208 : vector<16xf32>
    %mul3A_2238 = arith.mulf %mul3A_2237, %mul3A_2234 : vector<16xf32>
    %mul3A_2239 = arith.mulf %mul3A_2238, %mul3A_2234 : vector<16xf32>
    %sub3A_2240 = arith.constant 1.500000e+00 : f32
    %sub3A_2241 = vector.broadcast %sub3A_2240 : f32 to vector<16xf32>
    %sub3A_2242 = arith.subf %sub3A_2241, %mul3A_2239 : vector<16xf32>
    %mul3A_2243 = arith.mulf %mul3A_2234, %sub3A_2242 : vector<16xf32>
    %min3A_2244 = arith.constant 1.000000e+00 : f32
    %min3A_2245 = vector.broadcast %min3A_2244 : f32 to vector<16xf32>
    %min3A_2246 = arith.minimumf %min3A_2245, %mul3A_2243 : vector<16xf32>
    %mul3A_2247 = arith.mulf %gather3A_2204, %min3A_2246 : vector<16xf32>
    %swap3A_2248 = arith.constant 496 : index
    %swap3A_2249 = tpu.vector_load %arg12[%swap3A_2248] {strides = array<i32>} : memref<512xf32, #tpu.memory_space<vmem>>, vector<16xf32>,
    tpu.vector_store %arg12[%swap3A_2248], %mul3A_2247 {strides = array<i32>} : memref<512xf32, #tpu.memory_space<vmem>>, vector<16xf32>,
    %mul3A_2250 = arith.constant 512 : i32
    %mul3A_2251 = arith.muli %add3A, %mul3A_2250 : i32
    "tpu.region"() ({
      %run_scoped3A = tpu.sem_alloc : memref<!tpu.dma_semaphore, #tpu.memory_space<semaphore_mem>>
      %dma_start3A_2252 = tpu.memref_slice %arg5[%mul3A_2251] : memref<16384xf32, #tpu.memory_space<hbm>> -> memref<512xf32, #tpu.memory_space<hbm>>
      %dma_start3A_2253 = tpu.memref_slice %arg5[%mul3A_2251] : memref<16384xf32, #tpu.memory_space<hbm>> -> memref<512xf32, #tpu.memory_space<hbm>>
      tpu.enqueue_dma source(%arg12 : memref<512xf32, #tpu.memory_space<vmem>>) target(%dma_start3A_2253 : memref<512xf32, #tpu.memory_space<hbm>>) target_semaphore(%run_scoped3A : memref<!tpu.dma_semaphore, #tpu.memory_space<semaphore_mem>>)
      %dma_wait3A_2254 = tpu.memref_slice %arg5[%mul3A_2251] : memref<16384xf32, #tpu.memory_space<hbm>> -> memref<512xf32, #tpu.memory_space<hbm>>
      %dma_wait3A_2255 = tpu.memref_slice %arg5[%mul3A_2251] : memref<16384xf32, #tpu.memory_space<hbm>> -> memref<512xf32, #tpu.memory_space<hbm>>
      tpu.wait_dma2 semaphore(%run_scoped3A : memref<!tpu.dma_semaphore, #tpu.memory_space<semaphore_mem>>) src(%arg12 : memref<512xf32, #tpu.memory_space<vmem>>) dst(%dma_wait3A_2255 : memref<512xf32, #tpu.memory_space<hbm>>)
      tpu.yield
    }) : () -> ()
    return
  }
}

module attributes {stable_mosaic.version = 14 : i64} {
  func.func @_dnq_body(%arg0: i32, %arg1: memref<1x64xi32, #tpu.memory_space<vmem>>, %arg2: memref<64x1000xf32, #tpu.memory_space<vmem>>, %arg3: memref<1000x1000xf32, #tpu.memory_space<vmem>>, %arg4: memref<64x64xf32, #tpu.memory_space<vmem>>, %arg5: memref<64x32768xf32, #tpu.memory_space<vmem>>, %arg6: memref<256x128xf32, #tpu.memory_space<vmem>>, %arg7: memref<256x128xf32, #tpu.memory_space<vmem>>, %arg8: memref<1x64xf32, #tpu.memory_space<vmem>>) attributes {dimension_semantics = [#tpu.dimension_semantics<arbitrary>], iteration_bounds = array<i64: 31>, scalar_prefetch = 0 : i64, scratch_operands = 1 : i64, tpu.core_type = #tpu.core_type<tc>, window_params = [{pipeline_mode = #tpu.pipeline_mode<synchronous>, transform_indices = @transform_0, window_bounds = array<i64: 1, 64>}, {pipeline_mode = #tpu.pipeline_mode<synchronous>, transform_indices = @transform_1, window_bounds = array<i64: 64, 1000>}, {pipeline_mode = #tpu.pipeline_mode<synchronous>, transform_indices = @transform_2, window_bounds = array<i64: 1000, 1000>}, {pipeline_mode = #tpu.pipeline_mode<synchronous>, transform_indices = @transform_3, window_bounds = array<i64: 64, 64>}, {transform_indices = @transform_4, window_bounds = array<i64: 64, 32768>}, {transform_indices = @transform_5, window_bounds = array<i64: 256, 128>}, {transform_indices = @transform_6, window_bounds = array<i64: 256, 128>}]} {
    %eq3A = arith.constant 0 : i32
    %eq3A_0 = arith.cmpi eq, %arg0, %eq3A : i32
    %convert_element_type3A = arith.extui %eq3A_0 : i1 to i32
    %cond3A = arith.constant 0 : i32
    %cond3A_1 = arith.cmpi ne, %convert_element_type3A, %cond3A : i32
    scf.if %cond3A_1 {
      %get3A_17 = arith.constant 0 : index
      %get3A_18 = arith.constant 0 : index
      %get3A_19 = vector.load %arg1[%get3A_17, %get3A_18] : memref<1x64xi32, #tpu.memory_space<vmem>>, vector<1x64xi32>
      %reshape3A_20 = vector.shape_cast %get3A_19 : vector<1x64xi32> to vector<64x1xi32>
      %get3A_21 = arith.constant 0 : index
      %get3A_22 = arith.constant 0 : index
      %get3A_23 = vector.load %arg3[%get3A_21, %get3A_22] : memref<1000x1000xf32, #tpu.memory_space<vmem>>, vector<1000x1000xf32>
      %get3A_24 = arith.constant 0 : index
      %get3A_25 = arith.constant 0 : index
      %get3A_26 = vector.load %arg2[%get3A_24, %get3A_25] : memref<64x1000xf32, #tpu.memory_space<vmem>>, vector<64x1000xf32>
      %get3A_27 = arith.constant 0 : index
      %get3A_28 = arith.constant 0 : index
      %get3A_29 = vector.load %arg4[%get3A_27, %get3A_28] : memref<64x64xf32, #tpu.memory_space<vmem>>, vector<64x64xf32>
      %iota3A = tpu.iota {dimensions = array<i32: 1>} : vector<64x1000xi32>
      %eq3A_30 = vector.broadcast %reshape3A_20 : vector<64x1xi32> to vector<64x1000xi32>
      %eq3A_31 = arith.cmpi eq, %eq3A_30, %iota3A : vector<64x1000xi32>
      %jit3A = arith.constant 2.000000e-02 : f32
      %jit3A_32 = arith.constant 0.000000e+00 : f32
      %broadcast_in_dim3A_33 = vector.broadcast %jit3A : f32 to vector<64x1000xf32>
      %broadcast_in_dim3A_34 = vector.broadcast %jit3A_32 : f32 to vector<64x1000xf32>
      %select_n3A = arith.select %eq3A_31, %broadcast_in_dim3A_33, %broadcast_in_dim3A_34 : vector<64x1000xi1>, vector<64x1000xf32>
      %reduce_sum3A = arith.constant dense<0.000000e+00> : vector<1000xf32>
      %reduce_sum3A_35 = vector.multi_reduction <add>, %select_n3A, %reduce_sum3A [0] : vector<64x1000xf32> to vector<1000xf32>
      %broadcast_in_dim3A_36 = vector.shape_cast %reduce_sum3A_35 : vector<1000xf32> to vector<1x1000xf32>
      %dot_general3A_37 = arith.constant dense<0.000000e+00> : vector<1000x64xf32>
      %dot_general3A_38 = tpu.matmul %get3A_26, %get3A_29, %dot_general3A_37 {dimension_numbers = #tpu.dot_dimension_numbers<[0], [0], [1], [1], [0, 1, 1, 1], [], []>, transpose_lhs_hint = false} : vector<64x1000xf32>, vector<64x64xf32>, vector<1000x64xf32> -> vector<1000x64xf32>
      %reduce_sum3A_39 = arith.constant dense<0.000000e+00> : vector<1000xf32>
      %reduce_sum3A_40 = vector.multi_reduction <add>, %get3A_23, %reduce_sum3A_39 [1] : vector<1000x1000xf32> to vector<1000xf32>
      %broadcast_in_dim3A_41 = vector.shape_cast %reduce_sum3A_40 : vector<1000xf32> to vector<1000x1xf32>
      %add3A = arith.constant 1.000000e+00 : f32
      %add3A_42 = vector.broadcast %add3A : f32 to vector<1000x1xf32>
      %add3A_43 = arith.addf %broadcast_in_dim3A_41, %add3A_42 : vector<1000x1xf32>
      %dot_general3A_44 = arith.constant dense<0.000000e+00> : vector<1000x64xf32>
      %dot_general3A_45 = tpu.matmul %get3A_23, %dot_general3A_38, %dot_general3A_44 {dimension_numbers = #tpu.dot_dimension_numbers<[1], [0], [0], [1], [0, 0, 1, 1], [], []>, transpose_lhs_hint = false} : vector<1000x1000xf32>, vector<1000x64xf32>, vector<1000x64xf32> -> vector<1000x64xf32>
      %add3A_46 = arith.addf %dot_general3A_45, %dot_general3A_38 : vector<1000x64xf32>
      %max3A = arith.constant 1.000000e+00 : f32
      %max3A_47 = vector.broadcast %max3A : f32 to vector<1000x1xf32>
      %max3A_48 = arith.maximumf %add3A_43, %max3A_47 : vector<1000x1xf32>
      %div3A = vector.broadcast %max3A_48 : vector<1000x1xf32> to vector<1000x64xf32>
      %div3A_49 = arith.divf %add3A_46, %div3A : vector<1000x64xf32>
      %max3A_50 = arith.constant 0.000000e+00 : f32
      %max3A_51 = vector.broadcast %max3A_50 : f32 to vector<1000x64xf32>
      %max3A_52 = arith.maximumf %div3A_49, %max3A_51 : vector<1000x64xf32>
      %dot_general3A_53 = arith.constant dense<0.000000e+00> : vector<1x64xf32>
      %dot_general3A_54 = tpu.matmul %broadcast_in_dim3A_36, %max3A_52, %dot_general3A_53 {dimension_numbers = #tpu.dot_dimension_numbers<[1], [0], [0], [1], [0, 0, 1, 1], [], []>, transpose_lhs_hint = false} : vector<1x1000xf32>, vector<1000x64xf32>, vector<1x64xf32> -> vector<1x64xf32>
      %swap3A_55 = arith.constant 0 : index
      %swap3A_56 = arith.constant 0 : index
      %swap3A_57 = vector.load %arg8[%swap3A_55, %swap3A_56] : memref<1x64xf32, #tpu.memory_space<vmem>>, vector<1x64xf32>
      tpu.vector_store %arg8[%swap3A_55, %swap3A_56], %dot_general3A_54 {strides = array<i32>} : memref<1x64xf32, #tpu.memory_space<vmem>>, vector<1x64xf32>,
    } else {
    }
    %get3A = arith.constant 0 : index
    %get3A_2 = arith.constant 0 : index
    %get3A_3 = vector.load %arg5[%get3A, %get3A_2] : memref<64x32768xf32, #tpu.memory_space<vmem>>, vector<64x32768xf32>
    %get3A_4 = arith.constant 0 : index
    %get3A_5 = arith.constant 0 : index
    %get3A_6 = vector.load %arg8[%get3A_4, %get3A_5] : memref<1x64xf32, #tpu.memory_space<vmem>>, vector<1x64xf32>
    %dot_general3A = arith.constant dense<0.000000e+00> : vector<1x32768xf32>
    %dot_general3A_7 = tpu.matmul %get3A_6, %get3A_3, %dot_general3A {dimension_numbers = #tpu.dot_dimension_numbers<[1], [0], [0], [1], [0, 0, 1, 1], [], []>, transpose_lhs_hint = false} : vector<1x64xf32>, vector<64x32768xf32>, vector<1x32768xf32> -> vector<1x32768xf32>
    %broadcast_in_dim3A = arith.constant 1.000000e+00 : f32
    %broadcast_in_dim3A_8 = vector.broadcast %broadcast_in_dim3A : f32 to vector<1x64xf32>
    %mul3A = arith.mulf %get3A_3, %get3A_3 : vector<64x32768xf32>
    %dot_general3A_9 = arith.constant dense<0.000000e+00> : vector<1x32768xf32>
    %dot_general3A_10 = tpu.matmul %broadcast_in_dim3A_8, %mul3A, %dot_general3A_9 {dimension_numbers = #tpu.dot_dimension_numbers<[1], [0], [0], [1], [0, 0, 1, 1], [], []>, transpose_lhs_hint = false} : vector<1x64xf32>, vector<64x32768xf32>, vector<1x32768xf32> -> vector<1x32768xf32>
    %reshape3A = vector.shape_cast %dot_general3A_7 : vector<1x32768xf32> to vector<256x128xf32>
    %swap3A = arith.constant 0 : index
    %swap3A_11 = arith.constant 0 : index
    %swap3A_12 = vector.load %arg6[%swap3A, %swap3A_11] : memref<256x128xf32, #tpu.memory_space<vmem>>, vector<256x128xf32>
    tpu.vector_store %arg6[%swap3A, %swap3A_11], %reshape3A {strides = array<i32>} : memref<256x128xf32, #tpu.memory_space<vmem>>, vector<256x128xf32>,
    %reshape3A_13 = vector.shape_cast %dot_general3A_10 : vector<1x32768xf32> to vector<256x128xf32>
    %swap3A_14 = arith.constant 0 : index
    %swap3A_15 = arith.constant 0 : index
    %swap3A_16 = vector.load %arg7[%swap3A_14, %swap3A_15] : memref<256x128xf32, #tpu.memory_space<vmem>>, vector<256x128xf32>
    tpu.vector_store %arg7[%swap3A_14, %swap3A_15], %reshape3A_13 {strides = array<i32>} : memref<256x128xf32, #tpu.memory_space<vmem>>, vector<256x128xf32>,
    return
  }
  func.func @transform_0(%arg0: i32) -> (i32, i32) {
    %c0_i32 = arith.constant 0 : i32
    %c0_i32_0 = arith.constant 0 : i32
    %c0_i32_1 = arith.constant 0 : i32
    return %c0_i32, %c0_i32_0 : i32, i32
  }
  func.func @transform_1(%arg0: i32) -> (i32, i32) {
    %c0_i32 = arith.constant 0 : i32
    %c0_i32_0 = arith.constant 0 : i32
    %c0_i32_1 = arith.constant 0 : i32
    return %c0_i32, %c0_i32_0 : i32, i32
  }
  func.func @transform_2(%arg0: i32) -> (i32, i32) {
    %c0_i32 = arith.constant 0 : i32
    %c0_i32_0 = arith.constant 0 : i32
    %c0_i32_1 = arith.constant 0 : i32
    return %c0_i32, %c0_i32_0 : i32, i32
  }
  func.func @transform_3(%arg0: i32) -> (i32, i32) {
    %c0_i32 = arith.constant 0 : i32
    %c0_i32_0 = arith.constant 0 : i32
    %c0_i32_1 = arith.constant 0 : i32
    return %c0_i32, %c0_i32_0 : i32, i32
  }
  func.func @transform_4(%arg0: i32) -> (i32, i32) {
    %c0_i32 = arith.constant 0 : i32
    %c0_i32_0 = arith.constant 0 : i32
    return %c0_i32, %arg0 : i32, i32
  }
  func.func @transform_5(%arg0: i32) -> (i32, i32) {
    %c0_i32 = arith.constant 0 : i32
    %c0_i32_0 = arith.constant 0 : i32
    return %arg0, %c0_i32 : i32, i32
  }
  func.func @transform_6(%arg0: i32) -> (i32, i32) {
    %c0_i32 = arith.constant 0 : i32
    %c0_i32_0 = arith.constant 0 : i32
    return %arg0, %c0_i32 : i32, i32
  }
}

</mosaic_0001>

<sc_bundles>
// kernel: kernel.4.cloned.1.call-start
scs
__scs_entry_jumppad:
0x0: {  	(pc) =	sbr.rel $0x88, $3  }
0x1: {  	(tag) =	ssettag $0x0;
	lr =	simm.s32 $0x1  }
0x2: {  	[smem:$0x3F9B] =	sst lr;
	_ =	strace $0xD0000000  }
0x3: {  	_ = 	snop  }
0x4: {  	_ = 	snop  }
0x5: {  	_ = 	snop  }
0x6: {  	_ = 	snop  }
0x7: {  	_ = 	snop  }
__scs_overlays_trampoline_lowered:
0x8: {  	[smem:$0x3FAA] =	sst s0  }
0x9: {  	[smem:$0x3FAB] =	sst s1  }
0xa: {  	[smem:$0x3FAC] =	sst s2  }
0xb: {  	[smem:$0x3FAD] =	sst s3  }
0xc: {  	[smem:$0x3FAE] =	sst s4  }
0xd: {  	[smem:$0x3FAF] =	sst s5  }
0xe: {  	[smem:$0x3FB0] =	sst s6  }
0xf: {  	[smem:$0x3FB1] =	sst s7  }
0x10: {  	[smem:$0x3FB2] =	sst s8  }
0x11: {  	[smem:$0x3FB3] =	sst s9;
	s0 =	simm.s32 @!p0 $0x0  }
0x12: {  	s1 =	sld [smem:$0x3F99];
	s0 =	simm.s32 @p0 $0x1  }
0x13: {  	[smem:$0x3FB4] =	sst s0;
	s0 =	simm.s32 @!p1 $0x0  }
0x14: {  	s2 =	sld [smem:$0x3F98];
	s0 =	simm.s32 @p1 $0x1  }
0x15: {  	[smem:$0x3FB5] =	sst s0;
	s0 =	simm.s32 @!p2 $0x0  }
0x16: {  	s3 =	sld [smem:$0x3FDB];
	s0 =	simm.s32 @p2 $0x1  }
0x17: {  	s4 =	simm.s32 $0x1BF5;
	[smem:$0x3FB7] =	sst s0  }
0x18: {  	s0 =	sld [smem:$0x3F9A];
	_ =	swait.ge [sflag:s4], $0x0  }
0x19: {  	s7 =	sld [smem:$0x3F9B]  }
0x1a: {  	s8 =	sadd.s32 $0xFFFFE003, lr  }
0x1b: {  	s9 =	sadd.s32 $0xFFFFFEF7, lr;
	s5 =	simm.s32 $0xFFFFFFFF;
	p2 =	slt.u32 s8, $0xFFFFF086  }
0x1c: {  	p1 =	slt.u32 s9, $0xF7A;
	s5 =	simm.s32 @!p2 $0x0  }
0x1d: {  	s5 =	simm.s32 @p1 $0x1;
	p0 =	seq.s32 s7, s2  }
0x1e: {  	s7 =	smul.u32 @!p0 $0xF7A, s2;
	p2 =	seq.s32 @!p0 s5, $0x0  }
0x1f: {  	s9 =	smul.u32 $0xF7A, s1;
	s8 =	simm.s32 @!p0 $0x1BF5;
	p2 =	por !p2, p0  }
0x20: {  	[sflag:s8] =	ssyncset.s32 @!p0 $0xFFFFF086;
	s6 =	sadd.s32 @!p0 s3, s7;
	s7 =	simm.s32 @!p0 $0x108  }
0x21: {  	s3 =	sadd.s32 s3, s9;
	s6 =	sadd.s32 @!p0 $0x88, s6;
	s7 =	simm.s32 @p2 $0x1082  }
0x22: {  	[simem:s7], [sflag:s8] =	dma.local @!p0 [hbm:s6], $0xF7A  }
0x23: {  	s9 =	sor.u32 $0xD0000000, s2;
	s6 =	simm.s32 $0x108;
	_ =	swait.ge @!p0 [sflag:s8], $0x0  }
0x24: {  	s3 =	sadd.s32 $0x88, s3;
	s6 =	simm.s32 @!p1 $0x1082;
	[sflag:s4] =	ssyncset.s32 $0xFFFFF086  }
0x25: {  	[simem:s6], [sflag:s4] =	dma.local [hbm:s3], $0xF7A  }
0x26: {  	[smem:$0x3F9B] =	sst s1;
	(tag) =	ssettag s2;
	_ =	strace s9  }
0x27: {  	s1 =	sld [smem:$0x3FAB]  }
0x28: {  	s2 =	sld [smem:$0x3FAC]  }
0x29: {  	s4 =	sld [smem:$0x3FAE]  }
0x2a: {  	p0 =	seq.s32 s5, $0x0;
	s5 =	sld [smem:$0x3FAF]  }
0x2b: {  	s6 =	sld [smem:$0x3FB0]  }
0x2c: {  	s7 =	sld [smem:$0x3FB1]  }
0x2d: {  	s3 =	simm.s32 $0x108;
	s8 =	sld [smem:$0x3FB2]  }
0x2e: {  	s3 =	simm.s32 @!p0 $0x1082;
	s9 =	sld [smem:$0x3FB3]  }
0x2f: {  	lr =	sadd.s32 s0, s3;
	s0 =	sld [smem:$0x3FAA]  }
0x30: {  	s3 =	sld [smem:$0x3FAD]  }
0x31: {  	[smem:$0x3FB6] =	sst s10  }
0x32: {  	s10 =	sld [smem:$0x3FB4];
	_ =	sdelay $0x3  }
0x33: {  	p0 =	seq.s32 s10, $0x1;
	s10 =	sld [smem:$0x3FB6];
	_ =	sdelay $0x3  }
0x34: {  	[smem:$0x3FB6] =	sst s10  }
0x35: {  	s10 =	sld [smem:$0x3FB5];
	_ =	sdelay $0x3  }
0x36: {  	p1 =	seq.s32 s10, $0x1;
	s10 =	sld [smem:$0x3FB6];
	_ =	sdelay $0x3  }
0x37: {  	[smem:$0x3FB6] =	sst s10  }
0x38: {  	s10 =	sld [smem:$0x3FB7]  }
0x39: {  	_ = 	snop;
	(pc) =	sbr.ind lr, $3  }
0x3a: {  	_ = 	snop  }
0x3b: {  	_ = 	snop  }
0x3c: {  	p2 =	seq.s32 s10, $0x1;
	s10 =	sld [smem:$0x3FB6]  }
0x3d: {  	_ =	shalt  }
0x3e: {  	_ =	shalt  }
0x3f: {  	_ =	shalt  }
0x40: {  	_ =	shalt  }
0x41: {  	_ =	shalt  }
0x42: {  	_ =	shalt  }
0x43: {  	_ =	shalt  }
0x44: {  	_ =	shalt  }
0x45: {  	_ =	shalt  }
0x46: {  	_ =	shalt  }
0x47: {  	_ =	shalt  }
0x48: {  	_ =	shalt  }
0x49: {  	_ =	shalt  }
0x4a: {  	_ =	shalt  }
0x4b: {  	_ =	shalt  }
0x4c: {  	_ =	shalt  }
0x4d: {  	_ =	shalt  }
0x4e: {  	_ =	shalt  }
0x4f: {  	_ =	shalt  }
0x50: {  	_ =	shalt  }
0x51: {  	_ =	shalt  }
0x52: {  	_ =	shalt  }
0x53: {  	_ =	shalt  }
0x54: {  	_ =	shalt  }
0x55: {  	_ =	shalt  }
0x56: {  	_ =	shalt  }
0x57: {  	_ =	shalt  }
0x58: {  	_ =	shalt  }
0x59: {  	_ =	shalt  }
0x5a: {  	_ =	shalt  }
0x5b: {  	_ =	shalt  }
0x5c: {  	_ =	shalt  }
0x5d: {  	_ =	shalt  }
0x5e: {  	_ =	shalt  }
0x5f: {  	_ =	shalt  }
0x60: {  	_ =	shalt  }
0x61: {  	_ =	shalt  }
0x62: {  	_ =	shalt  }
0x63: {  	_ =	shalt  }
0x64: {  	_ =	shalt  }
0x65: {  	_ =	shalt  }
0x66: {  	_ =	shalt  }
0x67: {  	_ =	shalt  }
0x68: {  	_ =	shalt  }
0x69: {  	_ =	shalt  }
0x6a: {  	_ =	shalt  }
0x6b: {  	_ =	shalt  }
0x6c: {  	_ =	shalt  }
0x6d: {  	_ =	shalt  }
0x6e: {  	_ =	shalt  }
0x6f: {  	_ =	shalt  }
0x70: {  	_ =	shalt  }
0x71: {  	_ =	shalt  }
0x72: {  	_ =	shalt  }
0x73: {  	_ =	shalt  }
0x74: {  	_ =	shalt  }
0x75: {  	_ =	shalt  }
0x76: {  	_ =	shalt  }
0x77: {  	_ =	shalt  }
0x78: {  	_ =	shalt  }
0x79: {  	_ =	shalt  }
0x7a: {  	_ =	shalt  }
0x7b: {  	_ =	shalt  }
0x7c: {  	_ =	shalt  }
0x7d: {  	_ =	shalt  }
0x7e: {  	_ =	shalt  }
0x7f: {  	_ =	shalt  }
0x80: {  	_ =	shalt  }
0x81: {  	_ =	shalt  }
0x82: {  	_ =	shalt  }
0x83: {  	_ =	shalt  }
0x84: {  	_ =	shalt  }
0x85: {  	_ =	shalt  }
0x86: {  	_ =	shalt  }
0x87: {  	_ =	shalt  }
.Lfunc_end0:
.L_simem_size_0:
called_computation_lowered:
.L_overlay_start_0:
0x88: {  	s2 =	sld [smem:$0x3FD9]  }
0x89: {  	s3 =	sld [smem:$0x3FFE];
	_ =	sdelay $0x1  }
0x8a: {  	s1 =	srdreg.scid  }
0x8b: {  	s0 =	sand.u32 $0x1, s1  }
0x8c: {  	s17 =	sshll.u32 s0, $0xA;
	s2 =	sadd.s32 s3, s2  }
0x8d: {  	s2 =	sadd.s32 s2, s17  }
0x8e: {  	[smem:$0x3FC2] =	sst s2  }
0x8f: {  	_ = 	snop  }
0x90: {  	s2 =	sld [smem:$0x3FC9]  }
0x91: {  	s18 =	sld [smem:$0x3FD0];
	(tm) =	ssettm $0x1  }
0x92: {  	s4 =	sld [smem:$0x3FFB];
	_ =	sdelay $0x3  }
0x93: {  	_ =	strace s4  }
0x94: {  	s4 =	sld [smem:$0x3FFC];
	_ =	sdelay $0x3  }
0x95: {  	_ =	strace s4  }
0x96: {  	s4 =	sld [smem:$0x3FFD];
	_ =	sdelay $0x3  }
0x97: {  	_ =	strace s4  }
0x98: {  	_ =	strace $0x8FFFFFFF  }
0x99: {  	s19 =	sld [smem:$0x3FDB];
	_ =	sdelay $0x1  }
0x9a: {  	s5 =	simm.s32 $_scs_section_size  }
0x9b: {  	s6 =	simm.s32 $_size__tile_overlayer_lowered;
	s7 =	simm.s32 $_tile_overlayer_lowered  }
0x9c: {  	s22 =	simm.s32 $0x1BFF;
	s21 =	sshll.u32 s7, $0x1;
	s4 =	sadd.s32 s5, s19  }
0x9d: {  	s8 =	simm.s32 $0x0;
	s20 =	sshll.u32 s6, $0x1;
	s6 =	sadd.s32 s21, s4  }
0x9e: {  	[timem:s8], [sflag:s22] =	dma.local [hbm:s6], s20  }
0x9f: {  	_ =	swait.ge [sflag:s22], s20  }
0xa0: {  	s5 =	ssub.s32 $0x0, s20;
	[sflag:s22] =	ssyncset.done $0x0  }
0xa1: {  	[sflag:s22] =	ssyncadd.s32 s5;
	_ =	sdelay $0x1  }
0xa2: {  	s23 =	simm.s32 $0x1B8B  }
0xa3: {  	_ =	swait.ge [sflag:s23], $0x1  }
0xa4: {  	[sflag:s23] =	ssyncset.done $0x0  }
0xa5: {  	s25 =	simm.s32 $0x1B8E;
	s24 =	sld [smem:$0x3FFE];
	[sflag:s23] =	ssyncadd.s32 $0xFFFFFFFF  }
0xa6: {  	s26 =	simm.s32 $execute0_lowered;
	[smem:$0x3FD2] =	sst s25  }
0xa7: {  	s6 =	sshll.u32 s26, $0x1;
	_ =	strace $0x80000046;
	[dreg:$0x1] =	wrdreg $0xFFFFFFFF  }
0xa8: {  	s28 =	simm.s32 $_size_execute0_lowered;
	s4 =	sadd.s32 s4, s6;
	[dreg:$0x0] =	wrdreg $0x0  }
0xa9: {  	s6 =	sshll.u32 s28, $0x1;
	[dreg:$0x2] =	wrdreg s4  }
0xaa: {  	[dreg:$0x3] =	wrdreg s6  }
0xab: {  	[dreg:$0x4] =	wrdreg $0xC0  }
0xac: {  	_ =	task [dreg:s8], $0x5FFFF  }
0xad: {  	[dreg:$0x1] =	wrdreg $0xFFFFFFFF  }
0xae: {  	[dreg:$0x0] =	wrdreg $0x60  }
0xaf: {  	[dreg:$0x2] =	wrdreg s2  }
0xb0: {  	[dreg:$0x3] =	wrdreg s24  }
0xb1: {  	[dreg:$0x4] =	wrdreg s18  }
0xb2: {  	[dreg:$0x5] =	wrdreg $0x9  }
0xb3: {  	_ =	task.clear_ibuf [dreg:s8], $0x6FFFF;
	_ =	strace $0x90000046  }
0xb4: {  	s29 =	simm.s32 $0x9;
	_ =	strace $0x80000048  }
0xb5: {  	_ =	swait.ge [sflag:s29], $0x1  }
0xb6: {  	[sflag:s29] =	ssyncadd.s32 $0xFFFFFFFF  }
0xb7: {  	_ =	strace $0x90000048  }
0xb8: {  	_ =	sfence  }
0xb9: {  	s30 =	sld [smem:$0x0];
	_ =	sdelay $0x2  }
0xba: {  	s31 =	sshll.u32 s1, $0xD;
	s1 =	sshrl.u32 s1, $0x2  }
0xbb: {  	s3 =	sand.u32 $0x4000, s31;
	s1 =	sadd.s32 s1, s30  }
0xbc: {  	s0 =	sor.u32 s3, s0;
	s1 =	sshll.u32 s1, $0x11  }
0xbd: {  	s0 =	sor.u32 s1, s0  }
0xbe: {  	s0 =	sadd.s32 $0x8F2B, s0  }
0xbf: {  	[sflag:s0] =	ssyncadd.remote.s32 $0x1  }
0xc0: {  	_ =	sfence.sel $0xFFFF  }
0xc1: {  	[dreg:$0x0] =	wrdreg $0xFFFFFFFF;
	(pc) =	sbr.abs _section_cstart, $3  }
0xc2: {  	[dreg:$0x1] =	wrdreg $0xFFFFFFFF  }
0xc3: {  	_ =	task.clear_ibuf [dreg:s8], $0x2FFFF;
	_ =	strace $0x9FFFFFFF  }
0xc4: {  	(tm) =	ssettm $0x7FFFFFFF  }
0xc5: {  	_ =	shalt  }
tec
execute0_lowered:
.L_overlay_start_1:
0x0: {  	(tag) =	ssettag $0x1  }
0x1: {  	s5 =	rddreg [dreg:$0x0]  }
0x2: {  	s4 =	rddreg [dreg:$0x1]  }
0x3: {  	s6 =	rddreg [dreg:$0x2]  }
0x4: {  	s0 =	rddreg [dreg:$0x3]  }
0x5: {  	s2 =	simm.s32 $0x0;
	s3 =	srdreg.scid;
	s1 =	stileid.u32  }
0x6: {  	s11 =	simm.s32 $0x400;
	s12 =	simm.s32 $0x8400;
	s13 =	simm.s32 $0x280  }
0x7: {  	s14 =	simm.s32 $0x4400;
	s15 =	simm.s32 $0xC400;
	s16 =	simm.s32 $0x1  }
0x8: {  	s17 =	simm.s32 $0x300;
	s18 =	simm.s32 $0x2;
	s19 =	simm.s32 $0x380  }
0x9: {  	v0 =	vlaneseq.u32;
	s20 =	simm.s32 $0x10400;
	[smem:$0x7FF] =	sst s2;
	s3 =	sand.u32 $0x1, s3  }
0xa: {  	s8 =	sshll.u32 s1, $0x7;
	v0 =	vmul.u32 $0x80, v0;
	_ =	strace $0x80000047;
	s7 =	ssub.s32 $0x2, s3  }
0xb: {  	s9 =	sshll.u32 s3, $0x6;
	s3 =	sadd.s32 $0x1000, s4;
	s4 =	sadd.s32 $0x20000, s4  }
0xc: {  	s10 =	sshrl.u32 s7, $0x1;
	s8 =	sor.u32 s9, s8;
	s9 =	simm.s32 $0x80;
	v1 =	vor.u32 $0x800, v0  }
0xd: {  	v2 =	vor.u32 $0x1000, v0;
	v3 =	vor.u32 $0x1800, v0;
	v4 =	vor.u32 $0x2000, v0;
	s7 =	ssub.s32 s7, s10;
	s5 =	sadd.s32 s5, s8;
	s6 =	sadd.s32 s6, s8  }
0xe: {  	v5 =	vor.u32 $0x2800, v0;
	v6 =	vor.u32 $0x3000, v0;
	v7 =	vor.u32 $0x3800, v0;
	s8 =	simm.s32 $0x3;
	s10 =	simm.s32 $0x200;
	s7 =	smax.u32 s7, $0x1  }
.LBB2_1:
0xf: {  	[tilespmem:s2], [sflag:$0x3] =	stream.linear.gather [hbm4b:s5+s2], $0x200, $0x38;
	[tilespmem:$0x10600] =	vst v63  }
0x10: {  	_ =	swait.ge [sflag:s8], $0x200  }
0x11: {  	[sflag:s8] =	ssyncset.done $0x0  }
0x12: {  	[sflag:s8] =	ssyncadd.s32 $0xFFFFFE00  }
0x13: {  	v8 =	vld [tilespmem:$0x0]  }
0x14: {  	v9 =	vld [tilespmem:$0x10]  }
0x15: {  	v10 =	vld [tilespmem:$0x20]  }
0x16: {  	v11 =	vld [tilespmem:$0x30]  }
0x17: {  	v12 =	vld [tilespmem:$0x40]  }
0x18: {  	v13 =	vld [tilespmem:$0x50];
	v8 =	vshrl.u32 v8, $0x7  }
0x19: {  	v18 =	vld [tilespmem:$0x60];
	[tilespmem:$0x200] =	vst v8;
	v8 =	vshrl.u32 v9, $0x7  }
0x1a: {  	v19 =	vld [tilespmem:$0x70];
	[tilespmem:$0x210] =	vst v8;
	v8 =	vshrl.u32 v10, $0x7  }
0x1b: {  	v20 =	vld [tilespmem:$0x80];
	[tilespmem:$0x220] =	vst v8;
	v8 =	vshrl.u32 v11, $0x7  }
0x1c: {  	v21 =	vld [tilespmem:$0x90];
	[tilespmem:$0x230] =	vst v8;
	v8 =	vshrl.u32 v12, $0x7  }
0x1d: {  	v22 =	vld [tilespmem:$0xA0];
	[tilespmem:$0x240] =	vst v8;
	v8 =	vshrl.u32 v13, $0x7  }
0x1e: {  	v23 =	vld [tilespmem:$0xB0];
	[tilespmem:$0x250] =	vst v8;
	v8 =	vshrl.u32 v18, $0x7  }
0x1f: {  	v24 =	vld [tilespmem:$0xC0];
	[tilespmem:$0x260] =	vst v8;
	v8 =	vshrl.u32 v19, $0x7  }
0x20: {  	v25 =	vld [tilespmem:$0xD0];
	[tilespmem:$0x270] =	vst v8;
	v8 =	vshrl.u32 v20, $0x7  }
0x21: {  	v26 =	vld [tilespmem:$0xE0];
	[tilespmem:$0x280] =	vst v8;
	v8 =	vshrl.u32 v21, $0x7  }
0x22: {  	v27 =	vld [tilespmem:$0xF0];
	[tilespmem:$0x290] =	vst v8;
	v8 =	vshrl.u32 v22, $0x7  }
0x23: {  	v28 =	vld [tilespmem:$0x100];
	[tilespmem:$0x2A0] =	vst v8;
	v8 =	vshrl.u32 v23, $0x7  }
0x24: {  	v29 =	vld [tilespmem:$0x110];
	[tilespmem:$0x2B0] =	vst v8;
	v8 =	vshrl.u32 v24, $0x7  }
0x25: {  	v30 =	vld [tilespmem:$0x120];
	[tilespmem:$0x2C0] =	vst v8;
	v8 =	vshrl.u32 v25, $0x7  }
0x26: {  	v31 =	vld [tilespmem:$0x130];
	[tilespmem:$0x2D0] =	vst v8;
	v8 =	vshrl.u32 v26, $0x7  }
0x27: {  	v32 =	vld [tilespmem:$0x140];
	[tilespmem:$0x2E0] =	vst v8;
	v8 =	vshrl.u32 v27, $0x7  }
0x28: {  	v33 =	vld [tilespmem:$0x150];
	[tilespmem:$0x2F0] =	vst v8;
	v8 =	vshrl.u32 v28, $0x7  }
0x29: {  	v34 =	vld [tilespmem:$0x160];
	[tilespmem:$0x300] =	vst v8;
	v8 =	vshrl.u32 v29, $0x7  }
0x2a: {  	v35 =	vld [tilespmem:$0x170];
	[tilespmem:$0x310] =	vst v8;
	v8 =	vshrl.u32 v30, $0x7  }
0x2b: {  	v36 =	vld [tilespmem:$0x180];
	[tilespmem:$0x320] =	vst v8;
	v8 =	vshrl.u32 v31, $0x7  }
0x2c: {  	v37 =	vld [tilespmem:$0x190];
	[tilespmem:$0x330] =	vst v8;
	v8 =	vshrl.u32 v32, $0x7  }
0x2d: {  	v38 =	vld [tilespmem:$0x1A0];
	[tilespmem:$0x340] =	vst v8;
	v8 =	vshrl.u32 v33, $0x7  }
0x2e: {  	v39 =	vld [tilespmem:$0x1B0];
	[tilespmem:$0x350] =	vst v8;
	v8 =	vshrl.u32 v34, $0x7  }
0x2f: {  	v40 =	vld [tilespmem:$0x1C0];
	[tilespmem:$0x360] =	vst v8;
	v8 =	vshrl.u32 v35, $0x7  }
0x30: {  	v41 =	vld [tilespmem:$0x1D0];
	[tilespmem:$0x370] =	vst v8;
	v8 =	vshrl.u32 v36, $0x7  }
0x31: {  	v42 =	vld [tilespmem:$0x1E0];
	[tilespmem:$0x380] =	vst v8;
	v8 =	vshrl.u32 v37, $0x7  }
0x32: {  	v43 =	vld [tilespmem:$0x1F0];
	[tilespmem:$0x390] =	vst v8;
	v8 =	vshrl.u32 v38, $0x7  }
0x33: {  	[tilespmem:$0x3A0] =	vst v8;
	v8 =	vshrl.u32 v39, $0x7  }
0x34: {  	[tilespmem:$0x3B0] =	vst v8;
	v8 =	vshrl.u32 v40, $0x7  }
0x35: {  	[tilespmem:$0x3C0] =	vst v8;
	v8 =	vshrl.u32 v41, $0x7  }
0x36: {  	[tilespmem:$0x3D0] =	vst v8;
	v8 =	vshrl.u32 v42, $0x7  }
0x37: {  	[tilespmem:$0x3E0] =	vst v8;
	v8 =	vshrl.u32 v43, $0x7  }
0x38: {  	[tilespmem:$0x3F0] =	vst v8  }
0x39: {  	[tilespmem:s11], [sflag:$0x1] =	stream.indirect.gather [hbm4b:s3+s9], $0x80, s10, s9, $0xb8;
	[tilespmem:$0x10600] =	vst v63  }
0x3a: {  	_ = 	snop  }
0x3b: {  	[tilespmem:s12], [sflag:$0x1] =	stream.indirect.gather [hbm4b:s4+s9], $0x80, s10, s9, $0xb8;
	[tilespmem:$0x10600] =	vst v63  }
0x3c: {  	_ = 	snop  }
0x3d: {  	[tilespmem:s14], [sflag:$0x2] =	stream.indirect.gather [hbm4b:s3+s9], $0x80, s13, s9, $0xb8;
	[tilespmem:$0x10600] =	vst v63  }
0x3e: {  	_ = 	snop  }
0x3f: {  	[tilespmem:s15], [sflag:$0x2] =	stream.indirect.gather [hbm4b:s4+s9], $0x80, s13, s9, $0xb8;
	[tilespmem:$0x10600] =	vst v63  }
0x40: {  	_ =	swait.ge [sflag:s16], $0x4000  }
0x41: {  	[sflag:s16] =	ssyncset.done $0x0  }
0x42: {  	[sflag:s16] =	ssyncadd.s32 $0xFFFFC000  }
0x43: {  	_ =	swait.ge [sflag:s16], $0x4000  }
0x44: {  	[sflag:s16] =	ssyncset.done $0x0  }
0x45: {  	[sflag:s16] =	ssyncadd.s32 $0xFFFFC000  }
0x46: {  	v8 =	vld [tilespmem:$0x0];
	_ =	sdelay $0x4  }
0x47: {  	v8 =	vand.u32 $0x7F, v8  }
0x48: {  	v8 =	vor.u32 v0, v8;
	_ =	sdelay $0x4  }
0x49: {  	v44 =	vld.idx.msk [tilespmem:v8+s12+$0x0], $0xffff;
	_ =	sdelay $0x4  }
0x4a: {  	v45 =	vshrl.u32 v44, $0x1;
	v9 =	vmul.f32 $5.000000000e-01, v44  }
0x4b: {  	v10 =	vsub.s32 $0x5F3759DF, v45  }
0x4c: {  	v46 =	vmul.f32 v10, v9;
	_ =	sdelay $0x1  }
0x4d: {  	v11 =	vmul.f32 v10, v46;
	_ =	sdelay $0x1  }
0x4e: {  	v11 =	vsub.f32 $1.500000000e+00, v11;
	_ =	sdelay $0x1  }
0x4f: {  	v10 =	vmul.f32 v10, v11;
	_ =	sdelay $0x1  }
0x50: {  	v11 =	vmul.f32 v10, v9;
	_ =	sdelay $0x1  }
0x51: {  	v11 =	vmul.f32 v11, v10;
	_ =	sdelay $0x1  }
0x52: {  	v11 =	vsub.f32 $1.500000000e+00, v11;
	_ =	sdelay $0x1  }
0x53: {  	v10 =	vmul.f32 v11, v10;
	_ =	sdelay $0x1  }
0x54: {  	v9 =	vmul.f32 v10, v9  }
0x55: {  	v47 =	vld [tilespmem:$0x10]  }
0x56: {  	v9 =	vmul.f32 v9, v10;
	_ =	sdelay $0x1  }
0x57: {  	v8 =	vld.idx.msk [tilespmem:v8+s11+$0x0], $0xffff;
	v9 =	vsub.f32 $1.500000000e+00, v9;
	_ =	sdelay $0x1  }
0x58: {  	v48 =	vand.u32 $0x7F, v47;
	v9 =	vmul.f32 v9, v10  }
0x59: {  	v10 =	vor.u32 v1, v48  }
0x5a: {  	v9 =	vmin.f32 v9, $1.000000000e+00  }
0x5b: {  	v8 =	vmul.f32 v9, v8;
	_ =	sdelay $0x1  }
0x5c: {  	[tilespmem:$0x10400] =	vst v8  }
0x5d: {  	v8 =	vld.idx.msk [tilespmem:v10+s12+$0x0], $0xffff;
	_ =	sdelay $0x4  }
0x5e: {  	v49 =	vshrl.u32 v8, $0x1;
	v8 =	vmul.f32 $5.000000000e-01, v8  }
0x5f: {  	v9 =	vsub.s32 $0x5F3759DF, v49  }
0x60: {  	v50 =	vmul.f32 v9, v8;
	_ =	sdelay $0x1  }
0x61: {  	v11 =	vmul.f32 v9, v50;
	_ =	sdelay $0x1  }
0x62: {  	v11 =	vsub.f32 $1.500000000e+00, v11;
	_ =	sdelay $0x1  }
0x63: {  	v9 =	vmul.f32 v9, v11;
	_ =	sdelay $0x1  }
0x64: {  	v11 =	vmul.f32 v9, v8;
	_ =	sdelay $0x1  }
0x65: {  	v11 =	vmul.f32 v11, v9;
	_ =	sdelay $0x1  }
0x66: {  	v11 =	vsub.f32 $1.500000000e+00, v11;
	_ =	sdelay $0x1  }
0x67: {  	v9 =	vmul.f32 v11, v9;
	_ =	sdelay $0x1  }
0x68: {  	v8 =	vmul.f32 v9, v8  }
0x69: {  	v51 =	vld [tilespmem:$0x20]  }
0x6a: {  	v8 =	vmul.f32 v8, v9;
	_ =	sdelay $0x1  }
0x6b: {  	v10 =	vld.idx.msk [tilespmem:v10+s11+$0x0], $0xffff;
	v8 =	vsub.f32 $1.500000000e+00, v8;
	_ =	sdelay $0x1  }
0x6c: {  	v52 =	vand.u32 $0x7F, v51;
	v8 =	vmul.f32 v8, v9  }
0x6d: {  	v9 =	vor.u32 v2, v52  }
0x6e: {  	v8 =	vmin.f32 v8, $1.000000000e+00  }
0x6f: {  	v8 =	vmul.f32 v8, v10;
	_ =	sdelay $0x1  }
0x70: {  	[tilespmem:$0x10410] =	vst v8  }
0x71: {  	v8 =	vld.idx.msk [tilespmem:v9+s12+$0x0], $0xffff;
	_ =	sdelay $0x4  }
0x72: {  	v53 =	vshrl.u32 v8, $0x1;
	v8 =	vmul.f32 $5.000000000e-01, v8  }
0x73: {  	v10 =	vsub.s32 $0x5F3759DF, v53  }
0x74: {  	v54 =	vmul.f32 v10, v8;
	_ =	sdelay $0x1  }
0x75: {  	v11 =	vmul.f32 v10, v54;
	_ =	sdelay $0x1  }
0x76: {  	v11 =	vsub.f32 $1.500000000e+00, v11;
	_ =	sdelay $0x1  }
0x77: {  	v10 =	vmul.f32 v10, v11;
	_ =	sdelay $0x1  }
0x78: {  	v11 =	vmul.f32 v10, v8;
	_ =	sdelay $0x1  }
0x79: {  	v11 =	vmul.f32 v11, v10;
	_ =	sdelay $0x1  }
0x7a: {  	v11 =	vsub.f32 $1.500000000e+00, v11;
	_ =	sdelay $0x1  }
0x7b: {  	v10 =	vmul.f32 v11, v10;
	_ =	sdelay $0x1  }
0x7c: {  	v8 =	vmul.f32 v10, v8  }
0x7d: {  	v55 =	vld [tilespmem:$0x30]  }
0x7e: {  	v8 =	vmul.f32 v8, v10;
	_ =	sdelay $0x1  }
0x7f: {  	v9 =	vld.idx.msk [tilespmem:v9+s11+$0x0], $0xffff;
	v8 =	vsub.f32 $1.500000000e+00, v8;
	_ =	sdelay $0x1  }
0x80: {  	v56 =	vand.u32 $0x7F, v55;
	v8 =	vmul.f32 v8, v10  }
0x81: {  	v10 =	vor.u32 v3, v56  }
0x82: {  	v8 =	vmin.f32 v8, $1.000000000e+00  }
0x83: {  	v8 =	vmul.f32 v8, v9;
	_ =	sdelay $0x1  }
0x84: {  	[tilespmem:$0x10420] =	vst v8  }
0x85: {  	v8 =	vld.idx.msk [tilespmem:v10+s12+$0x0], $0xffff;
	_ =	sdelay $0x4  }
0x86: {  	v57 =	vshrl.u32 v8, $0x1;
	v8 =	vmul.f32 $5.000000000e-01, v8  }
0x87: {  	v9 =	vsub.s32 $0x5F3759DF, v57  }
0x88: {  	v58 =	vmul.f32 v9, v8;
	_ =	sdelay $0x1  }
0x89: {  	v11 =	vmul.f32 v9, v58;
	_ =	sdelay $0x1  }
0x8a: {  	v11 =	vsub.f32 $1.500000000e+00, v11;
	_ =	sdelay $0x1  }
0x8b: {  	v9 =	vmul.f32 v9, v11;
	_ =	sdelay $0x1  }
0x8c: {  	v11 =	vmul.f32 v9, v8;
	_ =	sdelay $0x1  }
0x8d: {  	v11 =	vmul.f32 v11, v9;
	_ =	sdelay $0x1  }
0x8e: {  	v11 =	vsub.f32 $1.500000000e+00, v11;
	_ =	sdelay $0x1  }
0x8f: {  	v9 =	vmul.f32 v11, v9;
	_ =	sdelay $0x1  }
0x90: {  	v8 =	vmul.f32 v9, v8  }
0x91: {  	v59 =	vld [tilespmem:$0x40]  }
0x92: {  	v8 =	vmul.f32 v8, v9;
	_ =	sdelay $0x1  }
0x93: {  	v10 =	vld.idx.msk [tilespmem:v10+s11+$0x0], $0xffff;
	v8 =	vsub.f32 $1.500000000e+00, v8;
	_ =	sdelay $0x1  }
0x94: {  	v60 =	vand.u32 $0x7F, v59;
	v8 =	vmul.f32 v8, v9  }
0x95: {  	v9 =	vor.u32 v4, v60  }
0x96: {  	v8 =	vmin.f32 v8, $1.000000000e+00  }
0x97: {  	v8 =	vmul.f32 v8, v10;
	_ =	sdelay $0x1  }
0x98: {  	[tilespmem:$0x10430] =	vst v8  }
0x99: {  	v8 =	vld.idx.msk [tilespmem:v9+s12+$0x0], $0xffff;
	_ =	sdelay $0x4  }
0x9a: {  	v61 =	vshrl.u32 v8, $0x1;
	v8 =	vmul.f32 $5.000000000e-01, v8  }
0x9b: {  	v10 =	vsub.s32 $0x5F3759DF, v61  }
0x9c: {  	v62 =	vmul.f32 v10, v8;
	_ =	sdelay $0x1  }
0x9d: {  	v11 =	vmul.f32 v10, v62;
	_ =	sdelay $0x1  }
0x9e: {  	v11 =	vsub.f32 $1.500000000e+00, v11;
	_ =	sdelay $0x1  }
0x9f: {  	v10 =	vmul.f32 v10, v11;
	_ =	sdelay $0x1  }
0xa0: {  	v11 =	vmul.f32 v10, v8;
	_ =	sdelay $0x1  }
0xa1: {  	v11 =	vmul.f32 v11, v10;
	_ =	sdelay $0x1  }
0xa2: {  	v11 =	vsub.f32 $1.500000000e+00, v11;
	_ =	sdelay $0x1  }
0xa3: {  	v10 =	vmul.f32 v11, v10;
	_ =	sdelay $0x1  }
0xa4: {  	v8 =	vmul.f32 v10, v8  }
0xa5: {  	v63 =	vld [tilespmem:$0x50]  }
0xa6: {  	v8 =	vmul.f32 v8, v10;
	_ =	sdelay $0x1  }
0xa7: {  	v9 =	vld.idx.msk [tilespmem:v9+s11+$0x0], $0xffff;
	v8 =	vsub.f32 $1.500000000e+00, v8;
	_ =	sdelay $0x1  }
0xa8: {  	v12 =	vand.u32 $0x7F, v63;
	v8 =	vmul.f32 v8, v10  }
0xa9: {  	v10 =	vor.u32 v5, v12  }
0xaa: {  	v8 =	vmin.f32 v8, $1.000000000e+00  }
0xab: {  	v8 =	vmul.f32 v8, v9;
	_ =	sdelay $0x1  }
0xac: {  	[tilespmem:$0x10440] =	vst v8  }
0xad: {  	v8 =	vld.idx.msk [tilespmem:v10+s12+$0x0], $0xffff;
	_ =	sdelay $0x4  }
0xae: {  	v13 =	vshrl.u32 v8, $0x1;
	v8 =	vmul.f32 $5.000000000e-01, v8  }
0xaf: {  	v9 =	vsub.s32 $0x5F3759DF, v13  }
0xb0: {  	v14 =	vmul.f32 v9, v8;
	_ =	sdelay $0x1  }
0xb1: {  	v11 =	vmul.f32 v9, v14;
	_ =	sdelay $0x1  }
0xb2: {  	v11 =	vsub.f32 $1.500000000e+00, v11;
	_ =	sdelay $0x1  }
0xb3: {  	v9 =	vmul.f32 v9, v11;
	_ =	sdelay $0x1  }
0xb4: {  	v11 =	vmul.f32 v9, v8;
	_ =	sdelay $0x1  }
0xb5: {  	v11 =	vmul.f32 v11, v9;
	_ =	sdelay $0x1  }
0xb6: {  	v11 =	vsub.f32 $1.500000000e+00, v11;
	_ =	sdelay $0x1  }
0xb7: {  	v9 =	vmul.f32 v11, v9;
	_ =	sdelay $0x1  }
0xb8: {  	v8 =	vmul.f32 v9, v8  }
0xb9: {  	v15 =	vld [tilespmem:$0x60]  }
0xba: {  	v8 =	vmul.f32 v8, v9;
	_ =	sdelay $0x1  }
0xbb: {  	v10 =	vld.idx.msk [tilespmem:v10+s11+$0x0], $0xffff;
	v8 =	vsub.f32 $1.500000000e+00, v8;
	_ =	sdelay $0x1  }
0xbc: {  	v16 =	vand.u32 $0x7F, v15;
	v8 =	vmul.f32 v8, v9  }
0xbd: {  	v9 =	vor.u32 v6, v16  }
0xbe: {  	v8 =	vmin.f32 v8, $1.000000000e+00  }
0xbf: {  	v8 =	vmul.f32 v8, v10;
	_ =	sdelay $0x1  }
0xc0: {  	[tilespmem:$0x10450] =	vst v8  }
0xc1: {  	v8 =	vld.idx.msk [tilespmem:v9+s12+$0x0], $0xffff;
	_ =	sdelay $0x4  }
0xc2: {  	v17 =	vshrl.u32 v8, $0x1;
	v8 =	vmul.f32 $5.000000000e-01, v8  }
0xc3: {  	v10 =	vsub.s32 $0x5F3759DF, v17  }
0xc4: {  	v18 =	vmul.f32 v10, v8;
	_ =	sdelay $0x1  }
0xc5: {  	v11 =	vmul.f32 v10, v18;
	_ =	sdelay $0x1  }
0xc6: {  	v11 =	vsub.f32 $1.500000000e+00, v11;
	_ =	sdelay $0x1  }
0xc7: {  	v10 =	vmul.f32 v10, v11;
	_ =	sdelay $0x1  }
0xc8: {  	v11 =	vmul.f32 v10, v8;
	_ =	sdelay $0x1  }
0xc9: {  	v11 =	vmul.f32 v11, v10;
	_ =	sdelay $0x1  }
0xca: {  	v11 =	vsub.f32 $1.500000000e+00, v11;
	_ =	sdelay $0x1  }
0xcb: {  	v10 =	vmul.f32 v11, v10;
	_ =	sdelay $0x1  }
0xcc: {  	v8 =	vmul.f32 v10, v8  }
0xcd: {  	v19 =	vld [tilespmem:$0x70]  }
0xce: {  	v8 =	vmul.f32 v8, v10;
	_ =	sdelay $0x1  }
0xcf: {  	v9 =	vld.idx.msk [tilespmem:v9+s11+$0x0], $0xffff;
	v8 =	vsub.f32 $1.500000000e+00, v8;
	_ =	sdelay $0x1  }
0xd0: {  	v20 =	vand.u32 $0x7F, v19;
	v8 =	vmul.f32 v8, v10  }
0xd1: {  	v10 =	vor.u32 v7, v20  }
0xd2: {  	v8 =	vmin.f32 v8, $1.000000000e+00  }
0xd3: {  	v8 =	vmul.f32 v8, v9;
	_ =	sdelay $0x1  }
0xd4: {  	[tilespmem:$0x10460] =	vst v8  }
0xd5: {  	v8 =	vld.idx.msk [tilespmem:v10+s12+$0x0], $0xffff;
	_ =	sdelay $0x4  }
0xd6: {  	v21 =	vshrl.u32 v8, $0x1;
	v8 =	vmul.f32 $5.000000000e-01, v8  }
0xd7: {  	v9 =	vsub.s32 $0x5F3759DF, v21  }
0xd8: {  	v22 =	vmul.f32 v9, v8;
	_ =	sdelay $0x1  }
0xd9: {  	v11 =	vmul.f32 v9, v22;
	_ =	sdelay $0x1  }
0xda: {  	v11 =	vsub.f32 $1.500000000e+00, v11;
	_ =	sdelay $0x1  }
0xdb: {  	v9 =	vmul.f32 v9, v11;
	_ =	sdelay $0x1  }
0xdc: {  	v11 =	vmul.f32 v9, v8;
	_ =	sdelay $0x1  }
0xdd: {  	v11 =	vmul.f32 v11, v9;
	_ =	sdelay $0x1  }
0xde: {  	v11 =	vsub.f32 $1.500000000e+00, v11;
	_ =	sdelay $0x1  }
0xdf: {  	v9 =	vmul.f32 v11, v9;
	_ =	sdelay $0x1  }
0xe0: {  	v8 =	vmul.f32 v9, v8;
	_ =	sdelay $0x1  }
0xe1: {  	v8 =	vmul.f32 v8, v9;
	_ =	sdelay $0x1  }
0xe2: {  	v10 =	vld.idx.msk [tilespmem:v10+s11+$0x0], $0xffff;
	v8 =	vsub.f32 $1.500000000e+00, v8;
	_ =	sdelay $0x1  }
0xe3: {  	v8 =	vmul.f32 v8, v9;
	_ =	sdelay $0x1  }
0xe4: {  	v8 =	vmin.f32 v8, $1.000000000e+00  }
0xe5: {  	v8 =	vmul.f32 v8, v10;
	_ =	sdelay $0x1  }
0xe6: {  	[tilespmem:$0x10470] =	vst v8  }
0xe7: {  	[tilespmem:s11], [sflag:$0x1] =	stream.indirect.gather [hbm4b:s3+s9], $0x80, s17, s9, $0xb8;
	[tilespmem:$0x10600] =	vst v63  }
0xe8: {  	_ = 	snop  }
0xe9: {  	[tilespmem:s12], [sflag:$0x1] =	stream.indirect.gather [hbm4b:s4+s9], $0x80, s17, s9, $0xb8;
	[tilespmem:$0x10600] =	vst v63  }
0xea: {  	_ =	swait.ge [sflag:s18], $0x4000  }
0xeb: {  	[sflag:s18] =	ssyncset.done $0x0  }
0xec: {  	[sflag:s18] =	ssyncadd.s32 $0xFFFFC000  }
0xed: {  	_ =	swait.ge [sflag:s18], $0x4000  }
0xee: {  	[sflag:s18] =	ssyncset.done $0x0  }
0xef: {  	[sflag:s18] =	ssyncadd.s32 $0xFFFFC000  }
0xf0: {  	v8 =	vld [tilespmem:$0x80];
	_ =	sdelay $0x4  }
0xf1: {  	v8 =	vand.u32 $0x7F, v8  }
0xf2: {  	v8 =	vor.u32 v0, v8;
	_ =	sdelay $0x4  }
0xf3: {  	v23 =	vld.idx.msk [tilespmem:v8+s15+$0x0], $0xffff;
	_ =	sdelay $0x4  }
0xf4: {  	v24 =	vshrl.u32 v23, $0x1;
	v9 =	vmul.f32 $5.000000000e-01, v23  }
0xf5: {  	v10 =	vsub.s32 $0x5F3759DF, v24  }
0xf6: {  	v25 =	vmul.f32 v10, v9;
	_ =	sdelay $0x1  }
0xf7: {  	v11 =	vmul.f32 v10, v25;
	_ =	sdelay $0x1  }
0xf8: {  	v11 =	vsub.f32 $1.500000000e+00, v11;
	_ =	sdelay $0x1  }
0xf9: {  	v10 =	vmul.f32 v10, v11;
	_ =	sdelay $0x1  }
0xfa: {  	v11 =	vmul.f32 v10, v9;
	_ =	sdelay $0x1  }
0xfb: {  	v11 =	vmul.f32 v11, v10;
	_ =	sdelay $0x1  }
0xfc: {  	v11 =	vsub.f32 $1.500000000e+00, v11;
	_ =	sdelay $0x1  }
0xfd: {  	v10 =	vmul.f32 v11, v10;
	_ =	sdelay $0x1  }
0xfe: {  	v9 =	vmul.f32 v10, v9  }
0xff: {  	v26 =	vld [tilespmem:$0x90]  }
0x100: {  	v9 =	vmul.f32 v9, v10;
	_ =	sdelay $0x1  }
0x101: {  	v8 =	vld.idx.msk [tilespmem:v8+s14+$0x0], $0xffff;
	v9 =	vsub.f32 $1.500000000e+00, v9;
	_ =	sdelay $0x1  }
0x102: {  	v27 =	vand.u32 $0x7F, v26;
	v9 =	vmul.f32 v9, v10  }
0x103: {  	v10 =	vor.u32 v1, v27  }
0x104: {  	v9 =	vmin.f32 v9, $1.000000000e+00  }
0x105: {  	v8 =	vmul.f32 v9, v8;
	_ =	sdelay $0x1  }
0x106: {  	[tilespmem:$0x10480] =	vst v8  }
0x107: {  	v8 =	vld.idx.msk [tilespmem:v10+s15+$0x0], $0xffff;
	_ =	sdelay $0x4  }
0x108: {  	v28 =	vshrl.u32 v8, $0x1;
	v8 =	vmul.f32 $5.000000000e-01, v8  }
0x109: {  	v9 =	vsub.s32 $0x5F3759DF, v28  }
0x10a: {  	v29 =	vmul.f32 v9, v8;
	_ =	sdelay $0x1  }
0x10b: {  	v11 =	vmul.f32 v9, v29;
	_ =	sdelay $0x1  }
0x10c: {  	v11 =	vsub.f32 $1.500000000e+00, v11;
	_ =	sdelay $0x1  }
0x10d: {  	v9 =	vmul.f32 v9, v11;
	_ =	sdelay $0x1  }
0x10e: {  	v11 =	vmul.f32 v9, v8;
	_ =	sdelay $0x1  }
0x10f: {  	v11 =	vmul.f32 v11, v9;
	_ =	sdelay $0x1  }
0x110: {  	v11 =	vsub.f32 $1.500000000e+00, v11;
	_ =	sdelay $0x1  }
0x111: {  	v9 =	vmul.f32 v11, v9;
	_ =	sdelay $0x1  }
0x112: {  	v8 =	vmul.f32 v9, v8  }
0x113: {  	v30 =	vld [tilespmem:$0xA0]  }
0x114: {  	v8 =	vmul.f32 v8, v9;
	_ =	sdelay $0x1  }
0x115: {  	v10 =	vld.idx.msk [tilespmem:v10+s14+$0x0], $0xffff;
	v8 =	vsub.f32 $1.500000000e+00, v8;
	_ =	sdelay $0x1  }
0x116: {  	v31 =	vand.u32 $0x7F, v30;
	v8 =	vmul.f32 v8, v9  }
0x117: {  	v9 =	vor.u32 v2, v31  }
0x118: {  	v8 =	vmin.f32 v8, $1.000000000e+00  }
0x119: {  	v8 =	vmul.f32 v8, v10;
	_ =	sdelay $0x1  }
0x11a: {  	[tilespmem:$0x10490] =	vst v8  }
0x11b: {  	v8 =	vld.idx.msk [tilespmem:v9+s15+$0x0], $0xffff;
	_ =	sdelay $0x4  }
0x11c: {  	v32 =	vshrl.u32 v8, $0x1;
	v8 =	vmul.f32 $5.000000000e-01, v8  }
0x11d: {  	v10 =	vsub.s32 $0x5F3759DF, v32  }
0x11e: {  	v33 =	vmul.f32 v10, v8;
	_ =	sdelay $0x1  }
0x11f: {  	v11 =	vmul.f32 v10, v33;
	_ =	sdelay $0x1  }
0x120: {  	v11 =	vsub.f32 $1.500000000e+00, v11;
	_ =	sdelay $0x1  }
0x121: {  	v10 =	vmul.f32 v10, v11;
	_ =	sdelay $0x1  }
0x122: {  	v11 =	vmul.f32 v10, v8;
	_ =	sdelay $0x1  }
0x123: {  	v11 =	vmul.f32 v11, v10;
	_ =	sdelay $0x1  }
0x124: {  	v11 =	vsub.f32 $1.500000000e+00, v11;
	_ =	sdelay $0x1  }
0x125: {  	v10 =	vmul.f32 v11, v10;
	_ =	sdelay $0x1  }
0x126: {  	v8 =	vmul.f32 v10, v8  }
0x127: {  	v34 =	vld [tilespmem:$0xB0]  }
0x128: {  	v8 =	vmul.f32 v8, v10;
	_ =	sdelay $0x1  }
0x129: {  	v9 =	vld.idx.msk [tilespmem:v9+s14+$0x0], $0xffff;
	v8 =	vsub.f32 $1.500000000e+00, v8;
	_ =	sdelay $0x1  }
0x12a: {  	v35 =	vand.u32 $0x7F, v34;
	v8 =	vmul.f32 v8, v10  }
0x12b: {  	v10 =	vor.u32 v3, v35  }
0x12c: {  	v8 =	vmin.f32 v8, $1.000000000e+00  }
0x12d: {  	v8 =	vmul.f32 v8, v9;
	_ =	sdelay $0x1  }
0x12e: {  	[tilespmem:$0x104A0] =	vst v8  }
0x12f: {  	v8 =	vld.idx.msk [tilespmem:v10+s15+$0x0], $0xffff;
	_ =	sdelay $0x4  }
0x130: {  	v36 =	vshrl.u32 v8, $0x1;
	v8 =	vmul.f32 $5.000000000e-01, v8  }
0x131: {  	v9 =	vsub.s32 $0x5F3759DF, v36  }
0x132: {  	v37 =	vmul.f32 v9, v8;
	_ =	sdelay $0x1  }
0x133: {  	v11 =	vmul.f32 v9, v37;
	_ =	sdelay $0x1  }
0x134: {  	v11 =	vsub.f32 $1.500000000e+00, v11;
	_ =	sdelay $0x1  }
0x135: {  	v9 =	vmul.f32 v9, v11;
	_ =	sdelay $0x1  }
0x136: {  	v11 =	vmul.f32 v9, v8;
	_ =	sdelay $0x1  }
0x137: {  	v11 =	vmul.f32 v11, v9;
	_ =	sdelay $0x1  }
0x138: {  	v11 =	vsub.f32 $1.500000000e+00, v11;
	_ =	sdelay $0x1  }
0x139: {  	v9 =	vmul.f32 v11, v9;
	_ =	sdelay $0x1  }
0x13a: {  	v8 =	vmul.f32 v9, v8  }
0x13b: {  	v38 =	vld [tilespmem:$0xC0]  }
0x13c: {  	v8 =	vmul.f32 v8, v9;
	_ =	sdelay $0x1  }
0x13d: {  	v10 =	vld.idx.msk [tilespmem:v10+s14+$0x0], $0xffff;
	v8 =	vsub.f32 $1.500000000e+00, v8;
	_ =	sdelay $0x1  }
0x13e: {  	v39 =	vand.u32 $0x7F, v38;
	v8 =	vmul.f32 v8, v9  }
0x13f: {  	v9 =	vor.u32 v4, v39  }
0x140: {  	v8 =	vmin.f32 v8, $1.000000000e+00  }
0x141: {  	v8 =	vmul.f32 v8, v10;
	_ =	sdelay $0x1  }
0x142: {  	[tilespmem:$0x104B0] =	vst v8  }
0x143: {  	v8 =	vld.idx.msk [tilespmem:v9+s15+$0x0], $0xffff;
	_ =	sdelay $0x4  }
0x144: {  	v40 =	vshrl.u32 v8, $0x1;
	v8 =	vmul.f32 $5.000000000e-01, v8  }
0x145: {  	v10 =	vsub.s32 $0x5F3759DF, v40  }
0x146: {  	v41 =	vmul.f32 v10, v8;
	_ =	sdelay $0x1  }
0x147: {  	v11 =	vmul.f32 v10, v41;
	_ =	sdelay $0x1  }
0x148: {  	v11 =	vsub.f32 $1.500000000e+00, v11;
	_ =	sdelay $0x1  }
0x149: {  	v10 =	vmul.f32 v10, v11;
	_ =	sdelay $0x1  }
0x14a: {  	v11 =	vmul.f32 v10, v8;
	_ =	sdelay $0x1  }
0x14b: {  	v11 =	vmul.f32 v11, v10;
	_ =	sdelay $0x1  }
0x14c: {  	v11 =	vsub.f32 $1.500000000e+00, v11;
	_ =	sdelay $0x1  }
0x14d: {  	v10 =	vmul.f32 v11, v10;
	_ =	sdelay $0x1  }
0x14e: {  	v8 =	vmul.f32 v10, v8  }
0x14f: {  	v42 =	vld [tilespmem:$0xD0]  }
0x150: {  	v8 =	vmul.f32 v8, v10;
	_ =	sdelay $0x1  }
0x151: {  	v9 =	vld.idx.msk [tilespmem:v9+s14+$0x0], $0xffff;
	v8 =	vsub.f32 $1.500000000e+00, v8;
	_ =	sdelay $0x1  }
0x152: {  	v43 =	vand.u32 $0x7F, v42;
	v8 =	vmul.f32 v8, v10  }
0x153: {  	v10 =	vor.u32 v5, v43  }
0x154: {  	v8 =	vmin.f32 v8, $1.000000000e+00  }
0x155: {  	v8 =	vmul.f32 v8, v9;
	_ =	sdelay $0x1  }
0x156: {  	[tilespmem:$0x104C0] =	vst v8  }
0x157: {  	v8 =	vld.idx.msk [tilespmem:v10+s15+$0x0], $0xffff;
	_ =	sdelay $0x4  }
0x158: {  	v44 =	vshrl.u32 v8, $0x1;
	v8 =	vmul.f32 $5.000000000e-01, v8  }
0x159: {  	v9 =	vsub.s32 $0x5F3759DF, v44  }
0x15a: {  	v45 =	vmul.f32 v9, v8;
	_ =	sdelay $0x1  }
0x15b: {  	v11 =	vmul.f32 v9, v45;
	_ =	sdelay $0x1  }
0x15c: {  	v11 =	vsub.f32 $1.500000000e+00, v11;
	_ =	sdelay $0x1  }
0x15d: {  	v9 =	vmul.f32 v9, v11;
	_ =	sdelay $0x1  }
0x15e: {  	v11 =	vmul.f32 v9, v8;
	_ =	sdelay $0x1  }
0x15f: {  	v11 =	vmul.f32 v11, v9;
	_ =	sdelay $0x1  }
0x160: {  	v11 =	vsub.f32 $1.500000000e+00, v11;
	_ =	sdelay $0x1  }
0x161: {  	v9 =	vmul.f32 v11, v9;
	_ =	sdelay $0x1  }
0x162: {  	v8 =	vmul.f32 v9, v8  }
0x163: {  	v46 =	vld [tilespmem:$0xE0]  }
0x164: {  	v8 =	vmul.f32 v8, v9;
	_ =	sdelay $0x1  }
0x165: {  	v10 =	vld.idx.msk [tilespmem:v10+s14+$0x0], $0xffff;
	v8 =	vsub.f32 $1.500000000e+00, v8;
	_ =	sdelay $0x1  }
0x166: {  	v47 =	vand.u32 $0x7F, v46;
	v8 =	vmul.f32 v8, v9  }
0x167: {  	v9 =	vor.u32 v6, v47  }
0x168: {  	v8 =	vmin.f32 v8, $1.000000000e+00  }
0x169: {  	v8 =	vmul.f32 v8, v10;
	_ =	sdelay $0x1  }
0x16a: {  	[tilespmem:$0x104D0] =	vst v8  }
0x16b: {  	v8 =	vld.idx.msk [tilespmem:v9+s15+$0x0], $0xffff;
	_ =	sdelay $0x4  }
0x16c: {  	v48 =	vshrl.u32 v8, $0x1;
	v8 =	vmul.f32 $5.000000000e-01, v8  }
0x16d: {  	v10 =	vsub.s32 $0x5F3759DF, v48  }
0x16e: {  	v49 =	vmul.f32 v10, v8;
	_ =	sdelay $0x1  }
0x16f: {  	v11 =	vmul.f32 v10, v49;
	_ =	sdelay $0x1  }
0x170: {  	v11 =	vsub.f32 $1.500000000e+00, v11;
	_ =	sdelay $0x1  }
0x171: {  	v10 =	vmul.f32 v10, v11;
	_ =	sdelay $0x1  }
0x172: {  	v11 =	vmul.f32 v10, v8;
	_ =	sdelay $0x1  }
0x173: {  	v11 =	vmul.f32 v11, v10;
	_ =	sdelay $0x1  }
0x174: {  	v11 =	vsub.f32 $1.500000000e+00, v11;
	_ =	sdelay $0x1  }
0x175: {  	v10 =	vmul.f32 v11, v10;
	_ =	sdelay $0x1  }
0x176: {  	v8 =	vmul.f32 v10, v8  }
0x177: {  	v50 =	vld [tilespmem:$0xF0]  }
0x178: {  	v8 =	vmul.f32 v8, v10;
	_ =	sdelay $0x1  }
0x179: {  	v9 =	vld.idx.msk [tilespmem:v9+s14+$0x0], $0xffff;
	v8 =	vsub.f32 $1.500000000e+00, v8;
	_ =	sdelay $0x1  }
0x17a: {  	v51 =	vand.u32 $0x7F, v50;
	v8 =	vmul.f32 v8, v10  }
0x17b: {  	v10 =	vor.u32 v7, v51  }
0x17c: {  	v8 =	vmin.f32 v8, $1.000000000e+00  }
0x17d: {  	v8 =	vmul.f32 v8, v9;
	_ =	sdelay $0x1  }
0x17e: {  	[tilespmem:$0x104E0] =	vst v8  }
0x17f: {  	v8 =	vld.idx.msk [tilespmem:v10+s15+$0x0], $0xffff;
	_ =	sdelay $0x4  }
0x180: {  	v52 =	vshrl.u32 v8, $0x1;
	v8 =	vmul.f32 $5.000000000e-01, v8  }
0x181: {  	v9 =	vsub.s32 $0x5F3759DF, v52  }
0x182: {  	v53 =	vmul.f32 v9, v8;
	_ =	sdelay $0x1  }
0x183: {  	v11 =	vmul.f32 v9, v53;
	_ =	sdelay $0x1  }
0x184: {  	v11 =	vsub.f32 $1.500000000e+00, v11;
	_ =	sdelay $0x1  }
0x185: {  	v9 =	vmul.f32 v9, v11;
	_ =	sdelay $0x1  }
0x186: {  	v11 =	vmul.f32 v9, v8;
	_ =	sdelay $0x1  }
0x187: {  	v11 =	vmul.f32 v11, v9;
	_ =	sdelay $0x1  }
0x188: {  	v11 =	vsub.f32 $1.500000000e+00, v11;
	_ =	sdelay $0x1  }
0x189: {  	v9 =	vmul.f32 v11, v9;
	_ =	sdelay $0x1  }
0x18a: {  	v8 =	vmul.f32 v9, v8;
	_ =	sdelay $0x1  }
0x18b: {  	v8 =	vmul.f32 v8, v9;
	_ =	sdelay $0x1  }
0x18c: {  	v10 =	vld.idx.msk [tilespmem:v10+s14+$0x0], $0xffff;
	v8 =	vsub.f32 $1.500000000e+00, v8;
	_ =	sdelay $0x1  }
0x18d: {  	v8 =	vmul.f32 v8, v9;
	_ =	sdelay $0x1  }
0x18e: {  	v8 =	vmin.f32 v8, $1.000000000e+00  }
0x18f: {  	v8 =	vmul.f32 v8, v10;
	_ =	sdelay $0x1  }
0x190: {  	[tilespmem:$0x104F0] =	vst v8  }
0x191: {  	[tilespmem:s14], [sflag:$0x2] =	stream.indirect.gather [hbm4b:s3+s9], $0x80, s19, s9, $0xb8;
	[tilespmem:$0x10600] =	vst v63  }
0x192: {  	_ = 	snop  }
0x193: {  	[tilespmem:s15], [sflag:$0x2] =	stream.indirect.gather [hbm4b:s4+s9], $0x80, s19, s9, $0xb8;
	[tilespmem:$0x10600] =	vst v63  }
0x194: {  	_ =	swait.ge [sflag:s16], $0x4000  }
0x195: {  	[sflag:s16] =	ssyncset.done $0x0  }
0x196: {  	[sflag:s16] =	ssyncadd.s32 $0xFFFFC000  }
0x197: {  	_ =	swait.ge [sflag:s16], $0x4000  }
0x198: {  	[sflag:s16] =	ssyncset.done $0x0  }
0x199: {  	[sflag:s16] =	ssyncadd.s32 $0xFFFFC000  }
0x19a: {  	v8 =	vld [tilespmem:$0x100];
	_ =	sdelay $0x4  }
0x19b: {  	v8 =	vand.u32 $0x7F, v8  }
0x19c: {  	v8 =	vor.u32 v0, v8;
	_ =	sdelay $0x4  }
0x19d: {  	v54 =	vld.idx.msk [tilespmem:v8+s12+$0x0], $0xffff;
	_ =	sdelay $0x4  }
0x19e: {  	v55 =	vshrl.u32 v54, $0x1;
	v9 =	vmul.f32 $5.000000000e-01, v54  }
0x19f: {  	v10 =	vsub.s32 $0x5F3759DF, v55  }
0x1a0: {  	v56 =	vmul.f32 v10, v9;
	_ =	sdelay $0x1  }
0x1a1: {  	v11 =	vmul.f32 v10, v56;
	_ =	sdelay $0x1  }
0x1a2: {  	v11 =	vsub.f32 $1.500000000e+00, v11;
	_ =	sdelay $0x1  }
0x1a3: {  	v10 =	vmul.f32 v10, v11;
	_ =	sdelay $0x1  }
0x1a4: {  	v11 =	vmul.f32 v10, v9;
	_ =	sdelay $0x1  }
0x1a5: {  	v11 =	vmul.f32 v11, v10;
	_ =	sdelay $0x1  }
0x1a6: {  	v11 =	vsub.f32 $1.500000000e+00, v11;
	_ =	sdelay $0x1  }
0x1a7: {  	v10 =	vmul.f32 v11, v10;
	_ =	sdelay $0x1  }
0x1a8: {  	v9 =	vmul.f32 v10, v9  }
0x1a9: {  	v57 =	vld [tilespmem:$0x110]  }
0x1aa: {  	v9 =	vmul.f32 v9, v10;
	_ =	sdelay $0x1  }
0x1ab: {  	v8 =	vld.idx.msk [tilespmem:v8+s11+$0x0], $0xffff;
	v9 =	vsub.f32 $1.500000000e+00, v9;
	_ =	sdelay $0x1  }
0x1ac: {  	v58 =	vand.u32 $0x7F, v57;
	v9 =	vmul.f32 v9, v10  }
0x1ad: {  	v10 =	vor.u32 v1, v58  }
0x1ae: {  	v9 =	vmin.f32 v9, $1.000000000e+00  }
0x1af: {  	v8 =	vmul.f32 v9, v8;
	_ =	sdelay $0x1  }
0x1b0: {  	[tilespmem:$0x10500] =	vst v8  }
0x1b1: {  	v8 =	vld.idx.msk [tilespmem:v10+s12+$0x0], $0xffff;
	_ =	sdelay $0x4  }
0x1b2: {  	v59 =	vshrl.u32 v8, $0x1;
	v8 =	vmul.f32 $5.000000000e-01, v8  }
0x1b3: {  	v9 =	vsub.s32 $0x5F3759DF, v59  }
0x1b4: {  	v60 =	vmul.f32 v9, v8;
	_ =	sdelay $0x1  }
0x1b5: {  	v11 =	vmul.f32 v9, v60;
	_ =	sdelay $0x1  }
0x1b6: {  	v11 =	vsub.f32 $1.500000000e+00, v11;
	_ =	sdelay $0x1  }
0x1b7: {  	v9 =	vmul.f32 v9, v11;
	_ =	sdelay $0x1  }
0x1b8: {  	v11 =	vmul.f32 v9, v8;
	_ =	sdelay $0x1  }
0x1b9: {  	v11 =	vmul.f32 v11, v9;
	_ =	sdelay $0x1  }
0x1ba: {  	v11 =	vsub.f32 $1.500000000e+00, v11;
	_ =	sdelay $0x1  }
0x1bb: {  	v9 =	vmul.f32 v11, v9;
	_ =	sdelay $0x1  }
0x1bc: {  	v8 =	vmul.f32 v9, v8  }
0x1bd: {  	v61 =	vld [tilespmem:$0x120]  }
0x1be: {  	v8 =	vmul.f32 v8, v9;
	_ =	sdelay $0x1  }
0x1bf: {  	v10 =	vld.idx.msk [tilespmem:v10+s11+$0x0], $0xffff;
	v8 =	vsub.f32 $1.500000000e+00, v8;
	_ =	sdelay $0x1  }
0x1c0: {  	v62 =	vand.u32 $0x7F, v61;
	v8 =	vmul.f32 v8, v9  }
0x1c1: {  	v9 =	vor.u32 v2, v62  }
0x1c2: {  	v8 =	vmin.f32 v8, $1.000000000e+00  }
0x1c3: {  	v8 =	vmul.f32 v8, v10;
	_ =	sdelay $0x1  }
0x1c4: {  	[tilespmem:$0x10510] =	vst v8  }
0x1c5: {  	v8 =	vld.idx.msk [tilespmem:v9+s12+$0x0], $0xffff;
	_ =	sdelay $0x4  }
0x1c6: {  	v63 =	vshrl.u32 v8, $0x1;
	v8 =	vmul.f32 $5.000000000e-01, v8  }
0x1c7: {  	v10 =	vsub.s32 $0x5F3759DF, v63  }
0x1c8: {  	v12 =	vmul.f32 v10, v8;
	_ =	sdelay $0x1  }
0x1c9: {  	v11 =	vmul.f32 v10, v12;
	_ =	sdelay $0x1  }
0x1ca: {  	v11 =	vsub.f32 $1.500000000e+00, v11;
	_ =	sdelay $0x1  }
0x1cb: {  	v10 =	vmul.f32 v10, v11;
	_ =	sdelay $0x1  }
0x1cc: {  	v11 =	vmul.f32 v10, v8;
	_ =	sdelay $0x1  }
0x1cd: {  	v11 =	vmul.f32 v11, v10;
	_ =	sdelay $0x1  }
0x1ce: {  	v11 =	vsub.f32 $1.500000000e+00, v11;
	_ =	sdelay $0x1  }
0x1cf: {  	v10 =	vmul.f32 v11, v10;
	_ =	sdelay $0x1  }
0x1d0: {  	v8 =	vmul.f32 v10, v8  }
0x1d1: {  	v13 =	vld [tilespmem:$0x130]  }
0x1d2: {  	v8 =	vmul.f32 v8, v10;
	_ =	sdelay $0x1  }
0x1d3: {  	v9 =	vld.idx.msk [tilespmem:v9+s11+$0x0], $0xffff;
	v8 =	vsub.f32 $1.500000000e+00, v8;
	_ =	sdelay $0x1  }
0x1d4: {  	v14 =	vand.u32 $0x7F, v13;
	v8 =	vmul.f32 v8, v10  }
0x1d5: {  	v10 =	vor.u32 v3, v14  }
0x1d6: {  	v8 =	vmin.f32 v8, $1.000000000e+00  }
0x1d7: {  	v8 =	vmul.f32 v8, v9;
	_ =	sdelay $0x1  }
0x1d8: {  	[tilespmem:$0x10520] =	vst v8  }
0x1d9: {  	v8 =	vld.idx.msk [tilespmem:v10+s12+$0x0], $0xffff;
	_ =	sdelay $0x4  }
0x1da: {  	v15 =	vshrl.u32 v8, $0x1;
	v8 =	vmul.f32 $5.000000000e-01, v8  }
0x1db: {  	v9 =	vsub.s32 $0x5F3759DF, v15  }
0x1dc: {  	v16 =	vmul.f32 v9, v8;
	_ =	sdelay $0x1  }
0x1dd: {  	v11 =	vmul.f32 v9, v16;
	_ =	sdelay $0x1  }
0x1de: {  	v11 =	vsub.f32 $1.500000000e+00, v11;
	_ =	sdelay $0x1  }
0x1df: {  	v9 =	vmul.f32 v9, v11;
	_ =	sdelay $0x1  }
0x1e0: {  	v11 =	vmul.f32 v9, v8;
	_ =	sdelay $0x1  }
0x1e1: {  	v11 =	vmul.f32 v11, v9;
	_ =	sdelay $0x1  }
0x1e2: {  	v11 =	vsub.f32 $1.500000000e+00, v11;
	_ =	sdelay $0x1  }
0x1e3: {  	v9 =	vmul.f32 v11, v9;
	_ =	sdelay $0x1  }
0x1e4: {  	v8 =	vmul.f32 v9, v8  }
0x1e5: {  	v17 =	vld [tilespmem:$0x140]  }
0x1e6: {  	v8 =	vmul.f32 v8, v9;
	_ =	sdelay $0x1  }
0x1e7: {  	v10 =	vld.idx.msk [tilespmem:v10+s11+$0x0], $0xffff;
	v8 =	vsub.f32 $1.500000000e+00, v8;
	_ =	sdelay $0x1  }
0x1e8: {  	v18 =	vand.u32 $0x7F, v17;
	v8 =	vmul.f32 v8, v9  }
0x1e9: {  	v9 =	vor.u32 v4, v18  }
0x1ea: {  	v8 =	vmin.f32 v8, $1.000000000e+00  }
0x1eb: {  	v8 =	vmul.f32 v8, v10;
	_ =	sdelay $0x1  }
0x1ec: {  	[tilespmem:$0x10530] =	vst v8  }
0x1ed: {  	v8 =	vld.idx.msk [tilespmem:v9+s12+$0x0], $0xffff;
	_ =	sdelay $0x4  }
0x1ee: {  	v19 =	vshrl.u32 v8, $0x1;
	v8 =	vmul.f32 $5.000000000e-01, v8  }
0x1ef: {  	v10 =	vsub.s32 $0x5F3759DF, v19  }
0x1f0: {  	v20 =	vmul.f32 v10, v8;
	_ =	sdelay $0x1  }
0x1f1: {  	v11 =	vmul.f32 v10, v20;
	_ =	sdelay $0x1  }
0x1f2: {  	v11 =	vsub.f32 $1.500000000e+00, v11;
	_ =	sdelay $0x1  }
0x1f3: {  	v10 =	vmul.f32 v10, v11;
	_ =	sdelay $0x1  }
0x1f4: {  	v11 =	vmul.f32 v10, v8;
	_ =	sdelay $0x1  }
0x1f5: {  	v11 =	vmul.f32 v11, v10;
	_ =	sdelay $0x1  }
0x1f6: {  	v11 =	vsub.f32 $1.500000000e+00, v11;
	_ =	sdelay $0x1  }
0x1f7: {  	v10 =	vmul.f32 v11, v10;
	_ =	sdelay $0x1  }
0x1f8: {  	v8 =	vmul.f32 v10, v8  }
0x1f9: {  	v21 =	vld [tilespmem:$0x150]  }
0x1fa: {  	v8 =	vmul.f32 v8, v10;
	_ =	sdelay $0x1  }
0x1fb: {  	v9 =	vld.idx.msk [tilespmem:v9+s11+$0x0], $0xffff;
	v8 =	vsub.f32 $1.500000000e+00, v8;
	_ =	sdelay $0x1  }
0x1fc: {  	v22 =	vand.u32 $0x7F, v21;
	v8 =	vmul.f32 v8, v10  }
0x1fd: {  	v10 =	vor.u32 v5, v22  }
0x1fe: {  	v8 =	vmin.f32 v8, $1.000000000e+00  }
0x1ff: {  	v8 =	vmul.f32 v8, v9;
	_ =	sdelay $0x1  }
0x200: {  	[tilespmem:$0x10540] =	vst v8  }
0x201: {  	v8 =	vld.idx.msk [tilespmem:v10+s12+$0x0], $0xffff;
	_ =	sdelay $0x4  }
0x202: {  	v23 =	vshrl.u32 v8, $0x1;
	v8 =	vmul.f32 $5.000000000e-01, v8  }
0x203: {  	v9 =	vsub.s32 $0x5F3759DF, v23  }
0x204: {  	v24 =	vmul.f32 v9, v8;
	_ =	sdelay $0x1  }
0x205: {  	v11 =	vmul.f32 v9, v24;
	_ =	sdelay $0x1  }
0x206: {  	v11 =	vsub.f32 $1.500000000e+00, v11;
	_ =	sdelay $0x1  }
0x207: {  	v9 =	vmul.f32 v9, v11;
	_ =	sdelay $0x1  }
0x208: {  	v11 =	vmul.f32 v9, v8;
	_ =	sdelay $0x1  }
0x209: {  	v11 =	vmul.f32 v11, v9;
	_ =	sdelay $0x1  }
0x20a: {  	v11 =	vsub.f32 $1.500000000e+00, v11;
	_ =	sdelay $0x1  }
0x20b: {  	v9 =	vmul.f32 v11, v9;
	_ =	sdelay $0x1  }
0x20c: {  	v8 =	vmul.f32 v9, v8  }
0x20d: {  	v25 =	vld [tilespmem:$0x160]  }
0x20e: {  	v8 =	vmul.f32 v8, v9;
	_ =	sdelay $0x1  }
0x20f: {  	v10 =	vld.idx.msk [tilespmem:v10+s11+$0x0], $0xffff;
	v8 =	vsub.f32 $1.500000000e+00, v8;
	_ =	sdelay $0x1  }
0x210: {  	v26 =	vand.u32 $0x7F, v25;
	v8 =	vmul.f32 v8, v9  }
0x211: {  	v9 =	vor.u32 v6, v26  }
0x212: {  	v8 =	vmin.f32 v8, $1.000000000e+00  }
0x213: {  	v8 =	vmul.f32 v8, v10;
	_ =	sdelay $0x1  }
0x214: {  	[tilespmem:$0x10550] =	vst v8  }
0x215: {  	v8 =	vld.idx.msk [tilespmem:v9+s12+$0x0], $0xffff;
	_ =	sdelay $0x4  }
0x216: {  	v27 =	vshrl.u32 v8, $0x1;
	v8 =	vmul.f32 $5.000000000e-01, v8  }
0x217: {  	v10 =	vsub.s32 $0x5F3759DF, v27  }
0x218: {  	v28 =	vmul.f32 v10, v8;
	_ =	sdelay $0x1  }
0x219: {  	v11 =	vmul.f32 v10, v28;
	_ =	sdelay $0x1  }
0x21a: {  	v11 =	vsub.f32 $1.500000000e+00, v11;
	_ =	sdelay $0x1  }
0x21b: {  	v10 =	vmul.f32 v10, v11;
	_ =	sdelay $0x1  }
0x21c: {  	v11 =	vmul.f32 v10, v8;
	_ =	sdelay $0x1  }
0x21d: {  	v11 =	vmul.f32 v11, v10;
	_ =	sdelay $0x1  }
0x21e: {  	v11 =	vsub.f32 $1.500000000e+00, v11;
	_ =	sdelay $0x1  }
0x21f: {  	v10 =	vmul.f32 v11, v10;
	_ =	sdelay $0x1  }
0x220: {  	v8 =	vmul.f32 v10, v8  }
0x221: {  	v29 =	vld [tilespmem:$0x170]  }
0x222: {  	v8 =	vmul.f32 v8, v10;
	_ =	sdelay $0x1  }
0x223: {  	v9 =	vld.idx.msk [tilespmem:v9+s11+$0x0], $0xffff;
	v8 =	vsub.f32 $1.500000000e+00, v8;
	_ =	sdelay $0x1  }
0x224: {  	v30 =	vand.u32 $0x7F, v29;
	v8 =	vmul.f32 v8, v10  }
0x225: {  	v10 =	vor.u32 v7, v30  }
0x226: {  	v8 =	vmin.f32 v8, $1.000000000e+00  }
0x227: {  	v8 =	vmul.f32 v8, v9;
	_ =	sdelay $0x1  }
0x228: {  	[tilespmem:$0x10560] =	vst v8  }
0x229: {  	v8 =	vld.idx.msk [tilespmem:v10+s12+$0x0], $0xffff;
	_ =	sdelay $0x4  }
0x22a: {  	v31 =	vshrl.u32 v8, $0x1;
	v8 =	vmul.f32 $5.000000000e-01, v8  }
0x22b: {  	v9 =	vsub.s32 $0x5F3759DF, v31  }
0x22c: {  	v32 =	vmul.f32 v9, v8;
	_ =	sdelay $0x1  }
0x22d: {  	v11 =	vmul.f32 v9, v32;
	_ =	sdelay $0x1  }
0x22e: {  	v11 =	vsub.f32 $1.500000000e+00, v11;
	_ =	sdelay $0x1  }
0x22f: {  	v9 =	vmul.f32 v9, v11;
	_ =	sdelay $0x1  }
0x230: {  	v11 =	vmul.f32 v9, v8;
	_ =	sdelay $0x1  }
0x231: {  	v11 =	vmul.f32 v11, v9;
	_ =	sdelay $0x1  }
0x232: {  	v11 =	vsub.f32 $1.500000000e+00, v11;
	_ =	sdelay $0x1  }
0x233: {  	v9 =	vmul.f32 v11, v9;
	_ =	sdelay $0x1  }
0x234: {  	v8 =	vmul.f32 v9, v8;
	_ =	sdelay $0x1  }
0x235: {  	v8 =	vmul.f32 v8, v9;
	_ =	sdelay $0x1  }
0x236: {  	v10 =	vld.idx.msk [tilespmem:v10+s11+$0x0], $0xffff;
	v8 =	vsub.f32 $1.500000000e+00, v8;
	_ =	sdelay $0x1  }
0x237: {  	v8 =	vmul.f32 v8, v9;
	_ =	sdelay $0x1  }
0x238: {  	v8 =	vmin.f32 v8, $1.000000000e+00  }
0x239: {  	v8 =	vmul.f32 v8, v10;
	_ =	sdelay $0x1  }
0x23a: {  	[tilespmem:$0x10570] =	vst v8  }
0x23b: {  	_ =	swait.ge [sflag:s18], $0x4000  }
0x23c: {  	[sflag:s18] =	ssyncset.done $0x0  }
0x23d: {  	[sflag:s18] =	ssyncadd.s32 $0xFFFFC000  }
0x23e: {  	_ =	swait.ge [sflag:s18], $0x4000  }
0x23f: {  	[sflag:s18] =	ssyncset.done $0x0  }
0x240: {  	[sflag:s18] =	ssyncadd.s32 $0xFFFFC000  }
0x241: {  	v8 =	vld [tilespmem:$0x180];
	_ =	sdelay $0x4  }
0x242: {  	v8 =	vand.u32 $0x7F, v8  }
0x243: {  	v8 =	vor.u32 v0, v8;
	_ =	sdelay $0x4  }
0x244: {  	v33 =	vld.idx.msk [tilespmem:v8+s15+$0x0], $0xffff;
	_ =	sdelay $0x4  }
0x245: {  	v34 =	vshrl.u32 v33, $0x1;
	v9 =	vmul.f32 $5.000000000e-01, v33  }
0x246: {  	v10 =	vsub.s32 $0x5F3759DF, v34  }
0x247: {  	v35 =	vmul.f32 v10, v9;
	_ =	sdelay $0x1  }
0x248: {  	v11 =	vmul.f32 v10, v35;
	_ =	sdelay $0x1  }
0x249: {  	v11 =	vsub.f32 $1.500000000e+00, v11;
	_ =	sdelay $0x1  }
0x24a: {  	v10 =	vmul.f32 v10, v11;
	_ =	sdelay $0x1  }
0x24b: {  	v11 =	vmul.f32 v10, v9;
	_ =	sdelay $0x1  }
0x24c: {  	v11 =	vmul.f32 v11, v10;
	_ =	sdelay $0x1  }
0x24d: {  	v11 =	vsub.f32 $1.500000000e+00, v11;
	_ =	sdelay $0x1  }
0x24e: {  	v10 =	vmul.f32 v11, v10;
	_ =	sdelay $0x1  }
0x24f: {  	v9 =	vmul.f32 v10, v9  }
0x250: {  	v36 =	vld [tilespmem:$0x190]  }
0x251: {  	v9 =	vmul.f32 v9, v10;
	_ =	sdelay $0x1  }
0x252: {  	v8 =	vld.idx.msk [tilespmem:v8+s14+$0x0], $0xffff;
	v9 =	vsub.f32 $1.500000000e+00, v9;
	_ =	sdelay $0x1  }
0x253: {  	v37 =	vand.u32 $0x7F, v36;
	v9 =	vmul.f32 v9, v10  }
0x254: {  	v10 =	vor.u32 v1, v37  }
0x255: {  	v9 =	vmin.f32 v9, $1.000000000e+00  }
0x256: {  	v8 =	vmul.f32 v9, v8;
	_ =	sdelay $0x1  }
0x257: {  	[tilespmem:$0x10580] =	vst v8  }
0x258: {  	v8 =	vld.idx.msk [tilespmem:v10+s15+$0x0], $0xffff;
	_ =	sdelay $0x4  }
0x259: {  	v38 =	vshrl.u32 v8, $0x1;
	v8 =	vmul.f32 $5.000000000e-01, v8  }
0x25a: {  	v9 =	vsub.s32 $0x5F3759DF, v38  }
0x25b: {  	v39 =	vmul.f32 v9, v8;
	_ =	sdelay $0x1  }
0x25c: {  	v11 =	vmul.f32 v9, v39;
	_ =	sdelay $0x1  }
0x25d: {  	v11 =	vsub.f32 $1.500000000e+00, v11;
	_ =	sdelay $0x1  }
0x25e: {  	v9 =	vmul.f32 v9, v11;
	_ =	sdelay $0x1  }
0x25f: {  	v11 =	vmul.f32 v9, v8;
	_ =	sdelay $0x1  }
0x260: {  	v11 =	vmul.f32 v11, v9;
	_ =	sdelay $0x1  }
0x261: {  	v11 =	vsub.f32 $1.500000000e+00, v11;
	_ =	sdelay $0x1  }
0x262: {  	v9 =	vmul.f32 v11, v9;
	_ =	sdelay $0x1  }
0x263: {  	v8 =	vmul.f32 v9, v8  }
0x264: {  	v40 =	vld [tilespmem:$0x1A0]  }
0x265: {  	v8 =	vmul.f32 v8, v9;
	_ =	sdelay $0x1  }
0x266: {  	v10 =	vld.idx.msk [tilespmem:v10+s14+$0x0], $0xffff;
	v8 =	vsub.f32 $1.500000000e+00, v8;
	_ =	sdelay $0x1  }
0x267: {  	v41 =	vand.u32 $0x7F, v40;
	v8 =	vmul.f32 v8, v9  }
0x268: {  	v9 =	vor.u32 v2, v41  }
0x269: {  	v8 =	vmin.f32 v8, $1.000000000e+00  }
0x26a: {  	v8 =	vmul.f32 v8, v10;
	_ =	sdelay $0x1  }
0x26b: {  	[tilespmem:$0x10590] =	vst v8  }
0x26c: {  	v8 =	vld.idx.msk [tilespmem:v9+s15+$0x0], $0xffff;
	_ =	sdelay $0x4  }
0x26d: {  	v42 =	vshrl.u32 v8, $0x1;
	v8 =	vmul.f32 $5.000000000e-01, v8  }
0x26e: {  	v10 =	vsub.s32 $0x5F3759DF, v42  }
0x26f: {  	v43 =	vmul.f32 v10, v8;
	_ =	sdelay $0x1  }
0x270: {  	v11 =	vmul.f32 v10, v43;
	_ =	sdelay $0x1  }
0x271: {  	v11 =	vsub.f32 $1.500000000e+00, v11;
	_ =	sdelay $0x1  }
0x272: {  	v10 =	vmul.f32 v10, v11;
	_ =	sdelay $0x1  }
0x273: {  	v11 =	vmul.f32 v10, v8;
	_ =	sdelay $0x1  }
0x274: {  	v11 =	vmul.f32 v11, v10;
	_ =	sdelay $0x1  }
0x275: {  	v11 =	vsub.f32 $1.500000000e+00, v11;
	_ =	sdelay $0x1  }
0x276: {  	v10 =	vmul.f32 v11, v10;
	_ =	sdelay $0x1  }
0x277: {  	v8 =	vmul.f32 v10, v8  }
0x278: {  	v44 =	vld [tilespmem:$0x1B0]  }
0x279: {  	v8 =	vmul.f32 v8, v10;
	_ =	sdelay $0x1  }
0x27a: {  	v9 =	vld.idx.msk [tilespmem:v9+s14+$0x0], $0xffff;
	v8 =	vsub.f32 $1.500000000e+00, v8;
	_ =	sdelay $0x1  }
0x27b: {  	v45 =	vand.u32 $0x7F, v44;
	v8 =	vmul.f32 v8, v10  }
0x27c: {  	v10 =	vor.u32 v3, v45  }
0x27d: {  	v8 =	vmin.f32 v8, $1.000000000e+00  }
0x27e: {  	v8 =	vmul.f32 v8, v9;
	_ =	sdelay $0x1  }
0x27f: {  	[tilespmem:$0x105A0] =	vst v8  }
0x280: {  	v8 =	vld.idx.msk [tilespmem:v10+s15+$0x0], $0xffff;
	_ =	sdelay $0x4  }
0x281: {  	v46 =	vshrl.u32 v8, $0x1;
	v8 =	vmul.f32 $5.000000000e-01, v8  }
0x282: {  	v9 =	vsub.s32 $0x5F3759DF, v46  }
0x283: {  	v47 =	vmul.f32 v9, v8;
	_ =	sdelay $0x1  }
0x284: {  	v11 =	vmul.f32 v9, v47;
	_ =	sdelay $0x1  }
0x285: {  	v11 =	vsub.f32 $1.500000000e+00, v11;
	_ =	sdelay $0x1  }
0x286: {  	v9 =	vmul.f32 v9, v11;
	_ =	sdelay $0x1  }
0x287: {  	v11 =	vmul.f32 v9, v8;
	_ =	sdelay $0x1  }
0x288: {  	v11 =	vmul.f32 v11, v9;
	_ =	sdelay $0x1  }
0x289: {  	v11 =	vsub.f32 $1.500000000e+00, v11;
	_ =	sdelay $0x1  }
0x28a: {  	v9 =	vmul.f32 v11, v9;
	_ =	sdelay $0x1  }
0x28b: {  	v8 =	vmul.f32 v9, v8  }
0x28c: {  	v48 =	vld [tilespmem:$0x1C0]  }
0x28d: {  	v8 =	vmul.f32 v8, v9;
	_ =	sdelay $0x1  }
0x28e: {  	v10 =	vld.idx.msk [tilespmem:v10+s14+$0x0], $0xffff;
	v8 =	vsub.f32 $1.500000000e+00, v8;
	_ =	sdelay $0x1  }
0x28f: {  	v49 =	vand.u32 $0x7F, v48;
	v8 =	vmul.f32 v8, v9  }
0x290: {  	v9 =	vor.u32 v4, v49  }
0x291: {  	v8 =	vmin.f32 v8, $1.000000000e+00  }
0x292: {  	v8 =	vmul.f32 v8, v10;
	_ =	sdelay $0x1  }
0x293: {  	[tilespmem:$0x105B0] =	vst v8  }
0x294: {  	v8 =	vld.idx.msk [tilespmem:v9+s15+$0x0], $0xffff;
	_ =	sdelay $0x4  }
0x295: {  	v50 =	vshrl.u32 v8, $0x1;
	v8 =	vmul.f32 $5.000000000e-01, v8  }
0x296: {  	v10 =	vsub.s32 $0x5F3759DF, v50  }
0x297: {  	v51 =	vmul.f32 v10, v8;
	_ =	sdelay $0x1  }
0x298: {  	v11 =	vmul.f32 v10, v51;
	_ =	sdelay $0x1  }
0x299: {  	v11 =	vsub.f32 $1.500000000e+00, v11;
	_ =	sdelay $0x1  }
0x29a: {  	v10 =	vmul.f32 v10, v11;
	_ =	sdelay $0x1  }
0x29b: {  	v11 =	vmul.f32 v10, v8;
	_ =	sdelay $0x1  }
0x29c: {  	v11 =	vmul.f32 v11, v10;
	_ =	sdelay $0x1  }
0x29d: {  	v11 =	vsub.f32 $1.500000000e+00, v11;
	_ =	sdelay $0x1  }
0x29e: {  	v10 =	vmul.f32 v11, v10;
	_ =	sdelay $0x1  }
0x29f: {  	v8 =	vmul.f32 v10, v8  }
0x2a0: {  	v52 =	vld [tilespmem:$0x1D0]  }
0x2a1: {  	v8 =	vmul.f32 v8, v10;
	_ =	sdelay $0x1  }
0x2a2: {  	v9 =	vld.idx.msk [tilespmem:v9+s14+$0x0], $0xffff;
	v8 =	vsub.f32 $1.500000000e+00, v8;
	_ =	sdelay $0x1  }
0x2a3: {  	v53 =	vand.u32 $0x7F, v52;
	v8 =	vmul.f32 v8, v10  }
0x2a4: {  	v10 =	vor.u32 v5, v53  }
0x2a5: {  	v8 =	vmin.f32 v8, $1.000000000e+00  }
0x2a6: {  	v8 =	vmul.f32 v8, v9;
	_ =	sdelay $0x1  }
0x2a7: {  	[tilespmem:$0x105C0] =	vst v8  }
0x2a8: {  	v8 =	vld.idx.msk [tilespmem:v10+s15+$0x0], $0xffff;
	_ =	sdelay $0x4  }
0x2a9: {  	v54 =	vshrl.u32 v8, $0x1;
	v8 =	vmul.f32 $5.000000000e-01, v8  }
0x2aa: {  	v9 =	vsub.s32 $0x5F3759DF, v54  }
0x2ab: {  	v55 =	vmul.f32 v9, v8;
	_ =	sdelay $0x1  }
0x2ac: {  	v11 =	vmul.f32 v9, v55;
	_ =	sdelay $0x1  }
0x2ad: {  	v11 =	vsub.f32 $1.500000000e+00, v11;
	_ =	sdelay $0x1  }
0x2ae: {  	v9 =	vmul.f32 v9, v11;
	_ =	sdelay $0x1  }
0x2af: {  	v11 =	vmul.f32 v9, v8;
	_ =	sdelay $0x1  }
0x2b0: {  	v11 =	vmul.f32 v11, v9;
	_ =	sdelay $0x1  }
0x2b1: {  	v11 =	vsub.f32 $1.500000000e+00, v11;
	_ =	sdelay $0x1  }
0x2b2: {  	v9 =	vmul.f32 v11, v9;
	_ =	sdelay $0x1  }
0x2b3: {  	v8 =	vmul.f32 v9, v8  }
0x2b4: {  	v56 =	vld [tilespmem:$0x1E0]  }
0x2b5: {  	v8 =	vmul.f32 v8, v9;
	_ =	sdelay $0x1  }
0x2b6: {  	v10 =	vld.idx.msk [tilespmem:v10+s14+$0x0], $0xffff;
	v8 =	vsub.f32 $1.500000000e+00, v8;
	_ =	sdelay $0x1  }
0x2b7: {  	v57 =	vand.u32 $0x7F, v56;
	v8 =	vmul.f32 v8, v9  }
0x2b8: {  	v9 =	vor.u32 v6, v57  }
0x2b9: {  	v8 =	vmin.f32 v8, $1.000000000e+00  }
0x2ba: {  	v8 =	vmul.f32 v8, v10;
	_ =	sdelay $0x1  }
0x2bb: {  	[tilespmem:$0x105D0] =	vst v8  }
0x2bc: {  	v8 =	vld.idx.msk [tilespmem:v9+s15+$0x0], $0xffff;
	_ =	sdelay $0x4  }
0x2bd: {  	v58 =	vshrl.u32 v8, $0x1;
	v8 =	vmul.f32 $5.000000000e-01, v8  }
0x2be: {  	v10 =	vsub.s32 $0x5F3759DF, v58  }
0x2bf: {  	v59 =	vmul.f32 v10, v8;
	_ =	sdelay $0x1  }
0x2c0: {  	v11 =	vmul.f32 v10, v59;
	_ =	sdelay $0x1  }
0x2c1: {  	v11 =	vsub.f32 $1.500000000e+00, v11;
	_ =	sdelay $0x1  }
0x2c2: {  	v10 =	vmul.f32 v10, v11;
	_ =	sdelay $0x1  }
0x2c3: {  	v11 =	vmul.f32 v10, v8;
	_ =	sdelay $0x1  }
0x2c4: {  	v11 =	vmul.f32 v11, v10;
	_ =	sdelay $0x1  }
0x2c5: {  	v11 =	vsub.f32 $1.500000000e+00, v11;
	_ =	sdelay $0x1  }
0x2c6: {  	v10 =	vmul.f32 v11, v10;
	_ =	sdelay $0x1  }
0x2c7: {  	v8 =	vmul.f32 v10, v8  }
0x2c8: {  	v60 =	vld [tilespmem:$0x1F0]  }
0x2c9: {  	v8 =	vmul.f32 v8, v10;
	_ =	sdelay $0x1  }
0x2ca: {  	v9 =	vld.idx.msk [tilespmem:v9+s14+$0x0], $0xffff;
	v8 =	vsub.f32 $1.500000000e+00, v8;
	_ =	sdelay $0x1  }
0x2cb: {  	v61 =	vand.u32 $0x7F, v60;
	v8 =	vmul.f32 v8, v10  }
0x2cc: {  	v10 =	vor.u32 v7, v61  }
0x2cd: {  	v8 =	vmin.f32 v8, $1.000000000e+00  }
0x2ce: {  	v8 =	vmul.f32 v8, v9;
	_ =	sdelay $0x1  }
0x2cf: {  	[tilespmem:$0x105E0] =	vst v8  }
0x2d0: {  	v8 =	vld.idx.msk [tilespmem:v10+s15+$0x0], $0xffff;
	_ =	sdelay $0x4  }
0x2d1: {  	v62 =	vshrl.u32 v8, $0x1;
	v8 =	vmul.f32 $5.000000000e-01, v8  }
0x2d2: {  	v9 =	vsub.s32 $0x5F3759DF, v62  }
0x2d3: {  	v63 =	vmul.f32 v9, v8;
	_ =	sdelay $0x1  }
0x2d4: {  	v11 =	vmul.f32 v9, v63;
	_ =	sdelay $0x1  }
0x2d5: {  	v11 =	vsub.f32 $1.500000000e+00, v11;
	_ =	sdelay $0x1  }
0x2d6: {  	v9 =	vmul.f32 v9, v11;
	_ =	sdelay $0x1  }
0x2d7: {  	v11 =	vmul.f32 v9, v8;
	_ =	sdelay $0x1  }
0x2d8: {  	v11 =	vmul.f32 v11, v9;
	_ =	sdelay $0x1  }
0x2d9: {  	v11 =	vsub.f32 $1.500000000e+00, v11;
	_ =	sdelay $0x1  }
0x2da: {  	v9 =	vmul.f32 v11, v9;
	_ =	sdelay $0x1  }
0x2db: {  	v8 =	vmul.f32 v9, v8;
	_ =	sdelay $0x1  }
0x2dc: {  	v8 =	vmul.f32 v8, v9;
	_ =	sdelay $0x1  }
0x2dd: {  	v10 =	vld.idx.msk [tilespmem:v10+s14+$0x0], $0xffff;
	v8 =	vsub.f32 $1.500000000e+00, v8;
	_ =	sdelay $0x1  }
0x2de: {  	v8 =	vmul.f32 v8, v9;
	_ =	sdelay $0x1  }
0x2df: {  	v8 =	vmin.f32 v8, $1.000000000e+00  }
0x2e0: {  	v8 =	vmul.f32 v8, v10  }
0x2e1: {  	p0 =	sne.s32 s7, $0x1  }
.Ltmp0:
0x2e2: {  	[tilespmem:$0x105F0] =	vst v8;
	(pc) =	sbr.rel @p0 .LBB2_1-.Ltmp0, $4  }
0x2e3: {  	[hbm4b:s6+s2] =	stream.linear.scatter [tilespmem:s20], [sflag:$0x3], $0x200, $0x38;
	[tilespmem:$0x10600] =	vst v63  }
0x2e4: {  	_ =	swait.ge [sflag:s8], $0x200  }
0x2e5: {  	[sflag:s8] =	ssyncset.done $0x0  }
0x2e6: {  	s7 =	sadd.s32 $0xFFFFFFFF, s7;
	[sflag:s8] =	ssyncadd.s32 $0xFFFFFE00  }
0x2e7: {  	_ =	sfence.sel $0x180000  }
0x2e8: {  	[bflag:$0x0] =	sbarrier.arrive $0xFFFF  }
0x2e9: {  	p0 =	sne.s32 s1, $0x0;
	_ =	strace $0x90000047  }
0x2ea: {  	s0 =	sadd.s32 @!p0 $0x100000, s0;
	[bflag:$0x2] =	sbarrier.arrive $0xFFFF  }
0x2eb: {  	[sflag:s0] =	ssyncadd.tile.s32 @!p0 $0x1;
	_ =	shalt  }
.Lfunc_end2:
_tile_overlayer_lowered:
.L_overlay_start_2:
0x2ec: {  	(tag) =	ssettag $0x2  }
0x2ed: {  	s0 =	rddreg [dreg:$0x0];
	s2 =	stileid.u32  }
0x2ee: {  	s1 =	rddreg [dreg:$0x1];
	p0 =	sne.s32 s2, $0x0  }
0x2ef: {  	s3 =	rddreg [dreg:$0x2];
	[bflag:$0x3] =	sbarrier.arrive $0xFFFF;
	s2 =	simm.s32 @!p0 $0x1C03  }
0x2f0: {  	[timem:s3], [sflag:s2] =	dma.local @!p0 [hbm:s0], s1  }
0x2f1: {  	s0 =	simm.s32 @!p0 $0x3  }
0x2f2: {  	_ =	swait.ge @!p0 [sflag:s0], s1  }
0x2f3: {  	s1 =	ssub.s32 @!p0 $0x0, s1;
	[sflag:s0] =	ssyncset.done @!p0 $0x0  }
0x2f4: {  	[sflag:s0] =	ssyncadd.s32 @!p0 s1  }
0x2f5: {  	[bflag:$0x3] =	sbarrier.arrive $0xFFFF  }
0x2f6: {  	_ =	shalt  }

</sc_bundles>
